<compile_context>
chip_gen: v7x
topology: tpu7x:2x2x1
jax: 0.10.2.dev20260603
libtpu: 0.0.44.dev20260713+nightly
codegen_flags: <defaults>
</compile_context>

<pallas_src>
import functools

import jax
import jax.numpy as jnp
from jax import lax
from jax.experimental import pallas as pl
from jax.experimental.pallas import tpu as pltpu
from jax.experimental.pallas import tpu_sc as plsc

_LANE = 128
_J = 4
_GRP = _J * _LANE


@functools.partial(jax.jit, static_argnums=(2, 3, 4))
def _gather_call(xt3, pe, t_dim, d_dim, b_dim):
    info = plsc.get_sparse_core_info()
    nw = info.num_cores * info.num_subcores
    nb128 = b_dim // _LANE
    n_groups = t_dim * nb128 // _J
    gpw = n_groups // nw
    qpt = nb128 // _J
    d8 = d_dim // 8

    mesh = plsc.VectorSubcoreMesh(core_axis_name="c", subcore_axis_name="s")

    @functools.partial(
        pl.kernel,
        mesh=mesh,
        out_type=jax.ShapeDtypeStruct((t_dim, d8, nb128, 8, _LANE), jnp.float32),
        scratch_types=[
            pltpu.VMEM((2, _J, _LANE), jnp.int32),
            pltpu.VMEM((2, _GRP, d_dim), jnp.float32),
            pltpu.VMEM((2, d8, _J + 1, 8, _LANE + 5), jnp.float32),
            pltpu.SemaphoreType.DMA,
            pltpu.SemaphoreType.DMA,
            pltpu.SemaphoreType.DMA,
            pltpu.SemaphoreType.DMA,
            pltpu.SemaphoreType.DMA,
            pltpu.SemaphoreType.DMA,
        ],
        compiler_params=pltpu.CompilerParams(
            use_tc_tiling_on_sc=False, needs_layout_passes=False
        ),
    )
    def k(xt_hbm, tab_hbm, out_hbm, idx_v, g_v, gt_v, gs0, gs1, is0, is1, ss0, ss1):
        gsem = (gs0, gs1)
        isem = (is0, is1)
        ssem = (ss0, ss1)
        wid = lax.axis_index("s") * info.num_cores + lax.axis_index("c")
        g0 = wid * gpw

        def tq(i):
            gid = g0 + i
            return gid // qpt, gid % qpt

        def stage_idx(i, bb):
            t, q = tq(i)
            return pltpu.async_copy(
                xt_hbm.at[t, pl.ds(q * _J, _J)], idx_v.at[bb], isem[bb]
            )

        def fire_gathers(i, bb):
            return [
                pltpu.async_copy(
                    tab_hbm.at[idx_v.at[bb, j]],
                    g_v.at[bb, pl.ds(j * _LANE, _LANE)],
                    gsem[bb],
                )
                for j in range(_J)
            ]

        def gt_slice(bb):
            return gt_v.at[bb, :, pl.ds(0, _J), :, pl.ds(0, _LANE)]

        def fire_store(i, bb):
            t, q = tq(i)
            return pltpu.async_copy(
                gt_slice(bb), out_hbm.at[t, :, pl.ds(q * _J, _J)], ssem[bb]
            )

        stage_idx(0, 0).wait()
        fire_gathers(0, 0)
        stage_idx(1, 1)

        iota = lax.iota(jnp.int32, 16)
        dt01 = iota // 8
        dt23 = dt01 + 2
        dr_vec = iota % 8

        def transpose_group(bb):
            for j in range(_J):
                jv = jnp.full((16,), j, jnp.int32)

                @plsc.parallel_loop(0, _LANE, unroll=8)
                def rbody(br):
                    row = g_v.at[bb, j * _LANE + br]
                    v0 = row[pl.ds(0, 16)]
                    v1 = row[pl.ds(16, 16)]
                    brv = jnp.full((16,), br, jnp.int32)
                    plsc.store_scatter(gt_v.at[bb], [dt01, jv, dr_vec, brv], v0)
                    plsc.store_scatter(gt_v.at[bb], [dt23, jv, dr_vec, brv], v1)

        def body(i2, carry):
            for bb in range(2):
                i = i2 * 2 + bb
                b1 = 1 - bb

                @pl.when(i + 1 < gpw)
                def _():
                    pltpu.make_async_copy(
                        xt_hbm.at[0, pl.ds(0, _J)], idx_v.at[b1], isem[b1]
                    ).wait()
                    fire_gathers(i + 1, b1)

                for j in range(_J):
                    pltpu.make_async_copy(
                        tab_hbm.at[idx_v.at[bb, j]],
                        g_v.at[bb, pl.ds(j * _LANE, _LANE)],
                        gsem[bb],
                    ).wait()

                @pl.when(i + 2 < gpw)
                def _():
                    stage_idx(i + 2, bb)

                @pl.when(i >= 2)
                def _():
                    pltpu.make_async_copy(
                        gt_slice(bb), out_hbm.at[0, :, pl.ds(0, _J)], ssem[bb]
                    ).wait()

                transpose_group(bb)
                fire_store(i, bb)
            return carry

        lax.fori_loop(0, gpw // 2, body, 0)

        for bb in range(2):
            pltpu.make_async_copy(
                gt_slice(bb), out_hbm.at[0, :, pl.ds(0, _J)], ssem[bb]
            ).wait()

    return k(xt3, pe)


def kernel(x, pe):
    b, t = x.shape
    v, d = pe.shape
    tab4 = jnp.pad(pe, ((0, 0), (0, 128 - d))).reshape(v * (128 // d), d)
    xt3 = (x.T.astype(jnp.int32) * (128 // d)).reshape(t, b // _LANE, _LANE)
    po = _gather_call(xt3, tab4, t, d, b)
    a = jnp.transpose(po, (0, 1, 3, 2, 4))
    bb = a.reshape(t, d, b)
    return jnp.transpose(bb, (2, 0, 1))

# --- scband reference (transcript-rebuilt; emitter-appended) ---
"""Pipeline reference for scband-time-embedding-31233002177248 (READ-ONLY COPY).

The authoritative reference and input builder live on the scoring server;
editing this copy changes nothing except your own understanding.
"""

import math
import jax, jax.numpy as jnp
import numpy as np


def positional_embedding_matrix(n_tokens, d_out):
    assert d_out % 2 == 0
    position = np.arange(n_tokens, dtype=np.float64)[:, None]
    div_term = np.exp(np.arange(0, d_out, 2, dtype=np.float64) * (-math.log(10000.0) / d_out))
    pe = np.zeros((n_tokens, d_out), dtype=np.float32)
    pe[:, 0::2] = np.sin(position * div_term).astype(np.float32)
    pe[:, 1::2] = np.cos(position * div_term).astype(np.float32)
    return jnp.asarray(pe)


def setup_inputs(seed: int = 0):
    key = jax.random.key(seed)
    max_T = 100000
    d_output = 32
    x = jax.random.randint(key, (4096, 200), 0, max_T, dtype=jnp.int64)
    pe = positional_embedding_matrix(max_T, d_output)
    return {"x": x, "pe": pe}


def reference(x, pe):
    # TimeEmbedding.forward: gather rows of the sinusoidal table by index
    return jnp.take(pe, x, axis=0)

if __name__ == "__main__":
    import jax
    _d = setup_inputs()
    print(jax.jit(kernel)(*tuple(_d.values())))

</pallas_src>

<mosaic_0001>
#map = affine_map<(d0, d1) -> (0, 0, 0)>
#map1 = affine_map<(d0, d1) -> (0, 0)>
#map2 = affine_map<(d0, d1) -> (0, 0, 0, 0, 0)>
module attributes {stable_mosaic.version = 14 : i64} {
  func.func @k(%arg0: i32, %arg1: i32, %arg2: memref<200x32x128xi32, #tpu.memory_space<hbm>>, %arg3: memref<400000x32xf32, #tpu.memory_space<hbm>>, %arg4: memref<200x4x32x8x128xf32, #tpu.memory_space<hbm>>, %arg5: memref<2x4x128xi32, #tpu.memory_space<vmem>>, %arg6: memref<2x512x32xf32, #tpu.memory_space<vmem>>, %arg7: memref<2x4x5x8x133xf32, #tpu.memory_space<vmem>>, %arg8: memref<!tpu.dma_semaphore, #tpu.memory_space<semaphore_mem>>, %arg9: memref<!tpu.dma_semaphore, #tpu.memory_space<semaphore_mem>>, %arg10: memref<!tpu.dma_semaphore, #tpu.memory_space<semaphore_mem>>, %arg11: memref<!tpu.dma_semaphore, #tpu.memory_space<semaphore_mem>>, %arg12: memref<!tpu.dma_semaphore, #tpu.memory_space<semaphore_mem>>, %arg13: memref<!tpu.dma_semaphore, #tpu.memory_space<semaphore_mem>>) attributes {dimension_semantics = [#tpu.dimension_semantics<core_parallel>, #tpu.dimension_semantics<subcore_parallel>], iteration_bounds = array<i64: 2, 16>, scalar_prefetch = 0 : i64, scratch_operands = 9 : i64, tpu.core_type = #tpu.core_type<sc_vector_subcore>, window_params = [{transform_indices = #map}, {transform_indices = #map1}, {transform_indices = #map2}]} {
    %mul3A = arith.constant 2 : i32
    %mul3A_0 = arith.muli %arg1, %mul3A : i32
    %add3A = arith.addi %mul3A_0, %arg0 : i32
    %mul3A_1 = arith.constant 50 : i32
    %mul3A_2 = arith.muli %add3A, %mul3A_1 : i32
    %add3A_3 = arith.constant 0 : i32
    %add3A_4 = arith.addi %mul3A_2, %add3A_3 : i32
    %jit3A = arith.constant 8 : i32
    %div3A = arith.divsi %add3A_4, %jit3A : i32
    %sign3A = arith.constant 0 : i32
    %sign3A_5 = arith.cmpi sgt, %add3A_4, %sign3A : i32
    %sign3A_6 = arith.extui %sign3A_5 : i1 to i32
    %sign3A_7 = arith.constant 0 : i32
    %sign3A_8 = arith.cmpi slt, %add3A_4, %sign3A_7 : i32
    %sign3A_9 = arith.extui %sign3A_8 : i1 to i32
    %sign3A_10 = arith.subi %sign3A_6, %sign3A_9 : i32
    %sign3A_11 = arith.constant 0 : i32
    %sign3A_12 = arith.cmpi sgt, %jit3A, %sign3A_11 : i32
    %sign3A_13 = arith.extui %sign3A_12 : i1 to i32
    %sign3A_14 = arith.constant 0 : i32
    %sign3A_15 = arith.cmpi slt, %jit3A, %sign3A_14 : i32
    %sign3A_16 = arith.extui %sign3A_15 : i1 to i32
    %sign3A_17 = arith.subi %sign3A_13, %sign3A_16 : i32
    %ne3A = arith.cmpi ne, %sign3A_10, %sign3A_17 : i32
    %rem3A = arith.remsi %add3A_4, %jit3A : i32
    %ne3A_18 = arith.constant 0 : i32
    %ne3A_19 = arith.cmpi ne, %rem3A, %ne3A_18 : i32
    %and3A = arith.andi %ne3A, %ne3A_19 : i1
    %sub3A = arith.constant 1 : i32
    %sub3A_20 = arith.subi %div3A, %sub3A : i32
    %select_n3A = arith.select %and3A, %sub3A_20, %div3A : i32
    %jit3A_21 = arith.constant 8 : i32
    %eq3A = arith.constant 0 : i32
    %eq3A_22 = arith.cmpi eq, %jit3A_21, %eq3A : i32
    %jit3A_23 = arith.constant 1 : i32
    %select_n3A_24 = arith.select %eq3A_22, %jit3A_23, %jit3A_21 : i32
    %rem3A_25 = arith.remsi %add3A_4, %select_n3A_24 : i32
    %ne3A_26 = arith.constant 0 : i32
    %ne3A_27 = arith.cmpi ne, %rem3A_25, %ne3A_26 : i32
    %lt3A = arith.constant 0 : i32
    %lt3A_28 = arith.cmpi slt, %rem3A_25, %lt3A : i32
    %lt3A_29 = arith.constant 0 : i32
    %lt3A_30 = arith.cmpi slt, %select_n3A_24, %lt3A_29 : i32
    %ne3A_31 = arith.xori %lt3A_28, %lt3A_30 : i1
    %and3A_32 = arith.andi %ne3A_31, %ne3A_27 : i1
    %add3A_33 = arith.addi %rem3A_25, %select_n3A_24 : i32
    %select_n3A_34 = arith.select %and3A_32, %add3A_33, %rem3A_25 : i32
    %mul3A_35 = arith.constant 4 : i32
    %mul3A_36 = arith.muli %select_n3A_34, %mul3A_35 : i32
    %dma_start3A = arith.constant 0 : i32
    %dma_start3A_37 = arith.constant 0 : i32
    %dma_start3A_38 = arith.constant 0 : i32
    %dma_start3A_39 = tpu.memref_slice %arg5[%dma_start3A, %dma_start3A_37, %dma_start3A_38] : memref<2x4x128xi32, #tpu.memory_space<vmem>> -> memref<1x4x128xi32, #tpu.memory_space<vmem>>
    %dma_start3A_40 = tpu.memref_squeeze %dma_start3A_39 : memref<1x4x128xi32, #tpu.memory_space<vmem>> -> memref<4x128xi32, #tpu.memory_space<vmem>>
    %dma_start3A_41 = arith.constant 0 : i32
    %dma_start3A_42 = tpu.memref_slice %arg2[%select_n3A, %mul3A_36, %dma_start3A_41] : memref<200x32x128xi32, #tpu.memory_space<hbm>> -> memref<1x4x128xi32, #tpu.memory_space<hbm>>
    %dma_start3A_43 = tpu.memref_squeeze %dma_start3A_42 : memref<1x4x128xi32, #tpu.memory_space<hbm>> -> memref<4x128xi32, #tpu.memory_space<hbm>>
    %dma_start3A_44 = arith.constant 0 : i32
    %dma_start3A_45 = arith.constant 0 : i32
    %dma_start3A_46 = tpu.memref_slice %arg5[%dma_start3A, %dma_start3A_44, %dma_start3A_45] : memref<2x4x128xi32, #tpu.memory_space<vmem>> -> memref<1x4x128xi32, #tpu.memory_space<vmem>>
    %dma_start3A_47 = tpu.memref_squeeze %dma_start3A_46 : memref<1x4x128xi32, #tpu.memory_space<vmem>> -> memref<4x128xi32, #tpu.memory_space<vmem>>
    %dma_start3A_48 = arith.constant 0 : i32
    %dma_start3A_49 = tpu.memref_slice %arg2[%select_n3A, %mul3A_36, %dma_start3A_48] : memref<200x32x128xi32, #tpu.memory_space<hbm>> -> memref<1x4x128xi32, #tpu.memory_space<hbm>>
    %dma_start3A_50 = tpu.memref_squeeze %dma_start3A_49 : memref<1x4x128xi32, #tpu.memory_space<hbm>> -> memref<4x128xi32, #tpu.memory_space<hbm>>
    tpu.enqueue_dma source(%dma_start3A_50 : memref<4x128xi32, #tpu.memory_space<hbm>>) target(%dma_start3A_47 : memref<4x128xi32, #tpu.memory_space<vmem>>) target_semaphore(%arg10 : memref<!tpu.dma_semaphore, #tpu.memory_space<semaphore_mem>>)
    %dma_wait3A = arith.constant 0 : i32
    %dma_wait3A_51 = arith.constant 0 : i32
    %dma_wait3A_52 = arith.constant 0 : i32
    %dma_wait3A_53 = tpu.memref_slice %arg5[%dma_wait3A, %dma_wait3A_51, %dma_wait3A_52] : memref<2x4x128xi32, #tpu.memory_space<vmem>> -> memref<1x4x128xi32, #tpu.memory_space<vmem>>
    %dma_wait3A_54 = tpu.memref_squeeze %dma_wait3A_53 : memref<1x4x128xi32, #tpu.memory_space<vmem>> -> memref<4x128xi32, #tpu.memory_space<vmem>>
    %dma_wait3A_55 = arith.constant 0 : i32
    %dma_wait3A_56 = tpu.memref_slice %arg2[%select_n3A, %mul3A_36, %dma_wait3A_55] : memref<200x32x128xi32, #tpu.memory_space<hbm>> -> memref<1x4x128xi32, #tpu.memory_space<hbm>>
    %dma_wait3A_57 = tpu.memref_squeeze %dma_wait3A_56 : memref<1x4x128xi32, #tpu.memory_space<hbm>> -> memref<4x128xi32, #tpu.memory_space<hbm>>
    %dma_wait3A_58 = arith.constant 0 : i32
    %dma_wait3A_59 = arith.constant 0 : i32
    %dma_wait3A_60 = tpu.memref_slice %arg5[%dma_wait3A, %dma_wait3A_58, %dma_wait3A_59] : memref<2x4x128xi32, #tpu.memory_space<vmem>> -> memref<1x4x128xi32, #tpu.memory_space<vmem>>
    %dma_wait3A_61 = tpu.memref_squeeze %dma_wait3A_60 : memref<1x4x128xi32, #tpu.memory_space<vmem>> -> memref<4x128xi32, #tpu.memory_space<vmem>>
    %dma_wait3A_62 = arith.constant 0 : i32
    %dma_wait3A_63 = tpu.memref_slice %arg2[%select_n3A, %mul3A_36, %dma_wait3A_62] : memref<200x32x128xi32, #tpu.memory_space<hbm>> -> memref<1x4x128xi32, #tpu.memory_space<hbm>>
    %dma_wait3A_64 = tpu.memref_squeeze %dma_wait3A_63 : memref<1x4x128xi32, #tpu.memory_space<hbm>> -> memref<4x128xi32, #tpu.memory_space<hbm>>
    tpu.wait_dma2 semaphore(%arg10 : memref<!tpu.dma_semaphore, #tpu.memory_space<semaphore_mem>>) src(%dma_wait3A_64 : memref<4x128xi32, #tpu.memory_space<hbm>>) dst(%dma_wait3A_61 : memref<4x128xi32, #tpu.memory_space<vmem>>)
    %dma_start3A_65 = arith.constant 0 : i32
    %dma_start3A_66 = arith.constant 0 : i32
    %dma_start3A_67 = arith.constant 0 : i32
    %dma_start3A_68 = arith.constant 0 : i32
    %dma_start3A_69 = arith.constant 0 : i32
    %dma_start3A_70 = tpu.memref_slice %arg6[%dma_start3A_67, %dma_start3A_68, %dma_start3A_69] : memref<2x512x32xf32, #tpu.memory_space<vmem>> -> memref<1x128x32xf32, #tpu.memory_space<vmem>>
    %dma_start3A_71 = tpu.memref_squeeze %dma_start3A_70 : memref<1x128x32xf32, #tpu.memory_space<vmem>> -> memref<128x32xf32, #tpu.memory_space<vmem>>
    %dma_start3A_72 = arith.constant 0 : i32
    %dma_start3A_73 = tpu.memref_slice %arg5[%dma_start3A_65, %dma_start3A_66, %dma_start3A_72] : memref<2x4x128xi32, #tpu.memory_space<vmem>> -> memref<1x1x128xi32, #tpu.memory_space<vmem>>
    %dma_start3A_74 = tpu.memref_squeeze %dma_start3A_73 : memref<1x1x128xi32, #tpu.memory_space<vmem>> -> memref<128xi32, #tpu.memory_space<vmem>>
    %dma_start3A_75 = arith.constant 0 : i32
    %dma_start3A_76 = arith.constant 0 : i32
    %dma_start3A_77 = tpu.memref_slice %arg3[%dma_start3A_75, %dma_start3A_76] : memref<400000x32xf32, #tpu.memory_space<hbm>> -> memref<400000x32xf32, #tpu.memory_space<hbm>>
    tpu.enqueue_indirect_dma source(%dma_start3A_77 : memref<400000x32xf32, #tpu.memory_space<hbm>>) target(%dma_start3A_71 : memref<128x32xf32, #tpu.memory_space<vmem>>) offsets(%dma_start3A_74 : memref<128xi32, #tpu.memory_space<vmem>>) semaphore(%arg8 : memref<!tpu.dma_semaphore, #tpu.memory_space<semaphore_mem>>)
    %dma_start3A_78 = arith.constant 0 : i32
    %dma_start3A_79 = arith.constant 1 : i32
    %dma_start3A_80 = arith.constant 0 : i32
    %dma_start3A_81 = arith.constant 128 : i32
    %dma_start3A_82 = arith.constant 0 : i32
    %dma_start3A_83 = tpu.memref_slice %arg6[%dma_start3A_80, %dma_start3A_81, %dma_start3A_82] : memref<2x512x32xf32, #tpu.memory_space<vmem>> -> memref<1x128x32xf32, #tpu.memory_space<vmem>>
    %dma_start3A_84 = tpu.memref_squeeze %dma_start3A_83 : memref<1x128x32xf32, #tpu.memory_space<vmem>> -> memref<128x32xf32, #tpu.memory_space<vmem>>
    %dma_start3A_85 = arith.constant 0 : i32
    %dma_start3A_86 = tpu.memref_slice %arg5[%dma_start3A_78, %dma_start3A_79, %dma_start3A_85] : memref<2x4x128xi32, #tpu.memory_space<vmem>> -> memref<1x1x128xi32, #tpu.memory_space<vmem>>
    %dma_start3A_87 = tpu.memref_squeeze %dma_start3A_86 : memref<1x1x128xi32, #tpu.memory_space<vmem>> -> memref<128xi32, #tpu.memory_space<vmem>>
    %dma_start3A_88 = arith.constant 0 : i32
    %dma_start3A_89 = arith.constant 0 : i32
    %dma_start3A_90 = tpu.memref_slice %arg3[%dma_start3A_88, %dma_start3A_89] : memref<400000x32xf32, #tpu.memory_space<hbm>> -> memref<400000x32xf32, #tpu.memory_space<hbm>>
    tpu.enqueue_indirect_dma source(%dma_start3A_90 : memref<400000x32xf32, #tpu.memory_space<hbm>>) target(%dma_start3A_84 : memref<128x32xf32, #tpu.memory_space<vmem>>) offsets(%dma_start3A_87 : memref<128xi32, #tpu.memory_space<vmem>>) semaphore(%arg8 : memref<!tpu.dma_semaphore, #tpu.memory_space<semaphore_mem>>)
    %dma_start3A_91 = arith.constant 0 : i32
    %dma_start3A_92 = arith.constant 2 : i32
    %dma_start3A_93 = arith.constant 0 : i32
    %dma_start3A_94 = arith.constant 256 : i32
    %dma_start3A_95 = arith.constant 0 : i32
    %dma_start3A_96 = tpu.memref_slice %arg6[%dma_start3A_93, %dma_start3A_94, %dma_start3A_95] : memref<2x512x32xf32, #tpu.memory_space<vmem>> -> memref<1x128x32xf32, #tpu.memory_space<vmem>>
    %dma_start3A_97 = tpu.memref_squeeze %dma_start3A_96 : memref<1x128x32xf32, #tpu.memory_space<vmem>> -> memref<128x32xf32, #tpu.memory_space<vmem>>
    %dma_start3A_98 = arith.constant 0 : i32
    %dma_start3A_99 = tpu.memref_slice %arg5[%dma_start3A_91, %dma_start3A_92, %dma_start3A_98] : memref<2x4x128xi32, #tpu.memory_space<vmem>> -> memref<1x1x128xi32, #tpu.memory_space<vmem>>
    %dma_start3A_100 = tpu.memref_squeeze %dma_start3A_99 : memref<1x1x128xi32, #tpu.memory_space<vmem>> -> memref<128xi32, #tpu.memory_space<vmem>>
    %dma_start3A_101 = arith.constant 0 : i32
    %dma_start3A_102 = arith.constant 0 : i32
    %dma_start3A_103 = tpu.memref_slice %arg3[%dma_start3A_101, %dma_start3A_102] : memref<400000x32xf32, #tpu.memory_space<hbm>> -> memref<400000x32xf32, #tpu.memory_space<hbm>>
    tpu.enqueue_indirect_dma source(%dma_start3A_103 : memref<400000x32xf32, #tpu.memory_space<hbm>>) target(%dma_start3A_97 : memref<128x32xf32, #tpu.memory_space<vmem>>) offsets(%dma_start3A_100 : memref<128xi32, #tpu.memory_space<vmem>>) semaphore(%arg8 : memref<!tpu.dma_semaphore, #tpu.memory_space<semaphore_mem>>)
    %dma_start3A_104 = arith.constant 0 : i32
    %dma_start3A_105 = arith.constant 3 : i32
    %dma_start3A_106 = arith.constant 0 : i32
    %dma_start3A_107 = arith.constant 384 : i32
    %dma_start3A_108 = arith.constant 0 : i32
    %dma_start3A_109 = tpu.memref_slice %arg6[%dma_start3A_106, %dma_start3A_107, %dma_start3A_108] : memref<2x512x32xf32, #tpu.memory_space<vmem>> -> memref<1x128x32xf32, #tpu.memory_space<vmem>>
    %dma_start3A_110 = tpu.memref_squeeze %dma_start3A_109 : memref<1x128x32xf32, #tpu.memory_space<vmem>> -> memref<128x32xf32, #tpu.memory_space<vmem>>
    %dma_start3A_111 = arith.constant 0 : i32
    %dma_start3A_112 = tpu.memref_slice %arg5[%dma_start3A_104, %dma_start3A_105, %dma_start3A_111] : memref<2x4x128xi32, #tpu.memory_space<vmem>> -> memref<1x1x128xi32, #tpu.memory_space<vmem>>
    %dma_start3A_113 = tpu.memref_squeeze %dma_start3A_112 : memref<1x1x128xi32, #tpu.memory_space<vmem>> -> memref<128xi32, #tpu.memory_space<vmem>>
    %dma_start3A_114 = arith.constant 0 : i32
    %dma_start3A_115 = arith.constant 0 : i32
    %dma_start3A_116 = tpu.memref_slice %arg3[%dma_start3A_114, %dma_start3A_115] : memref<400000x32xf32, #tpu.memory_space<hbm>> -> memref<400000x32xf32, #tpu.memory_space<hbm>>
    tpu.enqueue_indirect_dma source(%dma_start3A_116 : memref<400000x32xf32, #tpu.memory_space<hbm>>) target(%dma_start3A_110 : memref<128x32xf32, #tpu.memory_space<vmem>>) offsets(%dma_start3A_113 : memref<128xi32, #tpu.memory_space<vmem>>) semaphore(%arg8 : memref<!tpu.dma_semaphore, #tpu.memory_space<semaphore_mem>>)
    %add3A_117 = arith.constant 1 : i32
    %add3A_118 = arith.addi %mul3A_2, %add3A_117 : i32
    %jit3A_119 = arith.constant 8 : i32
    %div3A_120 = arith.divsi %add3A_118, %jit3A_119 : i32
    %sign3A_121 = arith.constant 0 : i32
    %sign3A_122 = arith.cmpi sgt, %add3A_118, %sign3A_121 : i32
    %sign3A_123 = arith.extui %sign3A_122 : i1 to i32
    %sign3A_124 = arith.constant 0 : i32
    %sign3A_125 = arith.cmpi slt, %add3A_118, %sign3A_124 : i32
    %sign3A_126 = arith.extui %sign3A_125 : i1 to i32
    %sign3A_127 = arith.subi %sign3A_123, %sign3A_126 : i32
    %sign3A_128 = arith.constant 0 : i32
    %sign3A_129 = arith.cmpi sgt, %jit3A_119, %sign3A_128 : i32
    %sign3A_130 = arith.extui %sign3A_129 : i1 to i32
    %sign3A_131 = arith.constant 0 : i32
    %sign3A_132 = arith.cmpi slt, %jit3A_119, %sign3A_131 : i32
    %sign3A_133 = arith.extui %sign3A_132 : i1 to i32
    %sign3A_134 = arith.subi %sign3A_130, %sign3A_133 : i32
    %ne3A_135 = arith.cmpi ne, %sign3A_127, %sign3A_134 : i32
    %rem3A_136 = arith.remsi %add3A_118, %jit3A_119 : i32
    %ne3A_137 = arith.constant 0 : i32
    %ne3A_138 = arith.cmpi ne, %rem3A_136, %ne3A_137 : i32
    %and3A_139 = arith.andi %ne3A_135, %ne3A_138 : i1
    %sub3A_140 = arith.constant 1 : i32
    %sub3A_141 = arith.subi %div3A_120, %sub3A_140 : i32
    %select_n3A_142 = arith.select %and3A_139, %sub3A_141, %div3A_120 : i32
    %jit3A_143 = arith.constant 8 : i32
    %eq3A_144 = arith.constant 0 : i32
    %eq3A_145 = arith.cmpi eq, %jit3A_143, %eq3A_144 : i32
    %jit3A_146 = arith.constant 1 : i32
    %select_n3A_147 = arith.select %eq3A_145, %jit3A_146, %jit3A_143 : i32
    %rem3A_148 = arith.remsi %add3A_118, %select_n3A_147 : i32
    %ne3A_149 = arith.constant 0 : i32
    %ne3A_150 = arith.cmpi ne, %rem3A_148, %ne3A_149 : i32
    %lt3A_151 = arith.constant 0 : i32
    %lt3A_152 = arith.cmpi slt, %rem3A_148, %lt3A_151 : i32
    %lt3A_153 = arith.constant 0 : i32
    %lt3A_154 = arith.cmpi slt, %select_n3A_147, %lt3A_153 : i32
    %ne3A_155 = arith.xori %lt3A_152, %lt3A_154 : i1
    %and3A_156 = arith.andi %ne3A_155, %ne3A_150 : i1
    %add3A_157 = arith.addi %rem3A_148, %select_n3A_147 : i32
    %select_n3A_158 = arith.select %and3A_156, %add3A_157, %rem3A_148 : i32
    %mul3A_159 = arith.constant 4 : i32
    %mul3A_160 = arith.muli %select_n3A_158, %mul3A_159 : i32
    %dma_start3A_161 = arith.constant 1 : i32
    %dma_start3A_162 = arith.constant 0 : i32
    %dma_start3A_163 = arith.constant 0 : i32
    %dma_start3A_164 = tpu.memref_slice %arg5[%dma_start3A_161, %dma_start3A_162, %dma_start3A_163] : memref<2x4x128xi32, #tpu.memory_space<vmem>> -> memref<1x4x128xi32, #tpu.memory_space<vmem>>
    %dma_start3A_165 = tpu.memref_squeeze %dma_start3A_164 : memref<1x4x128xi32, #tpu.memory_space<vmem>> -> memref<4x128xi32, #tpu.memory_space<vmem>>
    %dma_start3A_166 = arith.constant 0 : i32
    %dma_start3A_167 = tpu.memref_slice %arg2[%select_n3A_142, %mul3A_160, %dma_start3A_166] : memref<200x32x128xi32, #tpu.memory_space<hbm>> -> memref<1x4x128xi32, #tpu.memory_space<hbm>>
    %dma_start3A_168 = tpu.memref_squeeze %dma_start3A_167 : memref<1x4x128xi32, #tpu.memory_space<hbm>> -> memref<4x128xi32, #tpu.memory_space<hbm>>
    %dma_start3A_169 = arith.constant 0 : i32
    %dma_start3A_170 = arith.constant 0 : i32
    %dma_start3A_171 = tpu.memref_slice %arg5[%dma_start3A_161, %dma_start3A_169, %dma_start3A_170] : memref<2x4x128xi32, #tpu.memory_space<vmem>> -> memref<1x4x128xi32, #tpu.memory_space<vmem>>
    %dma_start3A_172 = tpu.memref_squeeze %dma_start3A_171 : memref<1x4x128xi32, #tpu.memory_space<vmem>> -> memref<4x128xi32, #tpu.memory_space<vmem>>
    %dma_start3A_173 = arith.constant 0 : i32
    %dma_start3A_174 = tpu.memref_slice %arg2[%select_n3A_142, %mul3A_160, %dma_start3A_173] : memref<200x32x128xi32, #tpu.memory_space<hbm>> -> memref<1x4x128xi32, #tpu.memory_space<hbm>>
    %dma_start3A_175 = tpu.memref_squeeze %dma_start3A_174 : memref<1x4x128xi32, #tpu.memory_space<hbm>> -> memref<4x128xi32, #tpu.memory_space<hbm>>
    tpu.enqueue_dma source(%dma_start3A_175 : memref<4x128xi32, #tpu.memory_space<hbm>>) target(%dma_start3A_172 : memref<4x128xi32, #tpu.memory_space<vmem>>) target_semaphore(%arg11 : memref<!tpu.dma_semaphore, #tpu.memory_space<semaphore_mem>>)
    %iota3A = tpu.iota {dimensions = array<i32: 0>} : vector<16xi32>
    %jit3A_176 = arith.constant 8 : i32
    %div3A_177 = vector.broadcast %jit3A_176 : i32 to vector<16xi32>
    %div3A_178 = arith.divsi %iota3A, %div3A_177 : vector<16xi32>
    %sign3A_179 = arith.constant 0 : i32
    %sign3A_180 = vector.broadcast %sign3A_179 : i32 to vector<16xi32>
    %sign3A_181 = arith.cmpi sgt, %iota3A, %sign3A_180 : vector<16xi32>
    %sign3A_182 = arith.extui %sign3A_181 : vector<16xi1> to vector<16xi32>
    %sign3A_183 = arith.constant 0 : i32
    %sign3A_184 = vector.broadcast %sign3A_183 : i32 to vector<16xi32>
    %sign3A_185 = arith.cmpi slt, %iota3A, %sign3A_184 : vector<16xi32>
    %sign3A_186 = arith.extui %sign3A_185 : vector<16xi1> to vector<16xi32>
    %sign3A_187 = arith.subi %sign3A_182, %sign3A_186 : vector<16xi32>
    %sign3A_188 = arith.constant 0 : i32
    %sign3A_189 = arith.cmpi sgt, %jit3A_176, %sign3A_188 : i32
    %sign3A_190 = arith.extui %sign3A_189 : i1 to i32
    %sign3A_191 = arith.constant 0 : i32
    %sign3A_192 = arith.cmpi slt, %jit3A_176, %sign3A_191 : i32
    %sign3A_193 = arith.extui %sign3A_192 : i1 to i32
    %sign3A_194 = arith.subi %sign3A_190, %sign3A_193 : i32
    %ne3A_195 = vector.broadcast %sign3A_194 : i32 to vector<16xi32>
    %ne3A_196 = arith.cmpi ne, %sign3A_187, %ne3A_195 : vector<16xi32>
    %rem3A_197 = vector.broadcast %jit3A_176 : i32 to vector<16xi32>
    %rem3A_198 = arith.remsi %iota3A, %rem3A_197 : vector<16xi32>
    %ne3A_199 = arith.constant 0 : i32
    %ne3A_200 = vector.broadcast %ne3A_199 : i32 to vector<16xi32>
    %ne3A_201 = arith.cmpi ne, %rem3A_198, %ne3A_200 : vector<16xi32>
    %and3A_202 = arith.andi %ne3A_196, %ne3A_201 : vector<16xi1>
    %sub3A_203 = arith.constant 1 : i32
    %sub3A_204 = vector.broadcast %sub3A_203 : i32 to vector<16xi32>
    %sub3A_205 = arith.subi %div3A_178, %sub3A_204 : vector<16xi32>
    %select_n3A_206 = arith.select %and3A_202, %sub3A_205, %div3A_178 : vector<16xi1>, vector<16xi32>
    %add3A_207 = arith.constant 2 : i32
    %add3A_208 = vector.broadcast %add3A_207 : i32 to vector<16xi32>
    %add3A_209 = arith.addi %select_n3A_206, %add3A_208 : vector<16xi32>
    %jit3A_210 = arith.constant 8 : i32
    %eq3A_211 = arith.constant 0 : i32
    %eq3A_212 = arith.cmpi eq, %jit3A_210, %eq3A_211 : i32
    %jit3A_213 = arith.constant 1 : i32
    %select_n3A_214 = arith.select %eq3A_212, %jit3A_213, %jit3A_210 : i32
    %rem3A_215 = vector.broadcast %select_n3A_214 : i32 to vector<16xi32>
    %rem3A_216 = arith.remsi %iota3A, %rem3A_215 : vector<16xi32>
    %ne3A_217 = arith.constant 0 : i32
    %ne3A_218 = vector.broadcast %ne3A_217 : i32 to vector<16xi32>
    %ne3A_219 = arith.cmpi ne, %rem3A_216, %ne3A_218 : vector<16xi32>
    %lt3A_220 = arith.constant 0 : i32
    %lt3A_221 = vector.broadcast %lt3A_220 : i32 to vector<16xi32>
    %lt3A_222 = arith.cmpi slt, %rem3A_216, %lt3A_221 : vector<16xi32>
    %lt3A_223 = arith.constant 0 : i32
    %lt3A_224 = arith.cmpi slt, %select_n3A_214, %lt3A_223 : i32
    %ne3A_225 = vector.broadcast %lt3A_224 : i1 to vector<16xi1>
    %ne3A_226 = vector.broadcast %ne3A_225 : vector<16xi1> to vector<16xi1>
    %ne3A_227 = arith.xori %lt3A_222, %ne3A_226 : vector<16xi1>
    %and3A_228 = arith.andi %ne3A_227, %ne3A_219 : vector<16xi1>
    %add3A_229 = vector.broadcast %select_n3A_214 : i32 to vector<16xi32>
    %add3A_230 = arith.addi %rem3A_216, %add3A_229 : vector<16xi32>
    %select_n3A_231 = arith.select %and3A_228, %add3A_230, %rem3A_216 : vector<16xi1>, vector<16xi32>
    %scan3A = arith.constant 0 : i32
    %scan3A_232 = arith.constant 0 : i32
    %scan3A_233 = arith.constant 25 : i32
    %scan3A_234 = arith.addi %scan3A_232, %scan3A_233 : i32
    %scan3A_235 = arith.constant 1 : i32
    scf.for %scan3A_289 = %scan3A_232 to %scan3A_234 step %scan3A_235  : i32 {
      %mul3A_290 = arith.constant 2 : i32
      %mul3A_291 = arith.muli %scan3A_289, %mul3A_290 : i32
      %add3A_292 = arith.constant 0 : i32
      %add3A_293 = arith.addi %mul3A_291, %add3A_292 : i32
      %add3A_294 = arith.constant 1 : i32
      %add3A_295 = arith.addi %add3A_293, %add3A_294 : i32
      %lt3A_296 = arith.constant 50 : i32
      %lt3A_297 = arith.cmpi slt, %add3A_295, %lt3A_296 : i32
      %convert_element_type3A = arith.extui %lt3A_297 : i1 to i32
      %cond3A = arith.constant 0 : i32
      %cond3A_298 = arith.cmpi ne, %convert_element_type3A, %cond3A : i32
      scf.if %cond3A_298 {
        %dma_wait3A_607 = arith.constant 0 : i32
        %dma_wait3A_608 = arith.constant 1 : i32
        %dma_wait3A_609 = arith.constant 0 : i32
        %dma_wait3A_610 = arith.constant 0 : i32
        %dma_wait3A_611 = tpu.memref_slice %arg5[%dma_wait3A_608, %dma_wait3A_609, %dma_wait3A_610] : memref<2x4x128xi32, #tpu.memory_space<vmem>> -> memref<1x4x128xi32, #tpu.memory_space<vmem>>
        %dma_wait3A_612 = tpu.memref_squeeze %dma_wait3A_611 : memref<1x4x128xi32, #tpu.memory_space<vmem>> -> memref<4x128xi32, #tpu.memory_space<vmem>>
        %dma_wait3A_613 = arith.constant 0 : i32
        %dma_wait3A_614 = arith.constant 0 : i32
        %dma_wait3A_615 = tpu.memref_slice %arg2[%dma_wait3A_607, %dma_wait3A_613, %dma_wait3A_614] : memref<200x32x128xi32, #tpu.memory_space<hbm>> -> memref<1x4x128xi32, #tpu.memory_space<hbm>>
        %dma_wait3A_616 = tpu.memref_squeeze %dma_wait3A_615 : memref<1x4x128xi32, #tpu.memory_space<hbm>> -> memref<4x128xi32, #tpu.memory_space<hbm>>
        %dma_wait3A_617 = arith.constant 0 : i32
        %dma_wait3A_618 = arith.constant 0 : i32
        %dma_wait3A_619 = tpu.memref_slice %arg5[%dma_wait3A_608, %dma_wait3A_617, %dma_wait3A_618] : memref<2x4x128xi32, #tpu.memory_space<vmem>> -> memref<1x4x128xi32, #tpu.memory_space<vmem>>
        %dma_wait3A_620 = tpu.memref_squeeze %dma_wait3A_619 : memref<1x4x128xi32, #tpu.memory_space<vmem>> -> memref<4x128xi32, #tpu.memory_space<vmem>>
        %dma_wait3A_621 = arith.constant 0 : i32
        %dma_wait3A_622 = arith.constant 0 : i32
        %dma_wait3A_623 = tpu.memref_slice %arg2[%dma_wait3A_607, %dma_wait3A_621, %dma_wait3A_622] : memref<200x32x128xi32, #tpu.memory_space<hbm>> -> memref<1x4x128xi32, #tpu.memory_space<hbm>>
        %dma_wait3A_624 = tpu.memref_squeeze %dma_wait3A_623 : memref<1x4x128xi32, #tpu.memory_space<hbm>> -> memref<4x128xi32, #tpu.memory_space<hbm>>
        tpu.wait_dma2 semaphore(%arg11 : memref<!tpu.dma_semaphore, #tpu.memory_space<semaphore_mem>>) src(%dma_wait3A_624 : memref<4x128xi32, #tpu.memory_space<hbm>>) dst(%dma_wait3A_620 : memref<4x128xi32, #tpu.memory_space<vmem>>)
        %add3A_625 = arith.constant 1 : i32
        %add3A_626 = arith.addi %add3A_293, %add3A_625 : i32
        %dma_start3A_627 = arith.constant 1 : i32
        %dma_start3A_628 = arith.constant 0 : i32
        %dma_start3A_629 = arith.constant 1 : i32
        %dma_start3A_630 = arith.constant 0 : i32
        %dma_start3A_631 = arith.constant 0 : i32
        %dma_start3A_632 = tpu.memref_slice %arg6[%dma_start3A_629, %dma_start3A_630, %dma_start3A_631] : memref<2x512x32xf32, #tpu.memory_space<vmem>> -> memref<1x128x32xf32, #tpu.memory_space<vmem>>
        %dma_start3A_633 = tpu.memref_squeeze %dma_start3A_632 : memref<1x128x32xf32, #tpu.memory_space<vmem>> -> memref<128x32xf32, #tpu.memory_space<vmem>>
        %dma_start3A_634 = arith.constant 0 : i32
        %dma_start3A_635 = tpu.memref_slice %arg5[%dma_start3A_627, %dma_start3A_628, %dma_start3A_634] : memref<2x4x128xi32, #tpu.memory_space<vmem>> -> memref<1x1x128xi32, #tpu.memory_space<vmem>>
        %dma_start3A_636 = tpu.memref_squeeze %dma_start3A_635 : memref<1x1x128xi32, #tpu.memory_space<vmem>> -> memref<128xi32, #tpu.memory_space<vmem>>
        %dma_start3A_637 = arith.constant 0 : i32
        %dma_start3A_638 = arith.constant 0 : i32
        %dma_start3A_639 = tpu.memref_slice %arg3[%dma_start3A_637, %dma_start3A_638] : memref<400000x32xf32, #tpu.memory_space<hbm>> -> memref<400000x32xf32, #tpu.memory_space<hbm>>
        tpu.enqueue_indirect_dma source(%dma_start3A_639 : memref<400000x32xf32, #tpu.memory_space<hbm>>) target(%dma_start3A_633 : memref<128x32xf32, #tpu.memory_space<vmem>>) offsets(%dma_start3A_636 : memref<128xi32, #tpu.memory_space<vmem>>) semaphore(%arg9 : memref<!tpu.dma_semaphore, #tpu.memory_space<semaphore_mem>>)
        %dma_start3A_640 = arith.constant 1 : i32
        %dma_start3A_641 = arith.constant 1 : i32
        %dma_start3A_642 = arith.constant 1 : i32
        %dma_start3A_643 = arith.constant 128 : i32
        %dma_start3A_644 = arith.constant 0 : i32
        %dma_start3A_645 = tpu.memref_slice %arg6[%dma_start3A_642, %dma_start3A_643, %dma_start3A_644] : memref<2x512x32xf32, #tpu.memory_space<vmem>> -> memref<1x128x32xf32, #tpu.memory_space<vmem>>
        %dma_start3A_646 = tpu.memref_squeeze %dma_start3A_645 : memref<1x128x32xf32, #tpu.memory_space<vmem>> -> memref<128x32xf32, #tpu.memory_space<vmem>>
        %dma_start3A_647 = arith.constant 0 : i32
        %dma_start3A_648 = tpu.memref_slice %arg5[%dma_start3A_640, %dma_start3A_641, %dma_start3A_647] : memref<2x4x128xi32, #tpu.memory_space<vmem>> -> memref<1x1x128xi32, #tpu.memory_space<vmem>>
        %dma_start3A_649 = tpu.memref_squeeze %dma_start3A_648 : memref<1x1x128xi32, #tpu.memory_space<vmem>> -> memref<128xi32, #tpu.memory_space<vmem>>
        %dma_start3A_650 = arith.constant 0 : i32
        %dma_start3A_651 = arith.constant 0 : i32
        %dma_start3A_652 = tpu.memref_slice %arg3[%dma_start3A_650, %dma_start3A_651] : memref<400000x32xf32, #tpu.memory_space<hbm>> -> memref<400000x32xf32, #tpu.memory_space<hbm>>
        tpu.enqueue_indirect_dma source(%dma_start3A_652 : memref<400000x32xf32, #tpu.memory_space<hbm>>) target(%dma_start3A_646 : memref<128x32xf32, #tpu.memory_space<vmem>>) offsets(%dma_start3A_649 : memref<128xi32, #tpu.memory_space<vmem>>) semaphore(%arg9 : memref<!tpu.dma_semaphore, #tpu.memory_space<semaphore_mem>>)
        %dma_start3A_653 = arith.constant 1 : i32
        %dma_start3A_654 = arith.constant 2 : i32
        %dma_start3A_655 = arith.constant 1 : i32
        %dma_start3A_656 = arith.constant 256 : i32
        %dma_start3A_657 = arith.constant 0 : i32
        %dma_start3A_658 = tpu.memref_slice %arg6[%dma_start3A_655, %dma_start3A_656, %dma_start3A_657] : memref<2x512x32xf32, #tpu.memory_space<vmem>> -> memref<1x128x32xf32, #tpu.memory_space<vmem>>
        %dma_start3A_659 = tpu.memref_squeeze %dma_start3A_658 : memref<1x128x32xf32, #tpu.memory_space<vmem>> -> memref<128x32xf32, #tpu.memory_space<vmem>>
        %dma_start3A_660 = arith.constant 0 : i32
        %dma_start3A_661 = tpu.memref_slice %arg5[%dma_start3A_653, %dma_start3A_654, %dma_start3A_660] : memref<2x4x128xi32, #tpu.memory_space<vmem>> -> memref<1x1x128xi32, #tpu.memory_space<vmem>>
        %dma_start3A_662 = tpu.memref_squeeze %dma_start3A_661 : memref<1x1x128xi32, #tpu.memory_space<vmem>> -> memref<128xi32, #tpu.memory_space<vmem>>
        %dma_start3A_663 = arith.constant 0 : i32
        %dma_start3A_664 = arith.constant 0 : i32
        %dma_start3A_665 = tpu.memref_slice %arg3[%dma_start3A_663, %dma_start3A_664] : memref<400000x32xf32, #tpu.memory_space<hbm>> -> memref<400000x32xf32, #tpu.memory_space<hbm>>
        tpu.enqueue_indirect_dma source(%dma_start3A_665 : memref<400000x32xf32, #tpu.memory_space<hbm>>) target(%dma_start3A_659 : memref<128x32xf32, #tpu.memory_space<vmem>>) offsets(%dma_start3A_662 : memref<128xi32, #tpu.memory_space<vmem>>) semaphore(%arg9 : memref<!tpu.dma_semaphore, #tpu.memory_space<semaphore_mem>>)
        %dma_start3A_666 = arith.constant 1 : i32
        %dma_start3A_667 = arith.constant 3 : i32
        %dma_start3A_668 = arith.constant 1 : i32
        %dma_start3A_669 = arith.constant 384 : i32
        %dma_start3A_670 = arith.constant 0 : i32
        %dma_start3A_671 = tpu.memref_slice %arg6[%dma_start3A_668, %dma_start3A_669, %dma_start3A_670] : memref<2x512x32xf32, #tpu.memory_space<vmem>> -> memref<1x128x32xf32, #tpu.memory_space<vmem>>
        %dma_start3A_672 = tpu.memref_squeeze %dma_start3A_671 : memref<1x128x32xf32, #tpu.memory_space<vmem>> -> memref<128x32xf32, #tpu.memory_space<vmem>>
        %dma_start3A_673 = arith.constant 0 : i32
        %dma_start3A_674 = tpu.memref_slice %arg5[%dma_start3A_666, %dma_start3A_667, %dma_start3A_673] : memref<2x4x128xi32, #tpu.memory_space<vmem>> -> memref<1x1x128xi32, #tpu.memory_space<vmem>>
        %dma_start3A_675 = tpu.memref_squeeze %dma_start3A_674 : memref<1x1x128xi32, #tpu.memory_space<vmem>> -> memref<128xi32, #tpu.memory_space<vmem>>
        %dma_start3A_676 = arith.constant 0 : i32
        %dma_start3A_677 = arith.constant 0 : i32
        %dma_start3A_678 = tpu.memref_slice %arg3[%dma_start3A_676, %dma_start3A_677] : memref<400000x32xf32, #tpu.memory_space<hbm>> -> memref<400000x32xf32, #tpu.memory_space<hbm>>
        tpu.enqueue_indirect_dma source(%dma_start3A_678 : memref<400000x32xf32, #tpu.memory_space<hbm>>) target(%dma_start3A_672 : memref<128x32xf32, #tpu.memory_space<vmem>>) offsets(%dma_start3A_675 : memref<128xi32, #tpu.memory_space<vmem>>) semaphore(%arg9 : memref<!tpu.dma_semaphore, #tpu.memory_space<semaphore_mem>>)
      } else {
      }
      %dma_wait3A_299 = arith.constant 0 : i32
      %dma_wait3A_300 = arith.constant 0 : i32
      %dma_wait3A_301 = arith.constant 0 : i32
      %dma_wait3A_302 = arith.constant 0 : i32
      %dma_wait3A_303 = arith.constant 0 : i32
      %dma_wait3A_304 = tpu.memref_slice %arg6[%dma_wait3A_301, %dma_wait3A_302, %dma_wait3A_303] : memref<2x512x32xf32, #tpu.memory_space<vmem>> -> memref<1x128x32xf32, #tpu.memory_space<vmem>>
      %dma_wait3A_305 = tpu.memref_squeeze %dma_wait3A_304 : memref<1x128x32xf32, #tpu.memory_space<vmem>> -> memref<128x32xf32, #tpu.memory_space<vmem>>
      %dma_wait3A_306 = arith.constant 0 : i32
      %dma_wait3A_307 = tpu.memref_slice %arg5[%dma_wait3A_299, %dma_wait3A_300, %dma_wait3A_306] : memref<2x4x128xi32, #tpu.memory_space<vmem>> -> memref<1x1x128xi32, #tpu.memory_space<vmem>>
      %dma_wait3A_308 = tpu.memref_squeeze %dma_wait3A_307 : memref<1x1x128xi32, #tpu.memory_space<vmem>> -> memref<128xi32, #tpu.memory_space<vmem>>
      %dma_wait3A_309 = arith.constant 0 : i32
      %dma_wait3A_310 = arith.constant 0 : i32
      %dma_wait3A_311 = tpu.memref_slice %arg3[%dma_wait3A_309, %dma_wait3A_310] : memref<400000x32xf32, #tpu.memory_space<hbm>> -> memref<400000x32xf32, #tpu.memory_space<hbm>>
      tpu.wait_indirect_dma semaphore(%arg8 : memref<!tpu.dma_semaphore, #tpu.memory_space<semaphore_mem>>) src(%dma_wait3A_311 : memref<400000x32xf32, #tpu.memory_space<hbm>>) dst(%dma_wait3A_305 : memref<128x32xf32, #tpu.memory_space<vmem>>)
      %dma_wait3A_312 = arith.constant 0 : i32
      %dma_wait3A_313 = arith.constant 1 : i32
      %dma_wait3A_314 = arith.constant 0 : i32
      %dma_wait3A_315 = arith.constant 128 : i32
      %dma_wait3A_316 = arith.constant 0 : i32
      %dma_wait3A_317 = tpu.memref_slice %arg6[%dma_wait3A_314, %dma_wait3A_315, %dma_wait3A_316] : memref<2x512x32xf32, #tpu.memory_space<vmem>> -> memref<1x128x32xf32, #tpu.memory_space<vmem>>
      %dma_wait3A_318 = tpu.memref_squeeze %dma_wait3A_317 : memref<1x128x32xf32, #tpu.memory_space<vmem>> -> memref<128x32xf32, #tpu.memory_space<vmem>>
      %dma_wait3A_319 = arith.constant 0 : i32
      %dma_wait3A_320 = tpu.memref_slice %arg5[%dma_wait3A_312, %dma_wait3A_313, %dma_wait3A_319] : memref<2x4x128xi32, #tpu.memory_space<vmem>> -> memref<1x1x128xi32, #tpu.memory_space<vmem>>
      %dma_wait3A_321 = tpu.memref_squeeze %dma_wait3A_320 : memref<1x1x128xi32, #tpu.memory_space<vmem>> -> memref<128xi32, #tpu.memory_space<vmem>>
      %dma_wait3A_322 = arith.constant 0 : i32
      %dma_wait3A_323 = arith.constant 0 : i32
      %dma_wait3A_324 = tpu.memref_slice %arg3[%dma_wait3A_322, %dma_wait3A_323] : memref<400000x32xf32, #tpu.memory_space<hbm>> -> memref<400000x32xf32, #tpu.memory_space<hbm>>
      tpu.wait_indirect_dma semaphore(%arg8 : memref<!tpu.dma_semaphore, #tpu.memory_space<semaphore_mem>>) src(%dma_wait3A_324 : memref<400000x32xf32, #tpu.memory_space<hbm>>) dst(%dma_wait3A_318 : memref<128x32xf32, #tpu.memory_space<vmem>>)
      %dma_wait3A_325 = arith.constant 0 : i32
      %dma_wait3A_326 = arith.constant 2 : i32
      %dma_wait3A_327 = arith.constant 0 : i32
      %dma_wait3A_328 = arith.constant 256 : i32
      %dma_wait3A_329 = arith.constant 0 : i32
      %dma_wait3A_330 = tpu.memref_slice %arg6[%dma_wait3A_327, %dma_wait3A_328, %dma_wait3A_329] : memref<2x512x32xf32, #tpu.memory_space<vmem>> -> memref<1x128x32xf32, #tpu.memory_space<vmem>>
      %dma_wait3A_331 = tpu.memref_squeeze %dma_wait3A_330 : memref<1x128x32xf32, #tpu.memory_space<vmem>> -> memref<128x32xf32, #tpu.memory_space<vmem>>
      %dma_wait3A_332 = arith.constant 0 : i32
      %dma_wait3A_333 = tpu.memref_slice %arg5[%dma_wait3A_325, %dma_wait3A_326, %dma_wait3A_332] : memref<2x4x128xi32, #tpu.memory_space<vmem>> -> memref<1x1x128xi32, #tpu.memory_space<vmem>>
      %dma_wait3A_334 = tpu.memref_squeeze %dma_wait3A_333 : memref<1x1x128xi32, #tpu.memory_space<vmem>> -> memref<128xi32, #tpu.memory_space<vmem>>
      %dma_wait3A_335 = arith.constant 0 : i32
      %dma_wait3A_336 = arith.constant 0 : i32
      %dma_wait3A_337 = tpu.memref_slice %arg3[%dma_wait3A_335, %dma_wait3A_336] : memref<400000x32xf32, #tpu.memory_space<hbm>> -> memref<400000x32xf32, #tpu.memory_space<hbm>>
      tpu.wait_indirect_dma semaphore(%arg8 : memref<!tpu.dma_semaphore, #tpu.memory_space<semaphore_mem>>) src(%dma_wait3A_337 : memref<400000x32xf32, #tpu.memory_space<hbm>>) dst(%dma_wait3A_331 : memref<128x32xf32, #tpu.memory_space<vmem>>)
      %dma_wait3A_338 = arith.constant 0 : i32
      %dma_wait3A_339 = arith.constant 3 : i32
      %dma_wait3A_340 = arith.constant 0 : i32
      %dma_wait3A_341 = arith.constant 384 : i32
      %dma_wait3A_342 = arith.constant 0 : i32
      %dma_wait3A_343 = tpu.memref_slice %arg6[%dma_wait3A_340, %dma_wait3A_341, %dma_wait3A_342] : memref<2x512x32xf32, #tpu.memory_space<vmem>> -> memref<1x128x32xf32, #tpu.memory_space<vmem>>
      %dma_wait3A_344 = tpu.memref_squeeze %dma_wait3A_343 : memref<1x128x32xf32, #tpu.memory_space<vmem>> -> memref<128x32xf32, #tpu.memory_space<vmem>>
      %dma_wait3A_345 = arith.constant 0 : i32
      %dma_wait3A_346 = tpu.memref_slice %arg5[%dma_wait3A_338, %dma_wait3A_339, %dma_wait3A_345] : memref<2x4x128xi32, #tpu.memory_space<vmem>> -> memref<1x1x128xi32, #tpu.memory_space<vmem>>
      %dma_wait3A_347 = tpu.memref_squeeze %dma_wait3A_346 : memref<1x1x128xi32, #tpu.memory_space<vmem>> -> memref<128xi32, #tpu.memory_space<vmem>>
      %dma_wait3A_348 = arith.constant 0 : i32
      %dma_wait3A_349 = arith.constant 0 : i32
      %dma_wait3A_350 = tpu.memref_slice %arg3[%dma_wait3A_348, %dma_wait3A_349] : memref<400000x32xf32, #tpu.memory_space<hbm>> -> memref<400000x32xf32, #tpu.memory_space<hbm>>
      tpu.wait_indirect_dma semaphore(%arg8 : memref<!tpu.dma_semaphore, #tpu.memory_space<semaphore_mem>>) src(%dma_wait3A_350 : memref<400000x32xf32, #tpu.memory_space<hbm>>) dst(%dma_wait3A_344 : memref<128x32xf32, #tpu.memory_space<vmem>>)
      %add3A_351 = arith.constant 2 : i32
      %add3A_352 = arith.addi %add3A_293, %add3A_351 : i32
      %lt3A_353 = arith.constant 50 : i32
      %lt3A_354 = arith.cmpi slt, %add3A_352, %lt3A_353 : i32
      %convert_element_type3A_355 = arith.extui %lt3A_354 : i1 to i32
      %cond3A_356 = arith.constant 0 : i32
      %cond3A_357 = arith.cmpi ne, %convert_element_type3A_355, %cond3A_356 : i32
      scf.if %cond3A_357 {
        %add3A_607 = arith.constant 2 : i32
        %add3A_608 = arith.addi %add3A_293, %add3A_607 : i32
        %add3A_609 = arith.addi %mul3A_2, %add3A_608 : i32
        %jit3A_610 = arith.constant 8 : i32
        %div3A_611 = arith.divsi %add3A_609, %jit3A_610 : i32
        %sign3A_612 = arith.constant 0 : i32
        %sign3A_613 = arith.cmpi sgt, %add3A_609, %sign3A_612 : i32
        %sign3A_614 = arith.extui %sign3A_613 : i1 to i32
        %sign3A_615 = arith.constant 0 : i32
        %sign3A_616 = arith.cmpi slt, %add3A_609, %sign3A_615 : i32
        %sign3A_617 = arith.extui %sign3A_616 : i1 to i32
        %sign3A_618 = arith.subi %sign3A_614, %sign3A_617 : i32
        %sign3A_619 = arith.constant 0 : i32
        %sign3A_620 = arith.cmpi sgt, %jit3A_610, %sign3A_619 : i32
        %sign3A_621 = arith.extui %sign3A_620 : i1 to i32
        %sign3A_622 = arith.constant 0 : i32
        %sign3A_623 = arith.cmpi slt, %jit3A_610, %sign3A_622 : i32
        %sign3A_624 = arith.extui %sign3A_623 : i1 to i32
        %sign3A_625 = arith.subi %sign3A_621, %sign3A_624 : i32
        %ne3A_626 = arith.cmpi ne, %sign3A_618, %sign3A_625 : i32
        %rem3A_627 = arith.remsi %add3A_609, %jit3A_610 : i32
        %ne3A_628 = arith.constant 0 : i32
        %ne3A_629 = arith.cmpi ne, %rem3A_627, %ne3A_628 : i32
        %and3A_630 = arith.andi %ne3A_626, %ne3A_629 : i1
        %sub3A_631 = arith.constant 1 : i32
        %sub3A_632 = arith.subi %div3A_611, %sub3A_631 : i32
        %select_n3A_633 = arith.select %and3A_630, %sub3A_632, %div3A_611 : i32
        %jit3A_634 = arith.constant 8 : i32
        %eq3A_635 = arith.constant 0 : i32
        %eq3A_636 = arith.cmpi eq, %jit3A_634, %eq3A_635 : i32
        %jit3A_637 = arith.constant 1 : i32
        %select_n3A_638 = arith.select %eq3A_636, %jit3A_637, %jit3A_634 : i32
        %rem3A_639 = arith.remsi %add3A_609, %select_n3A_638 : i32
        %ne3A_640 = arith.constant 0 : i32
        %ne3A_641 = arith.cmpi ne, %rem3A_639, %ne3A_640 : i32
        %lt3A_642 = arith.constant 0 : i32
        %lt3A_643 = arith.cmpi slt, %rem3A_639, %lt3A_642 : i32
        %lt3A_644 = arith.constant 0 : i32
        %lt3A_645 = arith.cmpi slt, %select_n3A_638, %lt3A_644 : i32
        %ne3A_646 = arith.xori %lt3A_643, %lt3A_645 : i1
        %and3A_647 = arith.andi %ne3A_646, %ne3A_641 : i1
        %add3A_648 = arith.addi %rem3A_639, %select_n3A_638 : i32
        %select_n3A_649 = arith.select %and3A_647, %add3A_648, %rem3A_639 : i32
        %mul3A_650 = arith.constant 4 : i32
        %mul3A_651 = arith.muli %select_n3A_649, %mul3A_650 : i32
        %dma_start3A_652 = arith.constant 0 : i32
        %dma_start3A_653 = arith.constant 0 : i32
        %dma_start3A_654 = arith.constant 0 : i32
        %dma_start3A_655 = tpu.memref_slice %arg5[%dma_start3A_652, %dma_start3A_653, %dma_start3A_654] : memref<2x4x128xi32, #tpu.memory_space<vmem>> -> memref<1x4x128xi32, #tpu.memory_space<vmem>>
        %dma_start3A_656 = tpu.memref_squeeze %dma_start3A_655 : memref<1x4x128xi32, #tpu.memory_space<vmem>> -> memref<4x128xi32, #tpu.memory_space<vmem>>
        %dma_start3A_657 = arith.constant 0 : i32
        %dma_start3A_658 = tpu.memref_slice %arg2[%select_n3A_633, %mul3A_651, %dma_start3A_657] : memref<200x32x128xi32, #tpu.memory_space<hbm>> -> memref<1x4x128xi32, #tpu.memory_space<hbm>>
        %dma_start3A_659 = tpu.memref_squeeze %dma_start3A_658 : memref<1x4x128xi32, #tpu.memory_space<hbm>> -> memref<4x128xi32, #tpu.memory_space<hbm>>
        %dma_start3A_660 = arith.constant 0 : i32
        %dma_start3A_661 = arith.constant 0 : i32
        %dma_start3A_662 = tpu.memref_slice %arg5[%dma_start3A_652, %dma_start3A_660, %dma_start3A_661] : memref<2x4x128xi32, #tpu.memory_space<vmem>> -> memref<1x4x128xi32, #tpu.memory_space<vmem>>
        %dma_start3A_663 = tpu.memref_squeeze %dma_start3A_662 : memref<1x4x128xi32, #tpu.memory_space<vmem>> -> memref<4x128xi32, #tpu.memory_space<vmem>>
        %dma_start3A_664 = arith.constant 0 : i32
        %dma_start3A_665 = tpu.memref_slice %arg2[%select_n3A_633, %mul3A_651, %dma_start3A_664] : memref<200x32x128xi32, #tpu.memory_space<hbm>> -> memref<1x4x128xi32, #tpu.memory_space<hbm>>
        %dma_start3A_666 = tpu.memref_squeeze %dma_start3A_665 : memref<1x4x128xi32, #tpu.memory_space<hbm>> -> memref<4x128xi32, #tpu.memory_space<hbm>>
        tpu.enqueue_dma source(%dma_start3A_666 : memref<4x128xi32, #tpu.memory_space<hbm>>) target(%dma_start3A_663 : memref<4x128xi32, #tpu.memory_space<vmem>>) target_semaphore(%arg10 : memref<!tpu.dma_semaphore, #tpu.memory_space<semaphore_mem>>)
      } else {
      }
      %ge3A = arith.constant 2 : i32
      %ge3A_358 = arith.cmpi sge, %add3A_293, %ge3A : i32
      %convert_element_type3A_359 = arith.extui %ge3A_358 : i1 to i32
      %cond3A_360 = arith.constant 0 : i32
      %cond3A_361 = arith.cmpi ne, %convert_element_type3A_359, %cond3A_360 : i32
      scf.if %cond3A_361 {
        %dma_wait3A_607 = arith.constant 0 : i32
        %dma_wait3A_608 = arith.constant 0 : i32
        %dma_wait3A_609 = arith.constant 0 : i32
        %dma_wait3A_610 = arith.constant 0 : i32
        %dma_wait3A_611 = arith.constant 0 : i32
        %dma_wait3A_612 = arith.constant 0 : i32
        %dma_wait3A_613 = tpu.memref_slice %arg7[%dma_wait3A_607, %dma_wait3A_609, %dma_wait3A_610, %dma_wait3A_611, %dma_wait3A_612] : memref<2x4x5x8x133xf32, #tpu.memory_space<vmem>> -> memref<1x4x4x8x128xf32, #tpu.memory_space<vmem>>
        %dma_wait3A_614 = tpu.memref_squeeze %dma_wait3A_613 : memref<1x4x4x8x128xf32, #tpu.memory_space<vmem>> -> memref<4x4x8x128xf32, #tpu.memory_space<vmem>>
        %dma_wait3A_615 = arith.constant 0 : i32
        %dma_wait3A_616 = arith.constant 0 : i32
        %dma_wait3A_617 = arith.constant 0 : i32
        %dma_wait3A_618 = arith.constant 0 : i32
        %dma_wait3A_619 = tpu.memref_slice %arg4[%dma_wait3A_608, %dma_wait3A_615, %dma_wait3A_616, %dma_wait3A_617, %dma_wait3A_618] : memref<200x4x32x8x128xf32, #tpu.memory_space<hbm>> -> memref<1x4x4x8x128xf32, #tpu.memory_space<hbm>>
        %dma_wait3A_620 = tpu.memref_squeeze %dma_wait3A_619 : memref<1x4x4x8x128xf32, #tpu.memory_space<hbm>> -> memref<4x4x8x128xf32, #tpu.memory_space<hbm>>
        %dma_wait3A_621 = arith.constant 0 : i32
        %dma_wait3A_622 = arith.constant 0 : i32
        %dma_wait3A_623 = arith.constant 0 : i32
        %dma_wait3A_624 = arith.constant 0 : i32
        %dma_wait3A_625 = tpu.memref_slice %arg4[%dma_wait3A_608, %dma_wait3A_621, %dma_wait3A_622, %dma_wait3A_623, %dma_wait3A_624] : memref<200x4x32x8x128xf32, #tpu.memory_space<hbm>> -> memref<1x4x4x8x128xf32, #tpu.memory_space<hbm>>
        %dma_wait3A_626 = tpu.memref_squeeze %dma_wait3A_625 : memref<1x4x4x8x128xf32, #tpu.memory_space<hbm>> -> memref<4x4x8x128xf32, #tpu.memory_space<hbm>>
        %dma_wait3A_627 = arith.constant 0 : i32
        %dma_wait3A_628 = arith.constant 0 : i32
        %dma_wait3A_629 = arith.constant 0 : i32
        %dma_wait3A_630 = arith.constant 0 : i32
        %dma_wait3A_631 = tpu.memref_slice %arg7[%dma_wait3A_607, %dma_wait3A_627, %dma_wait3A_628, %dma_wait3A_629, %dma_wait3A_630] : memref<2x4x5x8x133xf32, #tpu.memory_space<vmem>> -> memref<1x4x4x8x128xf32, #tpu.memory_space<vmem>>
        %dma_wait3A_632 = tpu.memref_squeeze %dma_wait3A_631 : memref<1x4x4x8x128xf32, #tpu.memory_space<vmem>> -> memref<4x4x8x128xf32, #tpu.memory_space<vmem>>
        tpu.wait_dma2 semaphore(%arg12 : memref<!tpu.dma_semaphore, #tpu.memory_space<semaphore_mem>>) src(%dma_wait3A_632 : memref<4x4x8x128xf32, #tpu.memory_space<vmem>>) dst(%dma_wait3A_626 : memref<4x4x8x128xf32, #tpu.memory_space<hbm>>)
      } else {
      }
      %broadcast_in_dim3A = arith.constant 0 : i32
      %broadcast_in_dim3A_362 = vector.broadcast %broadcast_in_dim3A : i32 to vector<16xi32>
      %parallel_loop3A = arith.constant 0 : i32
      %parallel_loop3A_363 = arith.constant 128 : i32
      %parallel_loop3A_364 = arith.constant 1 : i32
      scf.for %parallel_loop3A_607 = %parallel_loop3A to %parallel_loop3A_363 step %parallel_loop3A_364  : i32 {
        %parallel_loop3A_608 = arith.constant 0 : i32
        %parallel_loop3A_609 = arith.addi %parallel_loop3A_608, %parallel_loop3A_607 : i32
        %parallel_loop3A_610 = arith.constant 0 : i32
        %parallel_loop3A_611 = arith.constant 0 : i32
        %parallel_loop3A_612 = tpu.memref_slice %arg6[%parallel_loop3A_610, %parallel_loop3A_609, %parallel_loop3A_611] : memref<2x512x32xf32, #tpu.memory_space<vmem>> -> memref<1x1x32xf32, #tpu.memory_space<vmem>>
        %parallel_loop3A_613 = tpu.memref_squeeze %parallel_loop3A_612 : memref<1x1x32xf32, #tpu.memory_space<vmem>> -> memref<32xf32, #tpu.memory_space<vmem>>
        %parallel_loop3A_614 = arith.constant 0 : index
        %parallel_loop3A_615 = tpu.vector_load %parallel_loop3A_613[%parallel_loop3A_614] {strides = array<i32>} : memref<32xf32, #tpu.memory_space<vmem>>, vector<16xf32>,
        %parallel_loop3A_616 = arith.constant 0 : i32
        %parallel_loop3A_617 = arith.constant 0 : i32
        %parallel_loop3A_618 = tpu.memref_slice %arg6[%parallel_loop3A_616, %parallel_loop3A_609, %parallel_loop3A_617] : memref<2x512x32xf32, #tpu.memory_space<vmem>> -> memref<1x1x32xf32, #tpu.memory_space<vmem>>
        %parallel_loop3A_619 = tpu.memref_squeeze %parallel_loop3A_618 : memref<1x1x32xf32, #tpu.memory_space<vmem>> -> memref<32xf32, #tpu.memory_space<vmem>>
        %parallel_loop3A_620 = arith.constant 16 : index
        %parallel_loop3A_621 = tpu.vector_load %parallel_loop3A_619[%parallel_loop3A_620] {strides = array<i32>} : memref<32xf32, #tpu.memory_space<vmem>>, vector<16xf32>,
        %parallel_loop3A_622 = vector.broadcast %parallel_loop3A_607 : i32 to vector<16xi32>
        %parallel_loop3A_623 = arith.constant 0 : i32
        %parallel_loop3A_624 = arith.constant 0 : i32
        %parallel_loop3A_625 = arith.constant 0 : i32
        %parallel_loop3A_626 = arith.constant 0 : i32
        %parallel_loop3A_627 = arith.constant 0 : i32
        %parallel_loop3A_628 = tpu.memref_slice %arg7[%parallel_loop3A_623, %parallel_loop3A_624, %parallel_loop3A_625, %parallel_loop3A_626, %parallel_loop3A_627] : memref<2x4x5x8x133xf32, #tpu.memory_space<vmem>> -> memref<1x4x5x8x133xf32, #tpu.memory_space<vmem>>
        %parallel_loop3A_629 = tpu.memref_squeeze %parallel_loop3A_628 : memref<1x4x5x8x133xf32, #tpu.memory_space<vmem>> -> memref<4x5x8x133xf32, #tpu.memory_space<vmem>>
        tpu.vector_store_idx %parallel_loop3A_629[%select_n3A_206, %broadcast_in_dim3A_362, %select_n3A_231, %parallel_loop3A_622], %parallel_loop3A_615 : memref<4x5x8x133xf32, #tpu.memory_space<vmem>>[vector<16xi32>, vector<16xi32>, vector<16xi32>, vector<16xi32>], vector<16xf32>,
        %parallel_loop3A_630 = arith.constant 0 : i32
        %parallel_loop3A_631 = arith.constant 0 : i32
        %parallel_loop3A_632 = arith.constant 0 : i32
        %parallel_loop3A_633 = arith.constant 0 : i32
        %parallel_loop3A_634 = arith.constant 0 : i32
        %parallel_loop3A_635 = tpu.memref_slice %arg7[%parallel_loop3A_630, %parallel_loop3A_631, %parallel_loop3A_632, %parallel_loop3A_633, %parallel_loop3A_634] : memref<2x4x5x8x133xf32, #tpu.memory_space<vmem>> -> memref<1x4x5x8x133xf32, #tpu.memory_space<vmem>>
        %parallel_loop3A_636 = tpu.memref_squeeze %parallel_loop3A_635 : memref<1x4x5x8x133xf32, #tpu.memory_space<vmem>> -> memref<4x5x8x133xf32, #tpu.memory_space<vmem>>
        tpu.vector_store_idx %parallel_loop3A_636[%add3A_209, %broadcast_in_dim3A_362, %select_n3A_231, %parallel_loop3A_622], %parallel_loop3A_621 : memref<4x5x8x133xf32, #tpu.memory_space<vmem>>[vector<16xi32>, vector<16xi32>, vector<16xi32>, vector<16xi32>], vector<16xf32>,
      } {sc.loop_unroll_factor = 8 : i64, sc.parallel_access}
      %broadcast_in_dim3A_365 = arith.constant 1 : i32
      %broadcast_in_dim3A_366 = vector.broadcast %broadcast_in_dim3A_365 : i32 to vector<16xi32>
      %parallel_loop3A_367 = arith.constant 0 : i32
      %parallel_loop3A_368 = arith.constant 128 : i32
      %parallel_loop3A_369 = arith.constant 1 : i32
      scf.for %parallel_loop3A_607 = %parallel_loop3A_367 to %parallel_loop3A_368 step %parallel_loop3A_369  : i32 {
        %parallel_loop3A_608 = arith.constant 128 : i32
        %parallel_loop3A_609 = arith.addi %parallel_loop3A_608, %parallel_loop3A_607 : i32
        %parallel_loop3A_610 = arith.constant 0 : i32
        %parallel_loop3A_611 = arith.constant 0 : i32
        %parallel_loop3A_612 = tpu.memref_slice %arg6[%parallel_loop3A_610, %parallel_loop3A_609, %parallel_loop3A_611] : memref<2x512x32xf32, #tpu.memory_space<vmem>> -> memref<1x1x32xf32, #tpu.memory_space<vmem>>
        %parallel_loop3A_613 = tpu.memref_squeeze %parallel_loop3A_612 : memref<1x1x32xf32, #tpu.memory_space<vmem>> -> memref<32xf32, #tpu.memory_space<vmem>>
        %parallel_loop3A_614 = arith.constant 0 : index
        %parallel_loop3A_615 = tpu.vector_load %parallel_loop3A_613[%parallel_loop3A_614] {strides = array<i32>} : memref<32xf32, #tpu.memory_space<vmem>>, vector<16xf32>,
        %parallel_loop3A_616 = arith.constant 0 : i32
        %parallel_loop3A_617 = arith.constant 0 : i32
        %parallel_loop3A_618 = tpu.memref_slice %arg6[%parallel_loop3A_616, %parallel_loop3A_609, %parallel_loop3A_617] : memref<2x512x32xf32, #tpu.memory_space<vmem>> -> memref<1x1x32xf32, #tpu.memory_space<vmem>>
        %parallel_loop3A_619 = tpu.memref_squeeze %parallel_loop3A_618 : memref<1x1x32xf32, #tpu.memory_space<vmem>> -> memref<32xf32, #tpu.memory_space<vmem>>
        %parallel_loop3A_620 = arith.constant 16 : index
        %parallel_loop3A_621 = tpu.vector_load %parallel_loop3A_619[%parallel_loop3A_620] {strides = array<i32>} : memref<32xf32, #tpu.memory_space<vmem>>, vector<16xf32>,
        %parallel_loop3A_622 = vector.broadcast %parallel_loop3A_607 : i32 to vector<16xi32>
        %parallel_loop3A_623 = arith.constant 0 : i32
        %parallel_loop3A_624 = arith.constant 0 : i32
        %parallel_loop3A_625 = arith.constant 0 : i32
        %parallel_loop3A_626 = arith.constant 0 : i32
        %parallel_loop3A_627 = arith.constant 0 : i32
        %parallel_loop3A_628 = tpu.memref_slice %arg7[%parallel_loop3A_623, %parallel_loop3A_624, %parallel_loop3A_625, %parallel_loop3A_626, %parallel_loop3A_627] : memref<2x4x5x8x133xf32, #tpu.memory_space<vmem>> -> memref<1x4x5x8x133xf32, #tpu.memory_space<vmem>>
        %parallel_loop3A_629 = tpu.memref_squeeze %parallel_loop3A_628 : memref<1x4x5x8x133xf32, #tpu.memory_space<vmem>> -> memref<4x5x8x133xf32, #tpu.memory_space<vmem>>
        tpu.vector_store_idx %parallel_loop3A_629[%select_n3A_206, %broadcast_in_dim3A_366, %select_n3A_231, %parallel_loop3A_622], %parallel_loop3A_615 : memref<4x5x8x133xf32, #tpu.memory_space<vmem>>[vector<16xi32>, vector<16xi32>, vector<16xi32>, vector<16xi32>], vector<16xf32>,
        %parallel_loop3A_630 = arith.constant 0 : i32
        %parallel_loop3A_631 = arith.constant 0 : i32
        %parallel_loop3A_632 = arith.constant 0 : i32
        %parallel_loop3A_633 = arith.constant 0 : i32
        %parallel_loop3A_634 = arith.constant 0 : i32
        %parallel_loop3A_635 = tpu.memref_slice %arg7[%parallel_loop3A_630, %parallel_loop3A_631, %parallel_loop3A_632, %parallel_loop3A_633, %parallel_loop3A_634] : memref<2x4x5x8x133xf32, #tpu.memory_space<vmem>> -> memref<1x4x5x8x133xf32, #tpu.memory_space<vmem>>
        %parallel_loop3A_636 = tpu.memref_squeeze %parallel_loop3A_635 : memref<1x4x5x8x133xf32, #tpu.memory_space<vmem>> -> memref<4x5x8x133xf32, #tpu.memory_space<vmem>>
        tpu.vector_store_idx %parallel_loop3A_636[%add3A_209, %broadcast_in_dim3A_366, %select_n3A_231, %parallel_loop3A_622], %parallel_loop3A_621 : memref<4x5x8x133xf32, #tpu.memory_space<vmem>>[vector<16xi32>, vector<16xi32>, vector<16xi32>, vector<16xi32>], vector<16xf32>,
      } {sc.loop_unroll_factor = 8 : i64, sc.parallel_access}
      %broadcast_in_dim3A_370 = arith.constant 2 : i32
      %broadcast_in_dim3A_371 = vector.broadcast %broadcast_in_dim3A_370 : i32 to vector<16xi32>
      %parallel_loop3A_372 = arith.constant 0 : i32
      %parallel_loop3A_373 = arith.constant 128 : i32
      %parallel_loop3A_374 = arith.constant 1 : i32
      scf.for %parallel_loop3A_607 = %parallel_loop3A_372 to %parallel_loop3A_373 step %parallel_loop3A_374  : i32 {
        %parallel_loop3A_608 = arith.constant 256 : i32
        %parallel_loop3A_609 = arith.addi %parallel_loop3A_608, %parallel_loop3A_607 : i32
        %parallel_loop3A_610 = arith.constant 0 : i32
        %parallel_loop3A_611 = arith.constant 0 : i32
        %parallel_loop3A_612 = tpu.memref_slice %arg6[%parallel_loop3A_610, %parallel_loop3A_609, %parallel_loop3A_611] : memref<2x512x32xf32, #tpu.memory_space<vmem>> -> memref<1x1x32xf32, #tpu.memory_space<vmem>>
        %parallel_loop3A_613 = tpu.memref_squeeze %parallel_loop3A_612 : memref<1x1x32xf32, #tpu.memory_space<vmem>> -> memref<32xf32, #tpu.memory_space<vmem>>
        %parallel_loop3A_614 = arith.constant 0 : index
        %parallel_loop3A_615 = tpu.vector_load %parallel_loop3A_613[%parallel_loop3A_614] {strides = array<i32>} : memref<32xf32, #tpu.memory_space<vmem>>, vector<16xf32>,
        %parallel_loop3A_616 = arith.constant 0 : i32
        %parallel_loop3A_617 = arith.constant 0 : i32
        %parallel_loop3A_618 = tpu.memref_slice %arg6[%parallel_loop3A_616, %parallel_loop3A_609, %parallel_loop3A_617] : memref<2x512x32xf32, #tpu.memory_space<vmem>> -> memref<1x1x32xf32, #tpu.memory_space<vmem>>
        %parallel_loop3A_619 = tpu.memref_squeeze %parallel_loop3A_618 : memref<1x1x32xf32, #tpu.memory_space<vmem>> -> memref<32xf32, #tpu.memory_space<vmem>>
        %parallel_loop3A_620 = arith.constant 16 : index
        %parallel_loop3A_621 = tpu.vector_load %parallel_loop3A_619[%parallel_loop3A_620] {strides = array<i32>} : memref<32xf32, #tpu.memory_space<vmem>>, vector<16xf32>,
        %parallel_loop3A_622 = vector.broadcast %parallel_loop3A_607 : i32 to vector<16xi32>
        %parallel_loop3A_623 = arith.constant 0 : i32
        %parallel_loop3A_624 = arith.constant 0 : i32
        %parallel_loop3A_625 = arith.constant 0 : i32
        %parallel_loop3A_626 = arith.constant 0 : i32
        %parallel_loop3A_627 = arith.constant 0 : i32
        %parallel_loop3A_628 = tpu.memref_slice %arg7[%parallel_loop3A_623, %parallel_loop3A_624, %parallel_loop3A_625, %parallel_loop3A_626, %parallel_loop3A_627] : memref<2x4x5x8x133xf32, #tpu.memory_space<vmem>> -> memref<1x4x5x8x133xf32, #tpu.memory_space<vmem>>
        %parallel_loop3A_629 = tpu.memref_squeeze %parallel_loop3A_628 : memref<1x4x5x8x133xf32, #tpu.memory_space<vmem>> -> memref<4x5x8x133xf32, #tpu.memory_space<vmem>>
        tpu.vector_store_idx %parallel_loop3A_629[%select_n3A_206, %broadcast_in_dim3A_371, %select_n3A_231, %parallel_loop3A_622], %parallel_loop3A_615 : memref<4x5x8x133xf32, #tpu.memory_space<vmem>>[vector<16xi32>, vector<16xi32>, vector<16xi32>, vector<16xi32>], vector<16xf32>,
        %parallel_loop3A_630 = arith.constant 0 : i32
        %parallel_loop3A_631 = arith.constant 0 : i32
        %parallel_loop3A_632 = arith.constant 0 : i32
        %parallel_loop3A_633 = arith.constant 0 : i32
        %parallel_loop3A_634 = arith.constant 0 : i32
        %parallel_loop3A_635 = tpu.memref_slice %arg7[%parallel_loop3A_630, %parallel_loop3A_631, %parallel_loop3A_632, %parallel_loop3A_633, %parallel_loop3A_634] : memref<2x4x5x8x133xf32, #tpu.memory_space<vmem>> -> memref<1x4x5x8x133xf32, #tpu.memory_space<vmem>>
        %parallel_loop3A_636 = tpu.memref_squeeze %parallel_loop3A_635 : memref<1x4x5x8x133xf32, #tpu.memory_space<vmem>> -> memref<4x5x8x133xf32, #tpu.memory_space<vmem>>
        tpu.vector_store_idx %parallel_loop3A_636[%add3A_209, %broadcast_in_dim3A_371, %select_n3A_231, %parallel_loop3A_622], %parallel_loop3A_621 : memref<4x5x8x133xf32, #tpu.memory_space<vmem>>[vector<16xi32>, vector<16xi32>, vector<16xi32>, vector<16xi32>], vector<16xf32>,
      } {sc.loop_unroll_factor = 8 : i64, sc.parallel_access}
      %broadcast_in_dim3A_375 = arith.constant 3 : i32
      %broadcast_in_dim3A_376 = vector.broadcast %broadcast_in_dim3A_375 : i32 to vector<16xi32>
      %parallel_loop3A_377 = arith.constant 0 : i32
      %parallel_loop3A_378 = arith.constant 128 : i32
      %parallel_loop3A_379 = arith.constant 1 : i32
      scf.for %parallel_loop3A_607 = %parallel_loop3A_377 to %parallel_loop3A_378 step %parallel_loop3A_379  : i32 {
        %parallel_loop3A_608 = arith.constant 384 : i32
        %parallel_loop3A_609 = arith.addi %parallel_loop3A_608, %parallel_loop3A_607 : i32
        %parallel_loop3A_610 = arith.constant 0 : i32
        %parallel_loop3A_611 = arith.constant 0 : i32
        %parallel_loop3A_612 = tpu.memref_slice %arg6[%parallel_loop3A_610, %parallel_loop3A_609, %parallel_loop3A_611] : memref<2x512x32xf32, #tpu.memory_space<vmem>> -> memref<1x1x32xf32, #tpu.memory_space<vmem>>
        %parallel_loop3A_613 = tpu.memref_squeeze %parallel_loop3A_612 : memref<1x1x32xf32, #tpu.memory_space<vmem>> -> memref<32xf32, #tpu.memory_space<vmem>>
        %parallel_loop3A_614 = arith.constant 0 : index
        %parallel_loop3A_615 = tpu.vector_load %parallel_loop3A_613[%parallel_loop3A_614] {strides = array<i32>} : memref<32xf32, #tpu.memory_space<vmem>>, vector<16xf32>,
        %parallel_loop3A_616 = arith.constant 0 : i32
        %parallel_loop3A_617 = arith.constant 0 : i32
        %parallel_loop3A_618 = tpu.memref_slice %arg6[%parallel_loop3A_616, %parallel_loop3A_609, %parallel_loop3A_617] : memref<2x512x32xf32, #tpu.memory_space<vmem>> -> memref<1x1x32xf32, #tpu.memory_space<vmem>>
        %parallel_loop3A_619 = tpu.memref_squeeze %parallel_loop3A_618 : memref<1x1x32xf32, #tpu.memory_space<vmem>> -> memref<32xf32, #tpu.memory_space<vmem>>
        %parallel_loop3A_620 = arith.constant 16 : index
        %parallel_loop3A_621 = tpu.vector_load %parallel_loop3A_619[%parallel_loop3A_620] {strides = array<i32>} : memref<32xf32, #tpu.memory_space<vmem>>, vector<16xf32>,
        %parallel_loop3A_622 = vector.broadcast %parallel_loop3A_607 : i32 to vector<16xi32>
        %parallel_loop3A_623 = arith.constant 0 : i32
        %parallel_loop3A_624 = arith.constant 0 : i32
        %parallel_loop3A_625 = arith.constant 0 : i32
        %parallel_loop3A_626 = arith.constant 0 : i32
        %parallel_loop3A_627 = arith.constant 0 : i32
        %parallel_loop3A_628 = tpu.memref_slice %arg7[%parallel_loop3A_623, %parallel_loop3A_624, %parallel_loop3A_625, %parallel_loop3A_626, %parallel_loop3A_627] : memref<2x4x5x8x133xf32, #tpu.memory_space<vmem>> -> memref<1x4x5x8x133xf32, #tpu.memory_space<vmem>>
        %parallel_loop3A_629 = tpu.memref_squeeze %parallel_loop3A_628 : memref<1x4x5x8x133xf32, #tpu.memory_space<vmem>> -> memref<4x5x8x133xf32, #tpu.memory_space<vmem>>
        tpu.vector_store_idx %parallel_loop3A_629[%select_n3A_206, %broadcast_in_dim3A_376, %select_n3A_231, %parallel_loop3A_622], %parallel_loop3A_615 : memref<4x5x8x133xf32, #tpu.memory_space<vmem>>[vector<16xi32>, vector<16xi32>, vector<16xi32>, vector<16xi32>], vector<16xf32>,
        %parallel_loop3A_630 = arith.constant 0 : i32
        %parallel_loop3A_631 = arith.constant 0 : i32
        %parallel_loop3A_632 = arith.constant 0 : i32
        %parallel_loop3A_633 = arith.constant 0 : i32
        %parallel_loop3A_634 = arith.constant 0 : i32
        %parallel_loop3A_635 = tpu.memref_slice %arg7[%parallel_loop3A_630, %parallel_loop3A_631, %parallel_loop3A_632, %parallel_loop3A_633, %parallel_loop3A_634] : memref<2x4x5x8x133xf32, #tpu.memory_space<vmem>> -> memref<1x4x5x8x133xf32, #tpu.memory_space<vmem>>
        %parallel_loop3A_636 = tpu.memref_squeeze %parallel_loop3A_635 : memref<1x4x5x8x133xf32, #tpu.memory_space<vmem>> -> memref<4x5x8x133xf32, #tpu.memory_space<vmem>>
        tpu.vector_store_idx %parallel_loop3A_636[%add3A_209, %broadcast_in_dim3A_376, %select_n3A_231, %parallel_loop3A_622], %parallel_loop3A_621 : memref<4x5x8x133xf32, #tpu.memory_space<vmem>>[vector<16xi32>, vector<16xi32>, vector<16xi32>, vector<16xi32>], vector<16xf32>,
      } {sc.loop_unroll_factor = 8 : i64, sc.parallel_access}
      %add3A_380 = arith.addi %mul3A_2, %add3A_293 : i32
      %jit3A_381 = arith.constant 8 : i32
      %div3A_382 = arith.divsi %add3A_380, %jit3A_381 : i32
      %sign3A_383 = arith.constant 0 : i32
      %sign3A_384 = arith.cmpi sgt, %add3A_380, %sign3A_383 : i32
      %sign3A_385 = arith.extui %sign3A_384 : i1 to i32
      %sign3A_386 = arith.constant 0 : i32
      %sign3A_387 = arith.cmpi slt, %add3A_380, %sign3A_386 : i32
      %sign3A_388 = arith.extui %sign3A_387 : i1 to i32
      %sign3A_389 = arith.subi %sign3A_385, %sign3A_388 : i32
      %sign3A_390 = arith.constant 0 : i32
      %sign3A_391 = arith.cmpi sgt, %jit3A_381, %sign3A_390 : i32
      %sign3A_392 = arith.extui %sign3A_391 : i1 to i32
      %sign3A_393 = arith.constant 0 : i32
      %sign3A_394 = arith.cmpi slt, %jit3A_381, %sign3A_393 : i32
      %sign3A_395 = arith.extui %sign3A_394 : i1 to i32
      %sign3A_396 = arith.subi %sign3A_392, %sign3A_395 : i32
      %ne3A_397 = arith.cmpi ne, %sign3A_389, %sign3A_396 : i32
      %rem3A_398 = arith.remsi %add3A_380, %jit3A_381 : i32
      %ne3A_399 = arith.constant 0 : i32
      %ne3A_400 = arith.cmpi ne, %rem3A_398, %ne3A_399 : i32
      %and3A_401 = arith.andi %ne3A_397, %ne3A_400 : i1
      %sub3A_402 = arith.constant 1 : i32
      %sub3A_403 = arith.subi %div3A_382, %sub3A_402 : i32
      %select_n3A_404 = arith.select %and3A_401, %sub3A_403, %div3A_382 : i32
      %jit3A_405 = arith.constant 8 : i32
      %eq3A_406 = arith.constant 0 : i32
      %eq3A_407 = arith.cmpi eq, %jit3A_405, %eq3A_406 : i32
      %jit3A_408 = arith.constant 1 : i32
      %select_n3A_409 = arith.select %eq3A_407, %jit3A_408, %jit3A_405 : i32
      %rem3A_410 = arith.remsi %add3A_380, %select_n3A_409 : i32
      %ne3A_411 = arith.constant 0 : i32
      %ne3A_412 = arith.cmpi ne, %rem3A_410, %ne3A_411 : i32
      %lt3A_413 = arith.constant 0 : i32
      %lt3A_414 = arith.cmpi slt, %rem3A_410, %lt3A_413 : i32
      %lt3A_415 = arith.constant 0 : i32
      %lt3A_416 = arith.cmpi slt, %select_n3A_409, %lt3A_415 : i32
      %ne3A_417 = arith.xori %lt3A_414, %lt3A_416 : i1
      %and3A_418 = arith.andi %ne3A_417, %ne3A_412 : i1
      %add3A_419 = arith.addi %rem3A_410, %select_n3A_409 : i32
      %select_n3A_420 = arith.select %and3A_418, %add3A_419, %rem3A_410 : i32
      %mul3A_421 = arith.constant 4 : i32
      %mul3A_422 = arith.muli %select_n3A_420, %mul3A_421 : i32
      %dma_start3A_423 = arith.constant 0 : i32
      %dma_start3A_424 = arith.constant 0 : i32
      %dma_start3A_425 = arith.constant 0 : i32
      %dma_start3A_426 = arith.constant 0 : i32
      %dma_start3A_427 = arith.constant 0 : i32
      %dma_start3A_428 = tpu.memref_slice %arg7[%dma_start3A_423, %dma_start3A_424, %dma_start3A_425, %dma_start3A_426, %dma_start3A_427] : memref<2x4x5x8x133xf32, #tpu.memory_space<vmem>> -> memref<1x4x4x8x128xf32, #tpu.memory_space<vmem>>
      %dma_start3A_429 = tpu.memref_squeeze %dma_start3A_428 : memref<1x4x4x8x128xf32, #tpu.memory_space<vmem>> -> memref<4x4x8x128xf32, #tpu.memory_space<vmem>>
      %dma_start3A_430 = arith.constant 0 : i32
      %dma_start3A_431 = arith.constant 0 : i32
      %dma_start3A_432 = arith.constant 0 : i32
      %dma_start3A_433 = tpu.memref_slice %arg4[%select_n3A_404, %dma_start3A_430, %mul3A_422, %dma_start3A_431, %dma_start3A_432] : memref<200x4x32x8x128xf32, #tpu.memory_space<hbm>> -> memref<1x4x4x8x128xf32, #tpu.memory_space<hbm>>
      %dma_start3A_434 = tpu.memref_squeeze %dma_start3A_433 : memref<1x4x4x8x128xf32, #tpu.memory_space<hbm>> -> memref<4x4x8x128xf32, #tpu.memory_space<hbm>>
      %dma_start3A_435 = arith.constant 0 : i32
      %dma_start3A_436 = arith.constant 0 : i32
      %dma_start3A_437 = arith.constant 0 : i32
      %dma_start3A_438 = tpu.memref_slice %arg4[%select_n3A_404, %dma_start3A_435, %mul3A_422, %dma_start3A_436, %dma_start3A_437] : memref<200x4x32x8x128xf32, #tpu.memory_space<hbm>> -> memref<1x4x4x8x128xf32, #tpu.memory_space<hbm>>
      %dma_start3A_439 = tpu.memref_squeeze %dma_start3A_438 : memref<1x4x4x8x128xf32, #tpu.memory_space<hbm>> -> memref<4x4x8x128xf32, #tpu.memory_space<hbm>>
      %dma_start3A_440 = arith.constant 0 : i32
      %dma_start3A_441 = arith.constant 0 : i32
      %dma_start3A_442 = arith.constant 0 : i32
      %dma_start3A_443 = arith.constant 0 : i32
      %dma_start3A_444 = tpu.memref_slice %arg7[%dma_start3A_423, %dma_start3A_440, %dma_start3A_441, %dma_start3A_442, %dma_start3A_443] : memref<2x4x5x8x133xf32, #tpu.memory_space<vmem>> -> memref<1x4x4x8x128xf32, #tpu.memory_space<vmem>>
      %dma_start3A_445 = tpu.memref_squeeze %dma_start3A_444 : memref<1x4x4x8x128xf32, #tpu.memory_space<vmem>> -> memref<4x4x8x128xf32, #tpu.memory_space<vmem>>
      tpu.enqueue_dma source(%dma_start3A_445 : memref<4x4x8x128xf32, #tpu.memory_space<vmem>>) target(%dma_start3A_439 : memref<4x4x8x128xf32, #tpu.memory_space<hbm>>) target_semaphore(%arg12 : memref<!tpu.dma_semaphore, #tpu.memory_space<semaphore_mem>>)
      %mul3A_446 = arith.constant 2 : i32
      %mul3A_447 = arith.muli %scan3A_289, %mul3A_446 : i32
      %add3A_448 = arith.constant 1 : i32
      %add3A_449 = arith.addi %mul3A_447, %add3A_448 : i32
      %add3A_450 = arith.constant 1 : i32
      %add3A_451 = arith.addi %add3A_449, %add3A_450 : i32
      %lt3A_452 = arith.constant 50 : i32
      %lt3A_453 = arith.cmpi slt, %add3A_451, %lt3A_452 : i32
      %convert_element_type3A_454 = arith.extui %lt3A_453 : i1 to i32
      %cond3A_455 = arith.constant 0 : i32
      %cond3A_456 = arith.cmpi ne, %convert_element_type3A_454, %cond3A_455 : i32
      scf.if %cond3A_456 {
        %dma_wait3A_607 = arith.constant 0 : i32
        %dma_wait3A_608 = arith.constant 0 : i32
        %dma_wait3A_609 = arith.constant 0 : i32
        %dma_wait3A_610 = arith.constant 0 : i32
        %dma_wait3A_611 = tpu.memref_slice %arg5[%dma_wait3A_608, %dma_wait3A_609, %dma_wait3A_610] : memref<2x4x128xi32, #tpu.memory_space<vmem>> -> memref<1x4x128xi32, #tpu.memory_space<vmem>>
        %dma_wait3A_612 = tpu.memref_squeeze %dma_wait3A_611 : memref<1x4x128xi32, #tpu.memory_space<vmem>> -> memref<4x128xi32, #tpu.memory_space<vmem>>
        %dma_wait3A_613 = arith.constant 0 : i32
        %dma_wait3A_614 = arith.constant 0 : i32
        %dma_wait3A_615 = tpu.memref_slice %arg2[%dma_wait3A_607, %dma_wait3A_613, %dma_wait3A_614] : memref<200x32x128xi32, #tpu.memory_space<hbm>> -> memref<1x4x128xi32, #tpu.memory_space<hbm>>
        %dma_wait3A_616 = tpu.memref_squeeze %dma_wait3A_615 : memref<1x4x128xi32, #tpu.memory_space<hbm>> -> memref<4x128xi32, #tpu.memory_space<hbm>>
        %dma_wait3A_617 = arith.constant 0 : i32
        %dma_wait3A_618 = arith.constant 0 : i32
        %dma_wait3A_619 = tpu.memref_slice %arg5[%dma_wait3A_608, %dma_wait3A_617, %dma_wait3A_618] : memref<2x4x128xi32, #tpu.memory_space<vmem>> -> memref<1x4x128xi32, #tpu.memory_space<vmem>>
        %dma_wait3A_620 = tpu.memref_squeeze %dma_wait3A_619 : memref<1x4x128xi32, #tpu.memory_space<vmem>> -> memref<4x128xi32, #tpu.memory_space<vmem>>
        %dma_wait3A_621 = arith.constant 0 : i32
        %dma_wait3A_622 = arith.constant 0 : i32
        %dma_wait3A_623 = tpu.memref_slice %arg2[%dma_wait3A_607, %dma_wait3A_621, %dma_wait3A_622] : memref<200x32x128xi32, #tpu.memory_space<hbm>> -> memref<1x4x128xi32, #tpu.memory_space<hbm>>
        %dma_wait3A_624 = tpu.memref_squeeze %dma_wait3A_623 : memref<1x4x128xi32, #tpu.memory_space<hbm>> -> memref<4x128xi32, #tpu.memory_space<hbm>>
        tpu.wait_dma2 semaphore(%arg10 : memref<!tpu.dma_semaphore, #tpu.memory_space<semaphore_mem>>) src(%dma_wait3A_624 : memref<4x128xi32, #tpu.memory_space<hbm>>) dst(%dma_wait3A_620 : memref<4x128xi32, #tpu.memory_space<vmem>>)
        %add3A_625 = arith.constant 1 : i32
        %add3A_626 = arith.addi %add3A_449, %add3A_625 : i32
        %dma_start3A_627 = arith.constant 0 : i32
        %dma_start3A_628 = arith.constant 0 : i32
        %dma_start3A_629 = arith.constant 0 : i32
        %dma_start3A_630 = arith.constant 0 : i32
        %dma_start3A_631 = arith.constant 0 : i32
        %dma_start3A_632 = tpu.memref_slice %arg6[%dma_start3A_629, %dma_start3A_630, %dma_start3A_631] : memref<2x512x32xf32, #tpu.memory_space<vmem>> -> memref<1x128x32xf32, #tpu.memory_space<vmem>>
        %dma_start3A_633 = tpu.memref_squeeze %dma_start3A_632 : memref<1x128x32xf32, #tpu.memory_space<vmem>> -> memref<128x32xf32, #tpu.memory_space<vmem>>
        %dma_start3A_634 = arith.constant 0 : i32
        %dma_start3A_635 = tpu.memref_slice %arg5[%dma_start3A_627, %dma_start3A_628, %dma_start3A_634] : memref<2x4x128xi32, #tpu.memory_space<vmem>> -> memref<1x1x128xi32, #tpu.memory_space<vmem>>
        %dma_start3A_636 = tpu.memref_squeeze %dma_start3A_635 : memref<1x1x128xi32, #tpu.memory_space<vmem>> -> memref<128xi32, #tpu.memory_space<vmem>>
        %dma_start3A_637 = arith.constant 0 : i32
        %dma_start3A_638 = arith.constant 0 : i32
        %dma_start3A_639 = tpu.memref_slice %arg3[%dma_start3A_637, %dma_start3A_638] : memref<400000x32xf32, #tpu.memory_space<hbm>> -> memref<400000x32xf32, #tpu.memory_space<hbm>>
        tpu.enqueue_indirect_dma source(%dma_start3A_639 : memref<400000x32xf32, #tpu.memory_space<hbm>>) target(%dma_start3A_633 : memref<128x32xf32, #tpu.memory_space<vmem>>) offsets(%dma_start3A_636 : memref<128xi32, #tpu.memory_space<vmem>>) semaphore(%arg8 : memref<!tpu.dma_semaphore, #tpu.memory_space<semaphore_mem>>)
        %dma_start3A_640 = arith.constant 0 : i32
        %dma_start3A_641 = arith.constant 1 : i32
        %dma_start3A_642 = arith.constant 0 : i32
        %dma_start3A_643 = arith.constant 128 : i32
        %dma_start3A_644 = arith.constant 0 : i32
        %dma_start3A_645 = tpu.memref_slice %arg6[%dma_start3A_642, %dma_start3A_643, %dma_start3A_644] : memref<2x512x32xf32, #tpu.memory_space<vmem>> -> memref<1x128x32xf32, #tpu.memory_space<vmem>>
        %dma_start3A_646 = tpu.memref_squeeze %dma_start3A_645 : memref<1x128x32xf32, #tpu.memory_space<vmem>> -> memref<128x32xf32, #tpu.memory_space<vmem>>
        %dma_start3A_647 = arith.constant 0 : i32
        %dma_start3A_648 = tpu.memref_slice %arg5[%dma_start3A_640, %dma_start3A_641, %dma_start3A_647] : memref<2x4x128xi32, #tpu.memory_space<vmem>> -> memref<1x1x128xi32, #tpu.memory_space<vmem>>
        %dma_start3A_649 = tpu.memref_squeeze %dma_start3A_648 : memref<1x1x128xi32, #tpu.memory_space<vmem>> -> memref<128xi32, #tpu.memory_space<vmem>>
        %dma_start3A_650 = arith.constant 0 : i32
        %dma_start3A_651 = arith.constant 0 : i32
        %dma_start3A_652 = tpu.memref_slice %arg3[%dma_start3A_650, %dma_start3A_651] : memref<400000x32xf32, #tpu.memory_space<hbm>> -> memref<400000x32xf32, #tpu.memory_space<hbm>>
        tpu.enqueue_indirect_dma source(%dma_start3A_652 : memref<400000x32xf32, #tpu.memory_space<hbm>>) target(%dma_start3A_646 : memref<128x32xf32, #tpu.memory_space<vmem>>) offsets(%dma_start3A_649 : memref<128xi32, #tpu.memory_space<vmem>>) semaphore(%arg8 : memref<!tpu.dma_semaphore, #tpu.memory_space<semaphore_mem>>)
        %dma_start3A_653 = arith.constant 0 : i32
        %dma_start3A_654 = arith.constant 2 : i32
        %dma_start3A_655 = arith.constant 0 : i32
        %dma_start3A_656 = arith.constant 256 : i32
        %dma_start3A_657 = arith.constant 0 : i32
        %dma_start3A_658 = tpu.memref_slice %arg6[%dma_start3A_655, %dma_start3A_656, %dma_start3A_657] : memref<2x512x32xf32, #tpu.memory_space<vmem>> -> memref<1x128x32xf32, #tpu.memory_space<vmem>>
        %dma_start3A_659 = tpu.memref_squeeze %dma_start3A_658 : memref<1x128x32xf32, #tpu.memory_space<vmem>> -> memref<128x32xf32, #tpu.memory_space<vmem>>
        %dma_start3A_660 = arith.constant 0 : i32
        %dma_start3A_661 = tpu.memref_slice %arg5[%dma_start3A_653, %dma_start3A_654, %dma_start3A_660] : memref<2x4x128xi32, #tpu.memory_space<vmem>> -> memref<1x1x128xi32, #tpu.memory_space<vmem>>
        %dma_start3A_662 = tpu.memref_squeeze %dma_start3A_661 : memref<1x1x128xi32, #tpu.memory_space<vmem>> -> memref<128xi32, #tpu.memory_space<vmem>>
        %dma_start3A_663 = arith.constant 0 : i32
        %dma_start3A_664 = arith.constant 0 : i32
        %dma_start3A_665 = tpu.memref_slice %arg3[%dma_start3A_663, %dma_start3A_664] : memref<400000x32xf32, #tpu.memory_space<hbm>> -> memref<400000x32xf32, #tpu.memory_space<hbm>>
        tpu.enqueue_indirect_dma source(%dma_start3A_665 : memref<400000x32xf32, #tpu.memory_space<hbm>>) target(%dma_start3A_659 : memref<128x32xf32, #tpu.memory_space<vmem>>) offsets(%dma_start3A_662 : memref<128xi32, #tpu.memory_space<vmem>>) semaphore(%arg8 : memref<!tpu.dma_semaphore, #tpu.memory_space<semaphore_mem>>)
        %dma_start3A_666 = arith.constant 0 : i32
        %dma_start3A_667 = arith.constant 3 : i32
        %dma_start3A_668 = arith.constant 0 : i32
        %dma_start3A_669 = arith.constant 384 : i32
        %dma_start3A_670 = arith.constant 0 : i32
        %dma_start3A_671 = tpu.memref_slice %arg6[%dma_start3A_668, %dma_start3A_669, %dma_start3A_670] : memref<2x512x32xf32, #tpu.memory_space<vmem>> -> memref<1x128x32xf32, #tpu.memory_space<vmem>>
        %dma_start3A_672 = tpu.memref_squeeze %dma_start3A_671 : memref<1x128x32xf32, #tpu.memory_space<vmem>> -> memref<128x32xf32, #tpu.memory_space<vmem>>
        %dma_start3A_673 = arith.constant 0 : i32
        %dma_start3A_674 = tpu.memref_slice %arg5[%dma_start3A_666, %dma_start3A_667, %dma_start3A_673] : memref<2x4x128xi32, #tpu.memory_space<vmem>> -> memref<1x1x128xi32, #tpu.memory_space<vmem>>
        %dma_start3A_675 = tpu.memref_squeeze %dma_start3A_674 : memref<1x1x128xi32, #tpu.memory_space<vmem>> -> memref<128xi32, #tpu.memory_space<vmem>>
        %dma_start3A_676 = arith.constant 0 : i32
        %dma_start3A_677 = arith.constant 0 : i32
        %dma_start3A_678 = tpu.memref_slice %arg3[%dma_start3A_676, %dma_start3A_677] : memref<400000x32xf32, #tpu.memory_space<hbm>> -> memref<400000x32xf32, #tpu.memory_space<hbm>>
        tpu.enqueue_indirect_dma source(%dma_start3A_678 : memref<400000x32xf32, #tpu.memory_space<hbm>>) target(%dma_start3A_672 : memref<128x32xf32, #tpu.memory_space<vmem>>) offsets(%dma_start3A_675 : memref<128xi32, #tpu.memory_space<vmem>>) semaphore(%arg8 : memref<!tpu.dma_semaphore, #tpu.memory_space<semaphore_mem>>)
      } else {
      }
      %dma_wait3A_457 = arith.constant 1 : i32
      %dma_wait3A_458 = arith.constant 0 : i32
      %dma_wait3A_459 = arith.constant 1 : i32
      %dma_wait3A_460 = arith.constant 0 : i32
      %dma_wait3A_461 = arith.constant 0 : i32
      %dma_wait3A_462 = tpu.memref_slice %arg6[%dma_wait3A_459, %dma_wait3A_460, %dma_wait3A_461] : memref<2x512x32xf32, #tpu.memory_space<vmem>> -> memref<1x128x32xf32, #tpu.memory_space<vmem>>
      %dma_wait3A_463 = tpu.memref_squeeze %dma_wait3A_462 : memref<1x128x32xf32, #tpu.memory_space<vmem>> -> memref<128x32xf32, #tpu.memory_space<vmem>>
      %dma_wait3A_464 = arith.constant 0 : i32
      %dma_wait3A_465 = tpu.memref_slice %arg5[%dma_wait3A_457, %dma_wait3A_458, %dma_wait3A_464] : memref<2x4x128xi32, #tpu.memory_space<vmem>> -> memref<1x1x128xi32, #tpu.memory_space<vmem>>
      %dma_wait3A_466 = tpu.memref_squeeze %dma_wait3A_465 : memref<1x1x128xi32, #tpu.memory_space<vmem>> -> memref<128xi32, #tpu.memory_space<vmem>>
      %dma_wait3A_467 = arith.constant 0 : i32
      %dma_wait3A_468 = arith.constant 0 : i32
      %dma_wait3A_469 = tpu.memref_slice %arg3[%dma_wait3A_467, %dma_wait3A_468] : memref<400000x32xf32, #tpu.memory_space<hbm>> -> memref<400000x32xf32, #tpu.memory_space<hbm>>
      tpu.wait_indirect_dma semaphore(%arg9 : memref<!tpu.dma_semaphore, #tpu.memory_space<semaphore_mem>>) src(%dma_wait3A_469 : memref<400000x32xf32, #tpu.memory_space<hbm>>) dst(%dma_wait3A_463 : memref<128x32xf32, #tpu.memory_space<vmem>>)
      %dma_wait3A_470 = arith.constant 1 : i32
      %dma_wait3A_471 = arith.constant 1 : i32
      %dma_wait3A_472 = arith.constant 1 : i32
      %dma_wait3A_473 = arith.constant 128 : i32
      %dma_wait3A_474 = arith.constant 0 : i32
      %dma_wait3A_475 = tpu.memref_slice %arg6[%dma_wait3A_472, %dma_wait3A_473, %dma_wait3A_474] : memref<2x512x32xf32, #tpu.memory_space<vmem>> -> memref<1x128x32xf32, #tpu.memory_space<vmem>>
      %dma_wait3A_476 = tpu.memref_squeeze %dma_wait3A_475 : memref<1x128x32xf32, #tpu.memory_space<vmem>> -> memref<128x32xf32, #tpu.memory_space<vmem>>
      %dma_wait3A_477 = arith.constant 0 : i32
      %dma_wait3A_478 = tpu.memref_slice %arg5[%dma_wait3A_470, %dma_wait3A_471, %dma_wait3A_477] : memref<2x4x128xi32, #tpu.memory_space<vmem>> -> memref<1x1x128xi32, #tpu.memory_space<vmem>>
      %dma_wait3A_479 = tpu.memref_squeeze %dma_wait3A_478 : memref<1x1x128xi32, #tpu.memory_space<vmem>> -> memref<128xi32, #tpu.memory_space<vmem>>
      %dma_wait3A_480 = arith.constant 0 : i32
      %dma_wait3A_481 = arith.constant 0 : i32
      %dma_wait3A_482 = tpu.memref_slice %arg3[%dma_wait3A_480, %dma_wait3A_481] : memref<400000x32xf32, #tpu.memory_space<hbm>> -> memref<400000x32xf32, #tpu.memory_space<hbm>>
      tpu.wait_indirect_dma semaphore(%arg9 : memref<!tpu.dma_semaphore, #tpu.memory_space<semaphore_mem>>) src(%dma_wait3A_482 : memref<400000x32xf32, #tpu.memory_space<hbm>>) dst(%dma_wait3A_476 : memref<128x32xf32, #tpu.memory_space<vmem>>)
      %dma_wait3A_483 = arith.constant 1 : i32
      %dma_wait3A_484 = arith.constant 2 : i32
      %dma_wait3A_485 = arith.constant 1 : i32
      %dma_wait3A_486 = arith.constant 256 : i32
      %dma_wait3A_487 = arith.constant 0 : i32
      %dma_wait3A_488 = tpu.memref_slice %arg6[%dma_wait3A_485, %dma_wait3A_486, %dma_wait3A_487] : memref<2x512x32xf32, #tpu.memory_space<vmem>> -> memref<1x128x32xf32, #tpu.memory_space<vmem>>
      %dma_wait3A_489 = tpu.memref_squeeze %dma_wait3A_488 : memref<1x128x32xf32, #tpu.memory_space<vmem>> -> memref<128x32xf32, #tpu.memory_space<vmem>>
      %dma_wait3A_490 = arith.constant 0 : i32
      %dma_wait3A_491 = tpu.memref_slice %arg5[%dma_wait3A_483, %dma_wait3A_484, %dma_wait3A_490] : memref<2x4x128xi32, #tpu.memory_space<vmem>> -> memref<1x1x128xi32, #tpu.memory_space<vmem>>
      %dma_wait3A_492 = tpu.memref_squeeze %dma_wait3A_491 : memref<1x1x128xi32, #tpu.memory_space<vmem>> -> memref<128xi32, #tpu.memory_space<vmem>>
      %dma_wait3A_493 = arith.constant 0 : i32
      %dma_wait3A_494 = arith.constant 0 : i32
      %dma_wait3A_495 = tpu.memref_slice %arg3[%dma_wait3A_493, %dma_wait3A_494] : memref<400000x32xf32, #tpu.memory_space<hbm>> -> memref<400000x32xf32, #tpu.memory_space<hbm>>
      tpu.wait_indirect_dma semaphore(%arg9 : memref<!tpu.dma_semaphore, #tpu.memory_space<semaphore_mem>>) src(%dma_wait3A_495 : memref<400000x32xf32, #tpu.memory_space<hbm>>) dst(%dma_wait3A_489 : memref<128x32xf32, #tpu.memory_space<vmem>>)
      %dma_wait3A_496 = arith.constant 1 : i32
      %dma_wait3A_497 = arith.constant 3 : i32
      %dma_wait3A_498 = arith.constant 1 : i32
      %dma_wait3A_499 = arith.constant 384 : i32
      %dma_wait3A_500 = arith.constant 0 : i32
      %dma_wait3A_501 = tpu.memref_slice %arg6[%dma_wait3A_498, %dma_wait3A_499, %dma_wait3A_500] : memref<2x512x32xf32, #tpu.memory_space<vmem>> -> memref<1x128x32xf32, #tpu.memory_space<vmem>>
      %dma_wait3A_502 = tpu.memref_squeeze %dma_wait3A_501 : memref<1x128x32xf32, #tpu.memory_space<vmem>> -> memref<128x32xf32, #tpu.memory_space<vmem>>
      %dma_wait3A_503 = arith.constant 0 : i32
      %dma_wait3A_504 = tpu.memref_slice %arg5[%dma_wait3A_496, %dma_wait3A_497, %dma_wait3A_503] : memref<2x4x128xi32, #tpu.memory_space<vmem>> -> memref<1x1x128xi32, #tpu.memory_space<vmem>>
      %dma_wait3A_505 = tpu.memref_squeeze %dma_wait3A_504 : memref<1x1x128xi32, #tpu.memory_space<vmem>> -> memref<128xi32, #tpu.memory_space<vmem>>
      %dma_wait3A_506 = arith.constant 0 : i32
      %dma_wait3A_507 = arith.constant 0 : i32
      %dma_wait3A_508 = tpu.memref_slice %arg3[%dma_wait3A_506, %dma_wait3A_507] : memref<400000x32xf32, #tpu.memory_space<hbm>> -> memref<400000x32xf32, #tpu.memory_space<hbm>>
      tpu.wait_indirect_dma semaphore(%arg9 : memref<!tpu.dma_semaphore, #tpu.memory_space<semaphore_mem>>) src(%dma_wait3A_508 : memref<400000x32xf32, #tpu.memory_space<hbm>>) dst(%dma_wait3A_502 : memref<128x32xf32, #tpu.memory_space<vmem>>)
      %add3A_509 = arith.constant 2 : i32
      %add3A_510 = arith.addi %add3A_449, %add3A_509 : i32
      %lt3A_511 = arith.constant 50 : i32
      %lt3A_512 = arith.cmpi slt, %add3A_510, %lt3A_511 : i32
      %convert_element_type3A_513 = arith.extui %lt3A_512 : i1 to i32
      %cond3A_514 = arith.constant 0 : i32
      %cond3A_515 = arith.cmpi ne, %convert_element_type3A_513, %cond3A_514 : i32
      scf.if %cond3A_515 {
        %add3A_607 = arith.constant 2 : i32
        %add3A_608 = arith.addi %add3A_449, %add3A_607 : i32
        %add3A_609 = arith.addi %mul3A_2, %add3A_608 : i32
        %jit3A_610 = arith.constant 8 : i32
        %div3A_611 = arith.divsi %add3A_609, %jit3A_610 : i32
        %sign3A_612 = arith.constant 0 : i32
        %sign3A_613 = arith.cmpi sgt, %add3A_609, %sign3A_612 : i32
        %sign3A_614 = arith.extui %sign3A_613 : i1 to i32
        %sign3A_615 = arith.constant 0 : i32
        %sign3A_616 = arith.cmpi slt, %add3A_609, %sign3A_615 : i32
        %sign3A_617 = arith.extui %sign3A_616 : i1 to i32
        %sign3A_618 = arith.subi %sign3A_614, %sign3A_617 : i32
        %sign3A_619 = arith.constant 0 : i32
        %sign3A_620 = arith.cmpi sgt, %jit3A_610, %sign3A_619 : i32
        %sign3A_621 = arith.extui %sign3A_620 : i1 to i32
        %sign3A_622 = arith.constant 0 : i32
        %sign3A_623 = arith.cmpi slt, %jit3A_610, %sign3A_622 : i32
        %sign3A_624 = arith.extui %sign3A_623 : i1 to i32
        %sign3A_625 = arith.subi %sign3A_621, %sign3A_624 : i32
        %ne3A_626 = arith.cmpi ne, %sign3A_618, %sign3A_625 : i32
        %rem3A_627 = arith.remsi %add3A_609, %jit3A_610 : i32
        %ne3A_628 = arith.constant 0 : i32
        %ne3A_629 = arith.cmpi ne, %rem3A_627, %ne3A_628 : i32
        %and3A_630 = arith.andi %ne3A_626, %ne3A_629 : i1
        %sub3A_631 = arith.constant 1 : i32
        %sub3A_632 = arith.subi %div3A_611, %sub3A_631 : i32
        %select_n3A_633 = arith.select %and3A_630, %sub3A_632, %div3A_611 : i32
        %jit3A_634 = arith.constant 8 : i32
        %eq3A_635 = arith.constant 0 : i32
        %eq3A_636 = arith.cmpi eq, %jit3A_634, %eq3A_635 : i32
        %jit3A_637 = arith.constant 1 : i32
        %select_n3A_638 = arith.select %eq3A_636, %jit3A_637, %jit3A_634 : i32
        %rem3A_639 = arith.remsi %add3A_609, %select_n3A_638 : i32
        %ne3A_640 = arith.constant 0 : i32
        %ne3A_641 = arith.cmpi ne, %rem3A_639, %ne3A_640 : i32
        %lt3A_642 = arith.constant 0 : i32
        %lt3A_643 = arith.cmpi slt, %rem3A_639, %lt3A_642 : i32
        %lt3A_644 = arith.constant 0 : i32
        %lt3A_645 = arith.cmpi slt, %select_n3A_638, %lt3A_644 : i32
        %ne3A_646 = arith.xori %lt3A_643, %lt3A_645 : i1
        %and3A_647 = arith.andi %ne3A_646, %ne3A_641 : i1
        %add3A_648 = arith.addi %rem3A_639, %select_n3A_638 : i32
        %select_n3A_649 = arith.select %and3A_647, %add3A_648, %rem3A_639 : i32
        %mul3A_650 = arith.constant 4 : i32
        %mul3A_651 = arith.muli %select_n3A_649, %mul3A_650 : i32
        %dma_start3A_652 = arith.constant 1 : i32
        %dma_start3A_653 = arith.constant 0 : i32
        %dma_start3A_654 = arith.constant 0 : i32
        %dma_start3A_655 = tpu.memref_slice %arg5[%dma_start3A_652, %dma_start3A_653, %dma_start3A_654] : memref<2x4x128xi32, #tpu.memory_space<vmem>> -> memref<1x4x128xi32, #tpu.memory_space<vmem>>
        %dma_start3A_656 = tpu.memref_squeeze %dma_start3A_655 : memref<1x4x128xi32, #tpu.memory_space<vmem>> -> memref<4x128xi32, #tpu.memory_space<vmem>>
        %dma_start3A_657 = arith.constant 0 : i32
        %dma_start3A_658 = tpu.memref_slice %arg2[%select_n3A_633, %mul3A_651, %dma_start3A_657] : memref<200x32x128xi32, #tpu.memory_space<hbm>> -> memref<1x4x128xi32, #tpu.memory_space<hbm>>
        %dma_start3A_659 = tpu.memref_squeeze %dma_start3A_658 : memref<1x4x128xi32, #tpu.memory_space<hbm>> -> memref<4x128xi32, #tpu.memory_space<hbm>>
        %dma_start3A_660 = arith.constant 0 : i32
        %dma_start3A_661 = arith.constant 0 : i32
        %dma_start3A_662 = tpu.memref_slice %arg5[%dma_start3A_652, %dma_start3A_660, %dma_start3A_661] : memref<2x4x128xi32, #tpu.memory_space<vmem>> -> memref<1x4x128xi32, #tpu.memory_space<vmem>>
        %dma_start3A_663 = tpu.memref_squeeze %dma_start3A_662 : memref<1x4x128xi32, #tpu.memory_space<vmem>> -> memref<4x128xi32, #tpu.memory_space<vmem>>
        %dma_start3A_664 = arith.constant 0 : i32
        %dma_start3A_665 = tpu.memref_slice %arg2[%select_n3A_633, %mul3A_651, %dma_start3A_664] : memref<200x32x128xi32, #tpu.memory_space<hbm>> -> memref<1x4x128xi32, #tpu.memory_space<hbm>>
        %dma_start3A_666 = tpu.memref_squeeze %dma_start3A_665 : memref<1x4x128xi32, #tpu.memory_space<hbm>> -> memref<4x128xi32, #tpu.memory_space<hbm>>
        tpu.enqueue_dma source(%dma_start3A_666 : memref<4x128xi32, #tpu.memory_space<hbm>>) target(%dma_start3A_663 : memref<4x128xi32, #tpu.memory_space<vmem>>) target_semaphore(%arg11 : memref<!tpu.dma_semaphore, #tpu.memory_space<semaphore_mem>>)
      } else {
      }
      %ge3A_516 = arith.constant 2 : i32
      %ge3A_517 = arith.cmpi sge, %add3A_449, %ge3A_516 : i32
      %convert_element_type3A_518 = arith.extui %ge3A_517 : i1 to i32
      %cond3A_519 = arith.constant 0 : i32
      %cond3A_520 = arith.cmpi ne, %convert_element_type3A_518, %cond3A_519 : i32
      scf.if %cond3A_520 {
        %dma_wait3A_607 = arith.constant 1 : i32
        %dma_wait3A_608 = arith.constant 0 : i32
        %dma_wait3A_609 = arith.constant 0 : i32
        %dma_wait3A_610 = arith.constant 0 : i32
        %dma_wait3A_611 = arith.constant 0 : i32
        %dma_wait3A_612 = arith.constant 0 : i32
        %dma_wait3A_613 = tpu.memref_slice %arg7[%dma_wait3A_607, %dma_wait3A_609, %dma_wait3A_610, %dma_wait3A_611, %dma_wait3A_612] : memref<2x4x5x8x133xf32, #tpu.memory_space<vmem>> -> memref<1x4x4x8x128xf32, #tpu.memory_space<vmem>>
        %dma_wait3A_614 = tpu.memref_squeeze %dma_wait3A_613 : memref<1x4x4x8x128xf32, #tpu.memory_space<vmem>> -> memref<4x4x8x128xf32, #tpu.memory_space<vmem>>
        %dma_wait3A_615 = arith.constant 0 : i32
        %dma_wait3A_616 = arith.constant 0 : i32
        %dma_wait3A_617 = arith.constant 0 : i32
        %dma_wait3A_618 = arith.constant 0 : i32
        %dma_wait3A_619 = tpu.memref_slice %arg4[%dma_wait3A_608, %dma_wait3A_615, %dma_wait3A_616, %dma_wait3A_617, %dma_wait3A_618] : memref<200x4x32x8x128xf32, #tpu.memory_space<hbm>> -> memref<1x4x4x8x128xf32, #tpu.memory_space<hbm>>
        %dma_wait3A_620 = tpu.memref_squeeze %dma_wait3A_619 : memref<1x4x4x8x128xf32, #tpu.memory_space<hbm>> -> memref<4x4x8x128xf32, #tpu.memory_space<hbm>>
        %dma_wait3A_621 = arith.constant 0 : i32
        %dma_wait3A_622 = arith.constant 0 : i32
        %dma_wait3A_623 = arith.constant 0 : i32
        %dma_wait3A_624 = arith.constant 0 : i32
        %dma_wait3A_625 = tpu.memref_slice %arg4[%dma_wait3A_608, %dma_wait3A_621, %dma_wait3A_622, %dma_wait3A_623, %dma_wait3A_624] : memref<200x4x32x8x128xf32, #tpu.memory_space<hbm>> -> memref<1x4x4x8x128xf32, #tpu.memory_space<hbm>>
        %dma_wait3A_626 = tpu.memref_squeeze %dma_wait3A_625 : memref<1x4x4x8x128xf32, #tpu.memory_space<hbm>> -> memref<4x4x8x128xf32, #tpu.memory_space<hbm>>
        %dma_wait3A_627 = arith.constant 0 : i32
        %dma_wait3A_628 = arith.constant 0 : i32
        %dma_wait3A_629 = arith.constant 0 : i32
        %dma_wait3A_630 = arith.constant 0 : i32
        %dma_wait3A_631 = tpu.memref_slice %arg7[%dma_wait3A_607, %dma_wait3A_627, %dma_wait3A_628, %dma_wait3A_629, %dma_wait3A_630] : memref<2x4x5x8x133xf32, #tpu.memory_space<vmem>> -> memref<1x4x4x8x128xf32, #tpu.memory_space<vmem>>
        %dma_wait3A_632 = tpu.memref_squeeze %dma_wait3A_631 : memref<1x4x4x8x128xf32, #tpu.memory_space<vmem>> -> memref<4x4x8x128xf32, #tpu.memory_space<vmem>>
        tpu.wait_dma2 semaphore(%arg13 : memref<!tpu.dma_semaphore, #tpu.memory_space<semaphore_mem>>) src(%dma_wait3A_632 : memref<4x4x8x128xf32, #tpu.memory_space<vmem>>) dst(%dma_wait3A_626 : memref<4x4x8x128xf32, #tpu.memory_space<hbm>>)
      } else {
      }
      %broadcast_in_dim3A_521 = arith.constant 0 : i32
      %broadcast_in_dim3A_522 = vector.broadcast %broadcast_in_dim3A_521 : i32 to vector<16xi32>
      %parallel_loop3A_523 = arith.constant 0 : i32
      %parallel_loop3A_524 = arith.constant 128 : i32
      %parallel_loop3A_525 = arith.constant 1 : i32
      scf.for %parallel_loop3A_607 = %parallel_loop3A_523 to %parallel_loop3A_524 step %parallel_loop3A_525  : i32 {
        %parallel_loop3A_608 = arith.constant 0 : i32
        %parallel_loop3A_609 = arith.addi %parallel_loop3A_608, %parallel_loop3A_607 : i32
        %parallel_loop3A_610 = arith.constant 1 : i32
        %parallel_loop3A_611 = arith.constant 0 : i32
        %parallel_loop3A_612 = tpu.memref_slice %arg6[%parallel_loop3A_610, %parallel_loop3A_609, %parallel_loop3A_611] : memref<2x512x32xf32, #tpu.memory_space<vmem>> -> memref<1x1x32xf32, #tpu.memory_space<vmem>>
        %parallel_loop3A_613 = tpu.memref_squeeze %parallel_loop3A_612 : memref<1x1x32xf32, #tpu.memory_space<vmem>> -> memref<32xf32, #tpu.memory_space<vmem>>
        %parallel_loop3A_614 = arith.constant 0 : index
        %parallel_loop3A_615 = tpu.vector_load %parallel_loop3A_613[%parallel_loop3A_614] {strides = array<i32>} : memref<32xf32, #tpu.memory_space<vmem>>, vector<16xf32>,
        %parallel_loop3A_616 = arith.constant 1 : i32
        %parallel_loop3A_617 = arith.constant 0 : i32
        %parallel_loop3A_618 = tpu.memref_slice %arg6[%parallel_loop3A_616, %parallel_loop3A_609, %parallel_loop3A_617] : memref<2x512x32xf32, #tpu.memory_space<vmem>> -> memref<1x1x32xf32, #tpu.memory_space<vmem>>
        %parallel_loop3A_619 = tpu.memref_squeeze %parallel_loop3A_618 : memref<1x1x32xf32, #tpu.memory_space<vmem>> -> memref<32xf32, #tpu.memory_space<vmem>>
        %parallel_loop3A_620 = arith.constant 16 : index
        %parallel_loop3A_621 = tpu.vector_load %parallel_loop3A_619[%parallel_loop3A_620] {strides = array<i32>} : memref<32xf32, #tpu.memory_space<vmem>>, vector<16xf32>,
        %parallel_loop3A_622 = vector.broadcast %parallel_loop3A_607 : i32 to vector<16xi32>
        %parallel_loop3A_623 = arith.constant 1 : i32
        %parallel_loop3A_624 = arith.constant 0 : i32
        %parallel_loop3A_625 = arith.constant 0 : i32
        %parallel_loop3A_626 = arith.constant 0 : i32
        %parallel_loop3A_627 = arith.constant 0 : i32
        %parallel_loop3A_628 = tpu.memref_slice %arg7[%parallel_loop3A_623, %parallel_loop3A_624, %parallel_loop3A_625, %parallel_loop3A_626, %parallel_loop3A_627] : memref<2x4x5x8x133xf32, #tpu.memory_space<vmem>> -> memref<1x4x5x8x133xf32, #tpu.memory_space<vmem>>
        %parallel_loop3A_629 = tpu.memref_squeeze %parallel_loop3A_628 : memref<1x4x5x8x133xf32, #tpu.memory_space<vmem>> -> memref<4x5x8x133xf32, #tpu.memory_space<vmem>>
        tpu.vector_store_idx %parallel_loop3A_629[%select_n3A_206, %broadcast_in_dim3A_522, %select_n3A_231, %parallel_loop3A_622], %parallel_loop3A_615 : memref<4x5x8x133xf32, #tpu.memory_space<vmem>>[vector<16xi32>, vector<16xi32>, vector<16xi32>, vector<16xi32>], vector<16xf32>,
        %parallel_loop3A_630 = arith.constant 1 : i32
        %parallel_loop3A_631 = arith.constant 0 : i32
        %parallel_loop3A_632 = arith.constant 0 : i32
        %parallel_loop3A_633 = arith.constant 0 : i32
        %parallel_loop3A_634 = arith.constant 0 : i32
        %parallel_loop3A_635 = tpu.memref_slice %arg7[%parallel_loop3A_630, %parallel_loop3A_631, %parallel_loop3A_632, %parallel_loop3A_633, %parallel_loop3A_634] : memref<2x4x5x8x133xf32, #tpu.memory_space<vmem>> -> memref<1x4x5x8x133xf32, #tpu.memory_space<vmem>>
        %parallel_loop3A_636 = tpu.memref_squeeze %parallel_loop3A_635 : memref<1x4x5x8x133xf32, #tpu.memory_space<vmem>> -> memref<4x5x8x133xf32, #tpu.memory_space<vmem>>
        tpu.vector_store_idx %parallel_loop3A_636[%add3A_209, %broadcast_in_dim3A_522, %select_n3A_231, %parallel_loop3A_622], %parallel_loop3A_621 : memref<4x5x8x133xf32, #tpu.memory_space<vmem>>[vector<16xi32>, vector<16xi32>, vector<16xi32>, vector<16xi32>], vector<16xf32>,
      } {sc.loop_unroll_factor = 8 : i64, sc.parallel_access}
      %broadcast_in_dim3A_526 = arith.constant 1 : i32
      %broadcast_in_dim3A_527 = vector.broadcast %broadcast_in_dim3A_526 : i32 to vector<16xi32>
      %parallel_loop3A_528 = arith.constant 0 : i32
      %parallel_loop3A_529 = arith.constant 128 : i32
      %parallel_loop3A_530 = arith.constant 1 : i32
      scf.for %parallel_loop3A_607 = %parallel_loop3A_528 to %parallel_loop3A_529 step %parallel_loop3A_530  : i32 {
        %parallel_loop3A_608 = arith.constant 128 : i32
        %parallel_loop3A_609 = arith.addi %parallel_loop3A_608, %parallel_loop3A_607 : i32
        %parallel_loop3A_610 = arith.constant 1 : i32
        %parallel_loop3A_611 = arith.constant 0 : i32
        %parallel_loop3A_612 = tpu.memref_slice %arg6[%parallel_loop3A_610, %parallel_loop3A_609, %parallel_loop3A_611] : memref<2x512x32xf32, #tpu.memory_space<vmem>> -> memref<1x1x32xf32, #tpu.memory_space<vmem>>
        %parallel_loop3A_613 = tpu.memref_squeeze %parallel_loop3A_612 : memref<1x1x32xf32, #tpu.memory_space<vmem>> -> memref<32xf32, #tpu.memory_space<vmem>>
        %parallel_loop3A_614 = arith.constant 0 : index
        %parallel_loop3A_615 = tpu.vector_load %parallel_loop3A_613[%parallel_loop3A_614] {strides = array<i32>} : memref<32xf32, #tpu.memory_space<vmem>>, vector<16xf32>,
        %parallel_loop3A_616 = arith.constant 1 : i32
        %parallel_loop3A_617 = arith.constant 0 : i32
        %parallel_loop3A_618 = tpu.memref_slice %arg6[%parallel_loop3A_616, %parallel_loop3A_609, %parallel_loop3A_617] : memref<2x512x32xf32, #tpu.memory_space<vmem>> -> memref<1x1x32xf32, #tpu.memory_space<vmem>>
        %parallel_loop3A_619 = tpu.memref_squeeze %parallel_loop3A_618 : memref<1x1x32xf32, #tpu.memory_space<vmem>> -> memref<32xf32, #tpu.memory_space<vmem>>
        %parallel_loop3A_620 = arith.constant 16 : index
        %parallel_loop3A_621 = tpu.vector_load %parallel_loop3A_619[%parallel_loop3A_620] {strides = array<i32>} : memref<32xf32, #tpu.memory_space<vmem>>, vector<16xf32>,
        %parallel_loop3A_622 = vector.broadcast %parallel_loop3A_607 : i32 to vector<16xi32>
        %parallel_loop3A_623 = arith.constant 1 : i32
        %parallel_loop3A_624 = arith.constant 0 : i32
        %parallel_loop3A_625 = arith.constant 0 : i32
        %parallel_loop3A_626 = arith.constant 0 : i32
        %parallel_loop3A_627 = arith.constant 0 : i32
        %parallel_loop3A_628 = tpu.memref_slice %arg7[%parallel_loop3A_623, %parallel_loop3A_624, %parallel_loop3A_625, %parallel_loop3A_626, %parallel_loop3A_627] : memref<2x4x5x8x133xf32, #tpu.memory_space<vmem>> -> memref<1x4x5x8x133xf32, #tpu.memory_space<vmem>>
        %parallel_loop3A_629 = tpu.memref_squeeze %parallel_loop3A_628 : memref<1x4x5x8x133xf32, #tpu.memory_space<vmem>> -> memref<4x5x8x133xf32, #tpu.memory_space<vmem>>
        tpu.vector_store_idx %parallel_loop3A_629[%select_n3A_206, %broadcast_in_dim3A_527, %select_n3A_231, %parallel_loop3A_622], %parallel_loop3A_615 : memref<4x5x8x133xf32, #tpu.memory_space<vmem>>[vector<16xi32>, vector<16xi32>, vector<16xi32>, vector<16xi32>], vector<16xf32>,
        %parallel_loop3A_630 = arith.constant 1 : i32
        %parallel_loop3A_631 = arith.constant 0 : i32
        %parallel_loop3A_632 = arith.constant 0 : i32
        %parallel_loop3A_633 = arith.constant 0 : i32
        %parallel_loop3A_634 = arith.constant 0 : i32
        %parallel_loop3A_635 = tpu.memref_slice %arg7[%parallel_loop3A_630, %parallel_loop3A_631, %parallel_loop3A_632, %parallel_loop3A_633, %parallel_loop3A_634] : memref<2x4x5x8x133xf32, #tpu.memory_space<vmem>> -> memref<1x4x5x8x133xf32, #tpu.memory_space<vmem>>
        %parallel_loop3A_636 = tpu.memref_squeeze %parallel_loop3A_635 : memref<1x4x5x8x133xf32, #tpu.memory_space<vmem>> -> memref<4x5x8x133xf32, #tpu.memory_space<vmem>>
        tpu.vector_store_idx %parallel_loop3A_636[%add3A_209, %broadcast_in_dim3A_527, %select_n3A_231, %parallel_loop3A_622], %parallel_loop3A_621 : memref<4x5x8x133xf32, #tpu.memory_space<vmem>>[vector<16xi32>, vector<16xi32>, vector<16xi32>, vector<16xi32>], vector<16xf32>,
      } {sc.loop_unroll_factor = 8 : i64, sc.parallel_access}
      %broadcast_in_dim3A_531 = arith.constant 2 : i32
      %broadcast_in_dim3A_532 = vector.broadcast %broadcast_in_dim3A_531 : i32 to vector<16xi32>
      %parallel_loop3A_533 = arith.constant 0 : i32
      %parallel_loop3A_534 = arith.constant 128 : i32
      %parallel_loop3A_535 = arith.constant 1 : i32
      scf.for %parallel_loop3A_607 = %parallel_loop3A_533 to %parallel_loop3A_534 step %parallel_loop3A_535  : i32 {
        %parallel_loop3A_608 = arith.constant 256 : i32
        %parallel_loop3A_609 = arith.addi %parallel_loop3A_608, %parallel_loop3A_607 : i32
        %parallel_loop3A_610 = arith.constant 1 : i32
        %parallel_loop3A_611 = arith.constant 0 : i32
        %parallel_loop3A_612 = tpu.memref_slice %arg6[%parallel_loop3A_610, %parallel_loop3A_609, %parallel_loop3A_611] : memref<2x512x32xf32, #tpu.memory_space<vmem>> -> memref<1x1x32xf32, #tpu.memory_space<vmem>>
        %parallel_loop3A_613 = tpu.memref_squeeze %parallel_loop3A_612 : memref<1x1x32xf32, #tpu.memory_space<vmem>> -> memref<32xf32, #tpu.memory_space<vmem>>
        %parallel_loop3A_614 = arith.constant 0 : index
        %parallel_loop3A_615 = tpu.vector_load %parallel_loop3A_613[%parallel_loop3A_614] {strides = array<i32>} : memref<32xf32, #tpu.memory_space<vmem>>, vector<16xf32>,
        %parallel_loop3A_616 = arith.constant 1 : i32
        %parallel_loop3A_617 = arith.constant 0 : i32
        %parallel_loop3A_618 = tpu.memref_slice %arg6[%parallel_loop3A_616, %parallel_loop3A_609, %parallel_loop3A_617] : memref<2x512x32xf32, #tpu.memory_space<vmem>> -> memref<1x1x32xf32, #tpu.memory_space<vmem>>
        %parallel_loop3A_619 = tpu.memref_squeeze %parallel_loop3A_618 : memref<1x1x32xf32, #tpu.memory_space<vmem>> -> memref<32xf32, #tpu.memory_space<vmem>>
        %parallel_loop3A_620 = arith.constant 16 : index
        %parallel_loop3A_621 = tpu.vector_load %parallel_loop3A_619[%parallel_loop3A_620] {strides = array<i32>} : memref<32xf32, #tpu.memory_space<vmem>>, vector<16xf32>,
        %parallel_loop3A_622 = vector.broadcast %parallel_loop3A_607 : i32 to vector<16xi32>
        %parallel_loop3A_623 = arith.constant 1 : i32
        %parallel_loop3A_624 = arith.constant 0 : i32
        %parallel_loop3A_625 = arith.constant 0 : i32
        %parallel_loop3A_626 = arith.constant 0 : i32
        %parallel_loop3A_627 = arith.constant 0 : i32
        %parallel_loop3A_628 = tpu.memref_slice %arg7[%parallel_loop3A_623, %parallel_loop3A_624, %parallel_loop3A_625, %parallel_loop3A_626, %parallel_loop3A_627] : memref<2x4x5x8x133xf32, #tpu.memory_space<vmem>> -> memref<1x4x5x8x133xf32, #tpu.memory_space<vmem>>
        %parallel_loop3A_629 = tpu.memref_squeeze %parallel_loop3A_628 : memref<1x4x5x8x133xf32, #tpu.memory_space<vmem>> -> memref<4x5x8x133xf32, #tpu.memory_space<vmem>>
        tpu.vector_store_idx %parallel_loop3A_629[%select_n3A_206, %broadcast_in_dim3A_532, %select_n3A_231, %parallel_loop3A_622], %parallel_loop3A_615 : memref<4x5x8x133xf32, #tpu.memory_space<vmem>>[vector<16xi32>, vector<16xi32>, vector<16xi32>, vector<16xi32>], vector<16xf32>,
        %parallel_loop3A_630 = arith.constant 1 : i32
        %parallel_loop3A_631 = arith.constant 0 : i32
        %parallel_loop3A_632 = arith.constant 0 : i32
        %parallel_loop3A_633 = arith.constant 0 : i32
        %parallel_loop3A_634 = arith.constant 0 : i32
        %parallel_loop3A_635 = tpu.memref_slice %arg7[%parallel_loop3A_630, %parallel_loop3A_631, %parallel_loop3A_632, %parallel_loop3A_633, %parallel_loop3A_634] : memref<2x4x5x8x133xf32, #tpu.memory_space<vmem>> -> memref<1x4x5x8x133xf32, #tpu.memory_space<vmem>>
        %parallel_loop3A_636 = tpu.memref_squeeze %parallel_loop3A_635 : memref<1x4x5x8x133xf32, #tpu.memory_space<vmem>> -> memref<4x5x8x133xf32, #tpu.memory_space<vmem>>
        tpu.vector_store_idx %parallel_loop3A_636[%add3A_209, %broadcast_in_dim3A_532, %select_n3A_231, %parallel_loop3A_622], %parallel_loop3A_621 : memref<4x5x8x133xf32, #tpu.memory_space<vmem>>[vector<16xi32>, vector<16xi32>, vector<16xi32>, vector<16xi32>], vector<16xf32>,
      } {sc.loop_unroll_factor = 8 : i64, sc.parallel_access}
      %broadcast_in_dim3A_536 = arith.constant 3 : i32
      %broadcast_in_dim3A_537 = vector.broadcast %broadcast_in_dim3A_536 : i32 to vector<16xi32>
      %parallel_loop3A_538 = arith.constant 0 : i32
      %parallel_loop3A_539 = arith.constant 128 : i32
      %parallel_loop3A_540 = arith.constant 1 : i32
      scf.for %parallel_loop3A_607 = %parallel_loop3A_538 to %parallel_loop3A_539 step %parallel_loop3A_540  : i32 {
        %parallel_loop3A_608 = arith.constant 384 : i32
        %parallel_loop3A_609 = arith.addi %parallel_loop3A_608, %parallel_loop3A_607 : i32
        %parallel_loop3A_610 = arith.constant 1 : i32
        %parallel_loop3A_611 = arith.constant 0 : i32
        %parallel_loop3A_612 = tpu.memref_slice %arg6[%parallel_loop3A_610, %parallel_loop3A_609, %parallel_loop3A_611] : memref<2x512x32xf32, #tpu.memory_space<vmem>> -> memref<1x1x32xf32, #tpu.memory_space<vmem>>
        %parallel_loop3A_613 = tpu.memref_squeeze %parallel_loop3A_612 : memref<1x1x32xf32, #tpu.memory_space<vmem>> -> memref<32xf32, #tpu.memory_space<vmem>>
        %parallel_loop3A_614 = arith.constant 0 : index
        %parallel_loop3A_615 = tpu.vector_load %parallel_loop3A_613[%parallel_loop3A_614] {strides = array<i32>} : memref<32xf32, #tpu.memory_space<vmem>>, vector<16xf32>,
        %parallel_loop3A_616 = arith.constant 1 : i32
        %parallel_loop3A_617 = arith.constant 0 : i32
        %parallel_loop3A_618 = tpu.memref_slice %arg6[%parallel_loop3A_616, %parallel_loop3A_609, %parallel_loop3A_617] : memref<2x512x32xf32, #tpu.memory_space<vmem>> -> memref<1x1x32xf32, #tpu.memory_space<vmem>>
        %parallel_loop3A_619 = tpu.memref_squeeze %parallel_loop3A_618 : memref<1x1x32xf32, #tpu.memory_space<vmem>> -> memref<32xf32, #tpu.memory_space<vmem>>
        %parallel_loop3A_620 = arith.constant 16 : index
        %parallel_loop3A_621 = tpu.vector_load %parallel_loop3A_619[%parallel_loop3A_620] {strides = array<i32>} : memref<32xf32, #tpu.memory_space<vmem>>, vector<16xf32>,
        %parallel_loop3A_622 = vector.broadcast %parallel_loop3A_607 : i32 to vector<16xi32>
        %parallel_loop3A_623 = arith.constant 1 : i32
        %parallel_loop3A_624 = arith.constant 0 : i32
        %parallel_loop3A_625 = arith.constant 0 : i32
        %parallel_loop3A_626 = arith.constant 0 : i32
        %parallel_loop3A_627 = arith.constant 0 : i32
        %parallel_loop3A_628 = tpu.memref_slice %arg7[%parallel_loop3A_623, %parallel_loop3A_624, %parallel_loop3A_625, %parallel_loop3A_626, %parallel_loop3A_627] : memref<2x4x5x8x133xf32, #tpu.memory_space<vmem>> -> memref<1x4x5x8x133xf32, #tpu.memory_space<vmem>>
        %parallel_loop3A_629 = tpu.memref_squeeze %parallel_loop3A_628 : memref<1x4x5x8x133xf32, #tpu.memory_space<vmem>> -> memref<4x5x8x133xf32, #tpu.memory_space<vmem>>
        tpu.vector_store_idx %parallel_loop3A_629[%select_n3A_206, %broadcast_in_dim3A_537, %select_n3A_231, %parallel_loop3A_622], %parallel_loop3A_615 : memref<4x5x8x133xf32, #tpu.memory_space<vmem>>[vector<16xi32>, vector<16xi32>, vector<16xi32>, vector<16xi32>], vector<16xf32>,
        %parallel_loop3A_630 = arith.constant 1 : i32
        %parallel_loop3A_631 = arith.constant 0 : i32
        %parallel_loop3A_632 = arith.constant 0 : i32
        %parallel_loop3A_633 = arith.constant 0 : i32
        %parallel_loop3A_634 = arith.constant 0 : i32
        %parallel_loop3A_635 = tpu.memref_slice %arg7[%parallel_loop3A_630, %parallel_loop3A_631, %parallel_loop3A_632, %parallel_loop3A_633, %parallel_loop3A_634] : memref<2x4x5x8x133xf32, #tpu.memory_space<vmem>> -> memref<1x4x5x8x133xf32, #tpu.memory_space<vmem>>
        %parallel_loop3A_636 = tpu.memref_squeeze %parallel_loop3A_635 : memref<1x4x5x8x133xf32, #tpu.memory_space<vmem>> -> memref<4x5x8x133xf32, #tpu.memory_space<vmem>>
        tpu.vector_store_idx %parallel_loop3A_636[%add3A_209, %broadcast_in_dim3A_537, %select_n3A_231, %parallel_loop3A_622], %parallel_loop3A_621 : memref<4x5x8x133xf32, #tpu.memory_space<vmem>>[vector<16xi32>, vector<16xi32>, vector<16xi32>, vector<16xi32>], vector<16xf32>,
      } {sc.loop_unroll_factor = 8 : i64, sc.parallel_access}
      %add3A_541 = arith.addi %mul3A_2, %add3A_449 : i32
      %jit3A_542 = arith.constant 8 : i32
      %div3A_543 = arith.divsi %add3A_541, %jit3A_542 : i32
      %sign3A_544 = arith.constant 0 : i32
      %sign3A_545 = arith.cmpi sgt, %add3A_541, %sign3A_544 : i32
      %sign3A_546 = arith.extui %sign3A_545 : i1 to i32
      %sign3A_547 = arith.constant 0 : i32
      %sign3A_548 = arith.cmpi slt, %add3A_541, %sign3A_547 : i32
      %sign3A_549 = arith.extui %sign3A_548 : i1 to i32
      %sign3A_550 = arith.subi %sign3A_546, %sign3A_549 : i32
      %sign3A_551 = arith.constant 0 : i32
      %sign3A_552 = arith.cmpi sgt, %jit3A_542, %sign3A_551 : i32
      %sign3A_553 = arith.extui %sign3A_552 : i1 to i32
      %sign3A_554 = arith.constant 0 : i32
      %sign3A_555 = arith.cmpi slt, %jit3A_542, %sign3A_554 : i32
      %sign3A_556 = arith.extui %sign3A_555 : i1 to i32
      %sign3A_557 = arith.subi %sign3A_553, %sign3A_556 : i32
      %ne3A_558 = arith.cmpi ne, %sign3A_550, %sign3A_557 : i32
      %rem3A_559 = arith.remsi %add3A_541, %jit3A_542 : i32
      %ne3A_560 = arith.constant 0 : i32
      %ne3A_561 = arith.cmpi ne, %rem3A_559, %ne3A_560 : i32
      %and3A_562 = arith.andi %ne3A_558, %ne3A_561 : i1
      %sub3A_563 = arith.constant 1 : i32
      %sub3A_564 = arith.subi %div3A_543, %sub3A_563 : i32
      %select_n3A_565 = arith.select %and3A_562, %sub3A_564, %div3A_543 : i32
      %jit3A_566 = arith.constant 8 : i32
      %eq3A_567 = arith.constant 0 : i32
      %eq3A_568 = arith.cmpi eq, %jit3A_566, %eq3A_567 : i32
      %jit3A_569 = arith.constant 1 : i32
      %select_n3A_570 = arith.select %eq3A_568, %jit3A_569, %jit3A_566 : i32
      %rem3A_571 = arith.remsi %add3A_541, %select_n3A_570 : i32
      %ne3A_572 = arith.constant 0 : i32
      %ne3A_573 = arith.cmpi ne, %rem3A_571, %ne3A_572 : i32
      %lt3A_574 = arith.constant 0 : i32
      %lt3A_575 = arith.cmpi slt, %rem3A_571, %lt3A_574 : i32
      %lt3A_576 = arith.constant 0 : i32
      %lt3A_577 = arith.cmpi slt, %select_n3A_570, %lt3A_576 : i32
      %ne3A_578 = arith.xori %lt3A_575, %lt3A_577 : i1
      %and3A_579 = arith.andi %ne3A_578, %ne3A_573 : i1
      %add3A_580 = arith.addi %rem3A_571, %select_n3A_570 : i32
      %select_n3A_581 = arith.select %and3A_579, %add3A_580, %rem3A_571 : i32
      %mul3A_582 = arith.constant 4 : i32
      %mul3A_583 = arith.muli %select_n3A_581, %mul3A_582 : i32
      %dma_start3A_584 = arith.constant 1 : i32
      %dma_start3A_585 = arith.constant 0 : i32
      %dma_start3A_586 = arith.constant 0 : i32
      %dma_start3A_587 = arith.constant 0 : i32
      %dma_start3A_588 = arith.constant 0 : i32
      %dma_start3A_589 = tpu.memref_slice %arg7[%dma_start3A_584, %dma_start3A_585, %dma_start3A_586, %dma_start3A_587, %dma_start3A_588] : memref<2x4x5x8x133xf32, #tpu.memory_space<vmem>> -> memref<1x4x4x8x128xf32, #tpu.memory_space<vmem>>
      %dma_start3A_590 = tpu.memref_squeeze %dma_start3A_589 : memref<1x4x4x8x128xf32, #tpu.memory_space<vmem>> -> memref<4x4x8x128xf32, #tpu.memory_space<vmem>>
      %dma_start3A_591 = arith.constant 0 : i32
      %dma_start3A_592 = arith.constant 0 : i32
      %dma_start3A_593 = arith.constant 0 : i32
      %dma_start3A_594 = tpu.memref_slice %arg4[%select_n3A_565, %dma_start3A_591, %mul3A_583, %dma_start3A_592, %dma_start3A_593] : memref<200x4x32x8x128xf32, #tpu.memory_space<hbm>> -> memref<1x4x4x8x128xf32, #tpu.memory_space<hbm>>
      %dma_start3A_595 = tpu.memref_squeeze %dma_start3A_594 : memref<1x4x4x8x128xf32, #tpu.memory_space<hbm>> -> memref<4x4x8x128xf32, #tpu.memory_space<hbm>>
      %dma_start3A_596 = arith.constant 0 : i32
      %dma_start3A_597 = arith.constant 0 : i32
      %dma_start3A_598 = arith.constant 0 : i32
      %dma_start3A_599 = tpu.memref_slice %arg4[%select_n3A_565, %dma_start3A_596, %mul3A_583, %dma_start3A_597, %dma_start3A_598] : memref<200x4x32x8x128xf32, #tpu.memory_space<hbm>> -> memref<1x4x4x8x128xf32, #tpu.memory_space<hbm>>
      %dma_start3A_600 = tpu.memref_squeeze %dma_start3A_599 : memref<1x4x4x8x128xf32, #tpu.memory_space<hbm>> -> memref<4x4x8x128xf32, #tpu.memory_space<hbm>>
      %dma_start3A_601 = arith.constant 0 : i32
      %dma_start3A_602 = arith.constant 0 : i32
      %dma_start3A_603 = arith.constant 0 : i32
      %dma_start3A_604 = arith.constant 0 : i32
      %dma_start3A_605 = tpu.memref_slice %arg7[%dma_start3A_584, %dma_start3A_601, %dma_start3A_602, %dma_start3A_603, %dma_start3A_604] : memref<2x4x5x8x133xf32, #tpu.memory_space<vmem>> -> memref<1x4x4x8x128xf32, #tpu.memory_space<vmem>>
      %dma_start3A_606 = tpu.memref_squeeze %dma_start3A_605 : memref<1x4x4x8x128xf32, #tpu.memory_space<vmem>> -> memref<4x4x8x128xf32, #tpu.memory_space<vmem>>
      tpu.enqueue_dma source(%dma_start3A_606 : memref<4x4x8x128xf32, #tpu.memory_space<vmem>>) target(%dma_start3A_600 : memref<4x4x8x128xf32, #tpu.memory_space<hbm>>) target_semaphore(%arg13 : memref<!tpu.dma_semaphore, #tpu.memory_space<semaphore_mem>>)
    }
    %scan3A_236 = arith.constant 25 : i32
    %dma_wait3A_237 = arith.constant 0 : i32
    %dma_wait3A_238 = arith.constant 0 : i32
    %dma_wait3A_239 = arith.constant 0 : i32
    %dma_wait3A_240 = arith.constant 0 : i32
    %dma_wait3A_241 = arith.constant 0 : i32
    %dma_wait3A_242 = arith.constant 0 : i32
    %dma_wait3A_243 = tpu.memref_slice %arg7[%dma_wait3A_237, %dma_wait3A_239, %dma_wait3A_240, %dma_wait3A_241, %dma_wait3A_242] : memref<2x4x5x8x133xf32, #tpu.memory_space<vmem>> -> memref<1x4x4x8x128xf32, #tpu.memory_space<vmem>>
    %dma_wait3A_244 = tpu.memref_squeeze %dma_wait3A_243 : memref<1x4x4x8x128xf32, #tpu.memory_space<vmem>> -> memref<4x4x8x128xf32, #tpu.memory_space<vmem>>
    %dma_wait3A_245 = arith.constant 0 : i32
    %dma_wait3A_246 = arith.constant 0 : i32
    %dma_wait3A_247 = arith.constant 0 : i32
    %dma_wait3A_248 = arith.constant 0 : i32
    %dma_wait3A_249 = tpu.memref_slice %arg4[%dma_wait3A_238, %dma_wait3A_245, %dma_wait3A_246, %dma_wait3A_247, %dma_wait3A_248] : memref<200x4x32x8x128xf32, #tpu.memory_space<hbm>> -> memref<1x4x4x8x128xf32, #tpu.memory_space<hbm>>
    %dma_wait3A_250 = tpu.memref_squeeze %dma_wait3A_249 : memref<1x4x4x8x128xf32, #tpu.memory_space<hbm>> -> memref<4x4x8x128xf32, #tpu.memory_space<hbm>>
    %dma_wait3A_251 = arith.constant 0 : i32
    %dma_wait3A_252 = arith.constant 0 : i32
    %dma_wait3A_253 = arith.constant 0 : i32
    %dma_wait3A_254 = arith.constant 0 : i32
    %dma_wait3A_255 = tpu.memref_slice %arg4[%dma_wait3A_238, %dma_wait3A_251, %dma_wait3A_252, %dma_wait3A_253, %dma_wait3A_254] : memref<200x4x32x8x128xf32, #tpu.memory_space<hbm>> -> memref<1x4x4x8x128xf32, #tpu.memory_space<hbm>>
    %dma_wait3A_256 = tpu.memref_squeeze %dma_wait3A_255 : memref<1x4x4x8x128xf32, #tpu.memory_space<hbm>> -> memref<4x4x8x128xf32, #tpu.memory_space<hbm>>
    %dma_wait3A_257 = arith.constant 0 : i32
    %dma_wait3A_258 = arith.constant 0 : i32
    %dma_wait3A_259 = arith.constant 0 : i32
    %dma_wait3A_260 = arith.constant 0 : i32
    %dma_wait3A_261 = tpu.memref_slice %arg7[%dma_wait3A_237, %dma_wait3A_257, %dma_wait3A_258, %dma_wait3A_259, %dma_wait3A_260] : memref<2x4x5x8x133xf32, #tpu.memory_space<vmem>> -> memref<1x4x4x8x128xf32, #tpu.memory_space<vmem>>
    %dma_wait3A_262 = tpu.memref_squeeze %dma_wait3A_261 : memref<1x4x4x8x128xf32, #tpu.memory_space<vmem>> -> memref<4x4x8x128xf32, #tpu.memory_space<vmem>>
    tpu.wait_dma2 semaphore(%arg12 : memref<!tpu.dma_semaphore, #tpu.memory_space<semaphore_mem>>) src(%dma_wait3A_262 : memref<4x4x8x128xf32, #tpu.memory_space<vmem>>) dst(%dma_wait3A_256 : memref<4x4x8x128xf32, #tpu.memory_space<hbm>>)
    %dma_wait3A_263 = arith.constant 1 : i32
    %dma_wait3A_264 = arith.constant 0 : i32
    %dma_wait3A_265 = arith.constant 0 : i32
    %dma_wait3A_266 = arith.constant 0 : i32
    %dma_wait3A_267 = arith.constant 0 : i32
    %dma_wait3A_268 = arith.constant 0 : i32
    %dma_wait3A_269 = tpu.memref_slice %arg7[%dma_wait3A_263, %dma_wait3A_265, %dma_wait3A_266, %dma_wait3A_267, %dma_wait3A_268] : memref<2x4x5x8x133xf32, #tpu.memory_space<vmem>> -> memref<1x4x4x8x128xf32, #tpu.memory_space<vmem>>
    %dma_wait3A_270 = tpu.memref_squeeze %dma_wait3A_269 : memref<1x4x4x8x128xf32, #tpu.memory_space<vmem>> -> memref<4x4x8x128xf32, #tpu.memory_space<vmem>>
    %dma_wait3A_271 = arith.constant 0 : i32
    %dma_wait3A_272 = arith.constant 0 : i32
    %dma_wait3A_273 = arith.constant 0 : i32
    %dma_wait3A_274 = arith.constant 0 : i32
    %dma_wait3A_275 = tpu.memref_slice %arg4[%dma_wait3A_264, %dma_wait3A_271, %dma_wait3A_272, %dma_wait3A_273, %dma_wait3A_274] : memref<200x4x32x8x128xf32, #tpu.memory_space<hbm>> -> memref<1x4x4x8x128xf32, #tpu.memory_space<hbm>>
    %dma_wait3A_276 = tpu.memref_squeeze %dma_wait3A_275 : memref<1x4x4x8x128xf32, #tpu.memory_space<hbm>> -> memref<4x4x8x128xf32, #tpu.memory_space<hbm>>
    %dma_wait3A_277 = arith.constant 0 : i32
    %dma_wait3A_278 = arith.constant 0 : i32
    %dma_wait3A_279 = arith.constant 0 : i32
    %dma_wait3A_280 = arith.constant 0 : i32
    %dma_wait3A_281 = tpu.memref_slice %arg4[%dma_wait3A_264, %dma_wait3A_277, %dma_wait3A_278, %dma_wait3A_279, %dma_wait3A_280] : memref<200x4x32x8x128xf32, #tpu.memory_space<hbm>> -> memref<1x4x4x8x128xf32, #tpu.memory_space<hbm>>
    %dma_wait3A_282 = tpu.memref_squeeze %dma_wait3A_281 : memref<1x4x4x8x128xf32, #tpu.memory_space<hbm>> -> memref<4x4x8x128xf32, #tpu.memory_space<hbm>>
    %dma_wait3A_283 = arith.constant 0 : i32
    %dma_wait3A_284 = arith.constant 0 : i32
    %dma_wait3A_285 = arith.constant 0 : i32
    %dma_wait3A_286 = arith.constant 0 : i32
    %dma_wait3A_287 = tpu.memref_slice %arg7[%dma_wait3A_263, %dma_wait3A_283, %dma_wait3A_284, %dma_wait3A_285, %dma_wait3A_286] : memref<2x4x5x8x133xf32, #tpu.memory_space<vmem>> -> memref<1x4x4x8x128xf32, #tpu.memory_space<vmem>>
    %dma_wait3A_288 = tpu.memref_squeeze %dma_wait3A_287 : memref<1x4x4x8x128xf32, #tpu.memory_space<vmem>> -> memref<4x4x8x128xf32, #tpu.memory_space<vmem>>
    tpu.wait_dma2 semaphore(%arg13 : memref<!tpu.dma_semaphore, #tpu.memory_space<semaphore_mem>>) src(%dma_wait3A_288 : memref<4x4x8x128xf32, #tpu.memory_space<vmem>>) dst(%dma_wait3A_282 : memref<4x4x8x128xf32, #tpu.memory_space<hbm>>)
    return
  }
}

</mosaic_0001>

<sc_bundles>
// kernel: _gather_call.3.cloned.1.call-start
scs
__scs_entry_jumppad:
0x0: {  	(pc) =	sbr.rel $0x88, $3  }
0x1: {  	(tag) =	ssettag $0x0;
	lr =	simm.s32 $0x1  }
0x2: {  	[smem:$0x3F9F] =	sst lr;
	_ =	strace $0xD0000000  }
0x3: {  	_ = 	snop  }
0x4: {  	_ = 	snop  }
0x5: {  	_ = 	snop  }
0x6: {  	_ = 	snop  }
0x7: {  	_ = 	snop  }
__scs_overlays_trampoline_lowered:
0x8: {  	[smem:$0x3FAE] =	sst s0  }
0x9: {  	[smem:$0x3FAF] =	sst s1  }
0xa: {  	[smem:$0x3FB0] =	sst s2  }
0xb: {  	[smem:$0x3FB1] =	sst s3  }
0xc: {  	[smem:$0x3FB2] =	sst s4  }
0xd: {  	[smem:$0x3FB3] =	sst s5  }
0xe: {  	[smem:$0x3FB4] =	sst s6  }
0xf: {  	[smem:$0x3FB5] =	sst s7  }
0x10: {  	[smem:$0x3FB6] =	sst s8  }
0x11: {  	[smem:$0x3FB7] =	sst s9;
	s0 =	simm.s32 @!p0 $0x0  }
0x12: {  	s1 =	sld [smem:$0x3F9D];
	s0 =	simm.s32 @p0 $0x1  }
0x13: {  	[smem:$0x3FB8] =	sst s0;
	s0 =	simm.s32 @!p1 $0x0  }
0x14: {  	s2 =	sld [smem:$0x3F9C];
	s0 =	simm.s32 @p1 $0x1  }
0x15: {  	[smem:$0x3FB9] =	sst s0;
	s0 =	simm.s32 @!p2 $0x0  }
0x16: {  	s3 =	sld [smem:$0x3FDB];
	s0 =	simm.s32 @p2 $0x1  }
0x17: {  	s4 =	simm.s32 $0x1BF5;
	[smem:$0x3FBB] =	sst s0  }
0x18: {  	s0 =	sld [smem:$0x3F9E];
	_ =	swait.ge [sflag:s4], $0x0  }
0x19: {  	s7 =	sld [smem:$0x3F9F]  }
0x1a: {  	s8 =	sadd.s32 $0xFFFFE003, lr  }
0x1b: {  	s9 =	sadd.s32 $0xFFFFFEF7, lr;
	s5 =	simm.s32 $0xFFFFFFFF;
	p2 =	slt.u32 s8, $0xFFFFF086  }
0x1c: {  	p1 =	slt.u32 s9, $0xF7A;
	s5 =	simm.s32 @!p2 $0x0  }
0x1d: {  	s5 =	simm.s32 @p1 $0x1;
	p0 =	seq.s32 s7, s2  }
0x1e: {  	s7 =	smul.u32 @!p0 $0xF7A, s2;
	p2 =	seq.s32 @!p0 s5, $0x0  }
0x1f: {  	s9 =	smul.u32 $0xF7A, s1;
	s8 =	simm.s32 @!p0 $0x1BF5;
	p2 =	por !p2, p0  }
0x20: {  	[sflag:s8] =	ssyncset.s32 @!p0 $0xFFFFF086;
	s6 =	sadd.s32 @!p0 s3, s7;
	s7 =	simm.s32 @!p0 $0x108  }
0x21: {  	s3 =	sadd.s32 s3, s9;
	s6 =	sadd.s32 @!p0 $0x88, s6;
	s7 =	simm.s32 @p2 $0x1082  }
0x22: {  	[simem:s7], [sflag:s8] =	dma.local @!p0 [hbm:s6], $0xF7A  }
0x23: {  	s9 =	sor.u32 $0xD0000000, s2;
	s6 =	simm.s32 $0x108;
	_ =	swait.ge @!p0 [sflag:s8], $0x0  }
0x24: {  	s3 =	sadd.s32 $0x88, s3;
	s6 =	simm.s32 @!p1 $0x1082;
	[sflag:s4] =	ssyncset.s32 $0xFFFFF086  }
0x25: {  	[simem:s6], [sflag:s4] =	dma.local [hbm:s3], $0xF7A  }
0x26: {  	[smem:$0x3F9F] =	sst s1;
	(tag) =	ssettag s2;
	_ =	strace s9  }
0x27: {  	s1 =	sld [smem:$0x3FAF]  }
0x28: {  	s2 =	sld [smem:$0x3FB0]  }
0x29: {  	s4 =	sld [smem:$0x3FB2]  }
0x2a: {  	p0 =	seq.s32 s5, $0x0;
	s5 =	sld [smem:$0x3FB3]  }
0x2b: {  	s6 =	sld [smem:$0x3FB4]  }
0x2c: {  	s7 =	sld [smem:$0x3FB5]  }
0x2d: {  	s3 =	simm.s32 $0x108;
	s8 =	sld [smem:$0x3FB6]  }
0x2e: {  	s3 =	simm.s32 @!p0 $0x1082;
	s9 =	sld [smem:$0x3FB7]  }
0x2f: {  	lr =	sadd.s32 s0, s3;
	s0 =	sld [smem:$0x3FAE]  }
0x30: {  	s3 =	sld [smem:$0x3FB1]  }
0x31: {  	[smem:$0x3FBA] =	sst s10  }
0x32: {  	s10 =	sld [smem:$0x3FB8];
	_ =	sdelay $0x3  }
0x33: {  	p0 =	seq.s32 s10, $0x1;
	s10 =	sld [smem:$0x3FBA];
	_ =	sdelay $0x3  }
0x34: {  	[smem:$0x3FBA] =	sst s10  }
0x35: {  	s10 =	sld [smem:$0x3FB9];
	_ =	sdelay $0x3  }
0x36: {  	p1 =	seq.s32 s10, $0x1;
	s10 =	sld [smem:$0x3FBA];
	_ =	sdelay $0x3  }
0x37: {  	[smem:$0x3FBA] =	sst s10  }
0x38: {  	s10 =	sld [smem:$0x3FBB]  }
0x39: {  	_ = 	snop;
	(pc) =	sbr.ind lr, $3  }
0x3a: {  	_ = 	snop  }
0x3b: {  	_ = 	snop  }
0x3c: {  	p2 =	seq.s32 s10, $0x1;
	s10 =	sld [smem:$0x3FBA]  }
0x3d: {  	_ =	shalt  }
0x3e: {  	_ =	shalt  }
0x3f: {  	_ =	shalt  }
0x40: {  	_ =	shalt  }
0x41: {  	_ =	shalt  }
0x42: {  	_ =	shalt  }
0x43: {  	_ =	shalt  }
0x44: {  	_ =	shalt  }
0x45: {  	_ =	shalt  }
0x46: {  	_ =	shalt  }
0x47: {  	_ =	shalt  }
0x48: {  	_ =	shalt  }
0x49: {  	_ =	shalt  }
0x4a: {  	_ =	shalt  }
0x4b: {  	_ =	shalt  }
0x4c: {  	_ =	shalt  }
0x4d: {  	_ =	shalt  }
0x4e: {  	_ =	shalt  }
0x4f: {  	_ =	shalt  }
0x50: {  	_ =	shalt  }
0x51: {  	_ =	shalt  }
0x52: {  	_ =	shalt  }
0x53: {  	_ =	shalt  }
0x54: {  	_ =	shalt  }
0x55: {  	_ =	shalt  }
0x56: {  	_ =	shalt  }
0x57: {  	_ =	shalt  }
0x58: {  	_ =	shalt  }
0x59: {  	_ =	shalt  }
0x5a: {  	_ =	shalt  }
0x5b: {  	_ =	shalt  }
0x5c: {  	_ =	shalt  }
0x5d: {  	_ =	shalt  }
0x5e: {  	_ =	shalt  }
0x5f: {  	_ =	shalt  }
0x60: {  	_ =	shalt  }
0x61: {  	_ =	shalt  }
0x62: {  	_ =	shalt  }
0x63: {  	_ =	shalt  }
0x64: {  	_ =	shalt  }
0x65: {  	_ =	shalt  }
0x66: {  	_ =	shalt  }
0x67: {  	_ =	shalt  }
0x68: {  	_ =	shalt  }
0x69: {  	_ =	shalt  }
0x6a: {  	_ =	shalt  }
0x6b: {  	_ =	shalt  }
0x6c: {  	_ =	shalt  }
0x6d: {  	_ =	shalt  }
0x6e: {  	_ =	shalt  }
0x6f: {  	_ =	shalt  }
0x70: {  	_ =	shalt  }
0x71: {  	_ =	shalt  }
0x72: {  	_ =	shalt  }
0x73: {  	_ =	shalt  }
0x74: {  	_ =	shalt  }
0x75: {  	_ =	shalt  }
0x76: {  	_ =	shalt  }
0x77: {  	_ =	shalt  }
0x78: {  	_ =	shalt  }
0x79: {  	_ =	shalt  }
0x7a: {  	_ =	shalt  }
0x7b: {  	_ =	shalt  }
0x7c: {  	_ =	shalt  }
0x7d: {  	_ =	shalt  }
0x7e: {  	_ =	shalt  }
0x7f: {  	_ =	shalt  }
0x80: {  	_ =	shalt  }
0x81: {  	_ =	shalt  }
0x82: {  	_ =	shalt  }
0x83: {  	_ =	shalt  }
0x84: {  	_ =	shalt  }
0x85: {  	_ =	shalt  }
0x86: {  	_ =	shalt  }
0x87: {  	_ =	shalt  }
.Lfunc_end0:
.L_simem_size_0:
called_computation_lowered:
.L_overlay_start_0:
0x88: {  	s2 =	sld [smem:$0x3FD9]  }
0x89: {  	s3 =	sld [smem:$0x3FFE];
	_ =	sdelay $0x1  }
0x8a: {  	s1 =	srdreg.scid  }
0x8b: {  	s0 =	sand.u32 $0x1, s1  }
0x8c: {  	s17 =	sshll.u32 s0, $0xA;
	s2 =	sadd.s32 s3, s2  }
0x8d: {  	s2 =	sadd.s32 s2, s17  }
0x8e: {  	[smem:$0x3FC6] =	sst s2  }
0x8f: {  	_ = 	snop  }
0x90: {  	s2 =	sld [smem:$0x3FC9]  }
0x91: {  	s18 =	sld [smem:$0x3FD0];
	(tm) =	ssettm $0x1  }
0x92: {  	s4 =	sld [smem:$0x3FFB];
	_ =	sdelay $0x3  }
0x93: {  	_ =	strace s4  }
0x94: {  	s4 =	sld [smem:$0x3FFC];
	_ =	sdelay $0x3  }
0x95: {  	_ =	strace s4  }
0x96: {  	s4 =	sld [smem:$0x3FFD];
	_ =	sdelay $0x3  }
0x97: {  	_ =	strace s4  }
0x98: {  	_ =	strace $0x8FFFFFFF  }
0x99: {  	s19 =	sld [smem:$0x3FDB];
	_ =	sdelay $0x1  }
0x9a: {  	s5 =	simm.s32 $_scs_section_size  }
0x9b: {  	s6 =	simm.s32 $_size__tile_overlayer_lowered;
	s7 =	simm.s32 $_tile_overlayer_lowered  }
0x9c: {  	s22 =	simm.s32 $0x1BFF;
	s21 =	sshll.u32 s7, $0x1;
	s4 =	sadd.s32 s5, s19  }
0x9d: {  	s8 =	simm.s32 $0x0;
	s20 =	sshll.u32 s6, $0x1;
	s6 =	sadd.s32 s21, s4  }
0x9e: {  	[timem:s8], [sflag:s22] =	dma.local [hbm:s6], s20  }
0x9f: {  	_ =	swait.ge [sflag:s22], s20  }
0xa0: {  	s5 =	ssub.s32 $0x0, s20;
	[sflag:s22] =	ssyncset.done $0x0  }
0xa1: {  	[sflag:s22] =	ssyncadd.s32 s5;
	_ =	sdelay $0x1  }
0xa2: {  	s23 =	simm.s32 $0x1B8B  }
0xa3: {  	_ =	swait.ge [sflag:s23], $0x1  }
0xa4: {  	[sflag:s23] =	ssyncset.done $0x0  }
0xa5: {  	s25 =	simm.s32 $0x1B8E;
	s24 =	sld [smem:$0x3FFE];
	[sflag:s23] =	ssyncadd.s32 $0xFFFFFFFF  }
0xa6: {  	s26 =	simm.s32 $execute0_lowered;
	[smem:$0x3FD2] =	sst s25  }
0xa7: {  	s6 =	sshll.u32 s26, $0x1;
	_ =	strace $0x80000046;
	[dreg:$0x1] =	wrdreg $0xFFFFFFFF  }
0xa8: {  	s28 =	simm.s32 $_size_execute0_lowered;
	s4 =	sadd.s32 s4, s6;
	[dreg:$0x0] =	wrdreg $0x0  }
0xa9: {  	s6 =	sshll.u32 s28, $0x1;
	[dreg:$0x2] =	wrdreg s4  }
0xaa: {  	[dreg:$0x3] =	wrdreg s6  }
0xab: {  	[dreg:$0x4] =	wrdreg $0xC0  }
0xac: {  	_ =	task [dreg:s8], $0x5FFFF  }
0xad: {  	[dreg:$0x1] =	wrdreg $0xFFFFFFFF  }
0xae: {  	[dreg:$0x0] =	wrdreg $0x60  }
0xaf: {  	[dreg:$0x2] =	wrdreg s2  }
0xb0: {  	[dreg:$0x3] =	wrdreg s24  }
0xb1: {  	[dreg:$0x4] =	wrdreg s18  }
0xb2: {  	[dreg:$0x5] =	wrdreg $0x9  }
0xb3: {  	_ =	task.clear_ibuf [dreg:s8], $0x6FFFF;
	_ =	strace $0x90000046  }
0xb4: {  	s29 =	simm.s32 $0x9;
	_ =	strace $0x80000048  }
0xb5: {  	_ =	swait.ge [sflag:s29], $0x1  }
0xb6: {  	[sflag:s29] =	ssyncadd.s32 $0xFFFFFFFF  }
0xb7: {  	_ =	strace $0x90000048  }
0xb8: {  	_ =	sfence  }
0xb9: {  	s30 =	sld [smem:$0x0];
	_ =	sdelay $0x2  }
0xba: {  	s31 =	sshll.u32 s1, $0xD;
	s1 =	sshrl.u32 s1, $0x2  }
0xbb: {  	s3 =	sand.u32 $0x4000, s31;
	s1 =	sadd.s32 s1, s30  }
0xbc: {  	s0 =	sor.u32 s3, s0;
	s1 =	sshll.u32 s1, $0x11  }
0xbd: {  	s0 =	sor.u32 s1, s0  }
0xbe: {  	s0 =	sadd.s32 $0x8F2B, s0  }
0xbf: {  	[sflag:s0] =	ssyncadd.remote.s32 $0x1  }
0xc0: {  	_ =	sfence.sel $0xFFFF  }
0xc1: {  	[dreg:$0x0] =	wrdreg $0xFFFFFFFF;
	(pc) =	sbr.abs _section_cstart, $3  }
0xc2: {  	[dreg:$0x1] =	wrdreg $0xFFFFFFFF  }
0xc3: {  	_ =	task.clear_ibuf [dreg:s8], $0x2FFFF;
	_ =	strace $0x9FFFFFFF  }
0xc4: {  	(tm) =	ssettm $0x7FFFFFFF  }
0xc5: {  	_ =	shalt  }
tec
execute0_lowered:
.L_overlay_start_1:
0x0: {  	(tag) =	ssettag $0x1  }
0x1: {  	vm14 =	vcmask $0x300;
	v0 =	vimm.s32 $0x18F8  }
0x2: {  	vm13 =	vcmask $0x704;
	v0 =	vsel vm14, $0x0, v0  }
0x3: {  	vm12 =	vcmask $0xB08;
	v0 =	vsel vm13, $0x88, v0  }
0x4: {  	vm11 =	vcmask $0xF0C;
	v0 =	vsel vm12, $0x110, v0  }
0x5: {  	vm10 =	vcmask $0x1310;
	v0 =	vsel vm11, $0x198, v0  }
0x6: {  	vm9 =	vcmask $0x1714;
	v0 =	vsel vm10, $0x220, v0  }
0x7: {  	vm8 =	vcmask $0x1B18;
	v0 =	vsel vm9, $0x2A8, v0  }
0x8: {  	vm7 =	vcmask $0x1F1C;
	vm6 =	vcmask $0x2320;
	v0 =	vsel vm8, $0x330, v0  }
0x9: {  	vm5 =	vcmask $0x2724;
	v3 =	vimm.s32 $0x4379;
	v0 =	vsel vm7, $0x3B8, v0  }
0xa: {  	vm4 =	vcmask $0x2B28;
	v3 =	vsel vm14, $0x2A81, v3;
	v0 =	vsel vm6, $0x1540, v0  }
0xb: {  	vm3 =	vcmask $0x2F2C;
	v3 =	vsel vm13, $0x2B09, v3;
	v0 =	vsel vm5, $0x15C8, v0  }
0xc: {  	vm2 =	vcmask $0x3330;
	v3 =	vsel vm12, $0x2B91, v3;
	v0 =	vsel vm4, $0x1650, v0  }
0xd: {  	vm1 =	vcmask $0x3734;
	v3 =	vsel vm11, $0x2C19, v3;
	v0 =	vsel vm3, $0x16D8, v0  }
0xe: {  	v1 =	vimm.s32 $0x0;
	v3 =	vsel vm10, $0x2CA1, v3;
	v0 =	vsel vm2, $0x1760, v0  }
0xf: {  	vm0 =	vcmask $0x3B38;
	v3 =	vsel vm9, $0x2D29, v3;
	v2 =	vsel vm1, $0x17E8, v0  }
0x10: {  	v0 =	vsel vm14, $0x3, v1;
	v1 =	vsel vm0, $0x1870, v2;
	v2 =	vimm.s32 $0x18F9  }
0x11: {  	v3 =	vsel vm8, $0x2DB1, v3;
	[tilespmem:$0x1FD60] =	vst v1;
	v1 =	vimm.s32 $0x4378;
	v2 =	vsel vm14, $0x1, v2  }
0x12: {  	v3 =	vsel vm7, $0x2E39, v3;
	v1 =	vsel vm14, $0x2A80, v1;
	v2 =	vsel vm13, $0x89, v2  }
0x13: {  	v3 =	vsel vm6, $0x3FC1, v3;
	v1 =	vsel vm13, $0x2B08, v1;
	v2 =	vsel vm12, $0x111, v2  }
0x14: {  	v3 =	vsel vm5, $0x4049, v3;
	v1 =	vsel vm12, $0x2B90, v1;
	v2 =	vsel vm11, $0x199, v2  }
0x15: {  	v3 =	vsel vm4, $0x40D1, v3;
	v1 =	vsel vm11, $0x2C18, v1;
	v2 =	vsel vm10, $0x221, v2  }
0x16: {  	v3 =	vsel vm3, $0x4159, v3;
	v1 =	vsel vm10, $0x2CA0, v1;
	v2 =	vsel vm9, $0x2A9, v2  }
0x17: {  	v3 =	vsel vm2, $0x41E1, v3;
	v1 =	vsel vm9, $0x2D28, v1;
	v2 =	vsel vm8, $0x331, v2  }
0x18: {  	v3 =	vsel vm1, $0x4269, v3;
	v1 =	vsel vm8, $0x2DB0, v1;
	v2 =	vsel vm7, $0x3B9, v2  }
0x19: {  	v24 =	vsel vm0, $0x42F1, v3;
	v1 =	vsel vm7, $0x2E38, v1;
	v2 =	vsel vm6, $0x1541, v2  }
0x1a: {  	v3 =	vimm.s32 $0x18FB;
	v1 =	vsel vm6, $0x3FC0, v1;
	v2 =	vsel vm5, $0x15C9, v2  }
0x1b: {  	v3 =	vsel vm14, $0x3, v3;
	v1 =	vsel vm5, $0x4048, v1;
	v2 =	vsel vm4, $0x1651, v2  }
0x1c: {  	v3 =	vsel vm13, $0x8B, v3;
	v1 =	vsel vm4, $0x40D0, v1;
	v2 =	vsel vm3, $0x16D9, v2  }
0x1d: {  	v3 =	vsel vm12, $0x113, v3;
	v1 =	vsel vm3, $0x4158, v1;
	v2 =	vsel vm2, $0x1761, v2  }
0x1e: {  	v3 =	vsel vm11, $0x19B, v3;
	v1 =	vsel vm2, $0x41E0, v1;
	v2 =	vsel vm1, $0x17E9, v2  }
0x1f: {  	v1 =	vsel vm1, $0x4268, v1;
	v23 =	vsel vm0, $0x1871, v2;
	v2 =	vimm.s32 $0x437A  }
0x20: {  	v22 =	vsel vm0, $0x42F0, v1;
	v1 =	vimm.s32 $0x18FA;
	v2 =	vsel vm14, $0x2A82, v2  }
0x21: {  	v3 =	vsel vm10, $0x223, v3;
	v1 =	vsel vm14, $0x2, v1;
	v2 =	vsel vm13, $0x2B0A, v2  }
0x22: {  	v3 =	vsel vm9, $0x2AB, v3;
	v1 =	vsel vm13, $0x8A, v1;
	v2 =	vsel vm12, $0x2B92, v2  }
0x23: {  	v3 =	vsel vm8, $0x333, v3;
	v1 =	vsel vm12, $0x112, v1;
	v2 =	vsel vm11, $0x2C1A, v2  }
0x24: {  	v3 =	vsel vm7, $0x3BB, v3;
	v1 =	vsel vm11, $0x19A, v1;
	v2 =	vsel vm10, $0x2CA2, v2  }
0x25: {  	v3 =	vsel vm6, $0x1543, v3;
	v1 =	vsel vm10, $0x222, v1;
	v2 =	vsel vm9, $0x2D2A, v2  }
0x26: {  	v3 =	vsel vm5, $0x15CB, v3;
	v1 =	vsel vm9, $0x2AA, v1;
	v2 =	vsel vm8, $0x2DB2, v2  }
0x27: {  	v3 =	vsel vm4, $0x1653, v3;
	v1 =	vsel vm8, $0x332, v1;
	v2 =	vsel vm7, $0x2E3A, v2  }
0x28: {  	v3 =	vsel vm3, $0x16DB, v3;
	v1 =	vsel vm7, $0x3BA, v1;
	v2 =	vsel vm6, $0x3FC2, v2  }
0x29: {  	v3 =	vsel vm2, $0x1763, v3;
	v1 =	vsel vm6, $0x1542, v1;
	v2 =	vsel vm5, $0x404A, v2  }
0x2a: {  	v3 =	vsel vm1, $0x17EB, v3;
	v1 =	vsel vm5, $0x15CA, v1;
	v2 =	vsel vm4, $0x40D2, v2  }
0x2b: {  	v18 =	vsel vm0, $0x1873, v3;
	v1 =	vsel vm4, $0x1652, v1;
	v2 =	vsel vm3, $0x415A, v2  }
0x2c: {  	v3 =	vimm.s32 $0x437C;
	v1 =	vsel vm3, $0x16DA, v1;
	v2 =	vsel vm2, $0x41E2, v2  }
0x2d: {  	v3 =	vsel vm14, $0x2A84, v3;
	v1 =	vsel vm2, $0x1762, v1;
	v2 =	vsel vm1, $0x426A, v2  }
0x2e: {  	v1 =	vsel vm1, $0x17EA, v1;
	v26 =	vsel vm0, $0x42F2, v2;
	v2 =	vimm.s32 $0x18FC  }
0x2f: {  	v25 =	vsel vm0, $0x1872, v1;
	v1 =	vimm.s32 $0x437B;
	v2 =	vsel vm14, $0x4, v2  }
0x30: {  	v3 =	vsel vm13, $0x2B0C, v3;
	v1 =	vsel vm14, $0x2A83, v1;
	v2 =	vsel vm13, $0x8C, v2  }
0x31: {  	v3 =	vsel vm12, $0x2B94, v3;
	v1 =	vsel vm13, $0x2B0B, v1;
	v2 =	vsel vm12, $0x114, v2  }
0x32: {  	v3 =	vsel vm11, $0x2C1C, v3;
	v1 =	vsel vm12, $0x2B93, v1;
	v2 =	vsel vm11, $0x19C, v2  }
0x33: {  	v3 =	vsel vm10, $0x2CA4, v3;
	v1 =	vsel vm11, $0x2C1B, v1;
	v2 =	vsel vm10, $0x224, v2  }
0x34: {  	v3 =	vsel vm9, $0x2D2C, v3;
	v1 =	vsel vm10, $0x2CA3, v1;
	v2 =	vsel vm9, $0x2AC, v2  }
0x35: {  	v3 =	vsel vm8, $0x2DB4, v3;
	v1 =	vsel vm9, $0x2D2B, v1;
	v2 =	vsel vm8, $0x334, v2  }
0x36: {  	v3 =	vsel vm7, $0x2E3C, v3;
	v1 =	vsel vm8, $0x2DB3, v1;
	v2 =	vsel vm7, $0x3BC, v2  }
0x37: {  	v3 =	vsel vm6, $0x3FC4, v3;
	v1 =	vsel vm7, $0x2E3B, v1;
	v2 =	vsel vm6, $0x1544, v2  }
0x38: {  	v3 =	vsel vm5, $0x404C, v3;
	v1 =	vsel vm6, $0x3FC3, v1;
	v2 =	vsel vm5, $0x15CC, v2  }
0x39: {  	v3 =	vsel vm4, $0x40D4, v3;
	v1 =	vsel vm5, $0x404B, v1;
	v2 =	vsel vm4, $0x1654, v2  }
0x3a: {  	v3 =	vsel vm3, $0x415C, v3;
	v1 =	vsel vm4, $0x40D3, v1;
	v2 =	vsel vm3, $0x16DC, v2  }
0x3b: {  	v3 =	vsel vm2, $0x41E4, v3;
	v1 =	vsel vm3, $0x415B, v1;
	v2 =	vsel vm2, $0x1764, v2  }
0x3c: {  	v3 =	vsel vm1, $0x426C, v3;
	v1 =	vsel vm2, $0x41E3, v1;
	v2 =	vsel vm1, $0x17EC, v2  }
0x3d: {  	v30 =	vsel vm0, $0x42F4, v3;
	v1 =	vsel vm1, $0x426B, v1;
	v19 =	vsel vm0, $0x1874, v2  }
0x3e: {  	v2 =	vimm.s32 $0x437D;
	v28 =	vsel vm0, $0x42F3, v1;
	v1 =	vimm.s32 $0x18FD  }
0x3f: {  	v3 =	vimm.s32 $0x18FE;
	v2 =	vsel vm14, $0x2A85, v2;
	v1 =	vsel vm14, $0x5, v1  }
0x40: {  	v3 =	vsel vm14, $0x6, v3;
	v2 =	vsel vm13, $0x2B0D, v2;
	v1 =	vsel vm13, $0x8D, v1  }
0x41: {  	v3 =	vsel vm13, $0x8E, v3;
	v2 =	vsel vm12, $0x2B95, v2;
	v1 =	vsel vm12, $0x115, v1  }
0x42: {  	v3 =	vsel vm12, $0x116, v3;
	v2 =	vsel vm11, $0x2C1D, v2;
	v1 =	vsel vm11, $0x19D, v1  }
0x43: {  	v3 =	vsel vm11, $0x19E, v3;
	v2 =	vsel vm10, $0x2CA5, v2;
	v1 =	vsel vm10, $0x225, v1  }
0x44: {  	v3 =	vsel vm10, $0x226, v3;
	v2 =	vsel vm9, $0x2D2D, v2;
	v1 =	vsel vm9, $0x2AD, v1  }
0x45: {  	v3 =	vsel vm9, $0x2AE, v3;
	v2 =	vsel vm8, $0x2DB5, v2;
	v1 =	vsel vm8, $0x335, v1  }
0x46: {  	v3 =	vsel vm8, $0x336, v3;
	v2 =	vsel vm7, $0x2E3D, v2;
	v1 =	vsel vm7, $0x3BD, v1  }
0x47: {  	v3 =	vsel vm7, $0x3BE, v3;
	v2 =	vsel vm6, $0x3FC5, v2;
	v1 =	vsel vm6, $0x1545, v1  }
0x48: {  	v3 =	vsel vm6, $0x1546, v3;
	v2 =	vsel vm5, $0x404D, v2;
	v1 =	vsel vm5, $0x15CD, v1  }
0x49: {  	v3 =	vsel vm5, $0x15CE, v3;
	v2 =	vsel vm4, $0x40D5, v2;
	v1 =	vsel vm4, $0x1655, v1  }
0x4a: {  	v3 =	vsel vm4, $0x1656, v3;
	v2 =	vsel vm3, $0x415D, v2;
	v1 =	vsel vm3, $0x16DD, v1  }
0x4b: {  	v3 =	vsel vm3, $0x16DE, v3;
	v2 =	vsel vm2, $0x41E5, v2;
	v1 =	vsel vm2, $0x1765, v1  }
0x4c: {  	v3 =	vsel vm2, $0x1766, v3;
	v2 =	vsel vm1, $0x426D, v2;
	v1 =	vsel vm1, $0x17ED, v1  }
0x4d: {  	v3 =	vsel vm1, $0x17EE, v3;
	v20 =	vsel vm0, $0x1875, v1;
	v1 =	vsel vm0, $0x42F5, v2  }
0x4e: {  	[tilespmem:$0x1FD70] =	vst v1;
	v1 =	vsel vm0, $0x1876, v3  }
0x4f: {  	[tilespmem:$0x1FD80] =	vst v1;
	v1 =	vimm.s32 $0x437E  }
0x50: {  	v3 =	vimm.s32 $0x437F;
	v1 =	vsel vm14, $0x2A86, v1  }
0x51: {  	v3 =	vsel vm14, $0x2A87, v3;
	v1 =	vsel vm13, $0x2B0E, v1  }
0x52: {  	v2 =	vimm.s32 $0x18FF;
	v3 =	vsel vm13, $0x2B0F, v3;
	v1 =	vsel vm12, $0x2B96, v1  }
0x53: {  	v2 =	vsel vm14, $0x7, v2;
	v3 =	vsel vm12, $0x2B97, v3;
	v1 =	vsel vm11, $0x2C1E, v1  }
0x54: {  	v2 =	vsel vm13, $0x8F, v2;
	v3 =	vsel vm11, $0x2C1F, v3;
	v1 =	vsel vm10, $0x2CA6, v1  }
0x55: {  	v2 =	vsel vm12, $0x117, v2;
	v3 =	vsel vm10, $0x2CA7, v3;
	v1 =	vsel vm9, $0x2D2E, v1  }
0x56: {  	v2 =	vsel vm11, $0x19F, v2;
	v3 =	vsel vm9, $0x2D2F, v3;
	v1 =	vsel vm8, $0x2DB6, v1  }
0x57: {  	v2 =	vsel vm10, $0x227, v2;
	v3 =	vsel vm8, $0x2DB7, v3;
	v1 =	vsel vm7, $0x2E3E, v1  }
0x58: {  	v2 =	vsel vm9, $0x2AF, v2;
	v3 =	vsel vm7, $0x2E3F, v3;
	v1 =	vsel vm6, $0x3FC6, v1  }
0x59: {  	v2 =	vsel vm8, $0x337, v2;
	v3 =	vsel vm6, $0x3FC7, v3;
	v1 =	vsel vm5, $0x404E, v1  }
0x5a: {  	v2 =	vsel vm7, $0x3BF, v2;
	v3 =	vsel vm5, $0x404F, v3;
	v1 =	vsel vm4, $0x40D6, v1  }
0x5b: {  	v2 =	vsel vm6, $0x1547, v2;
	v3 =	vsel vm4, $0x40D7, v3;
	v1 =	vsel vm3, $0x415E, v1  }
0x5c: {  	v2 =	vsel vm5, $0x15CF, v2;
	v3 =	vsel vm3, $0x415F, v3;
	v1 =	vsel vm2, $0x41E6, v1  }
0x5d: {  	v2 =	vsel vm4, $0x1657, v2;
	v3 =	vsel vm2, $0x41E7, v3;
	v1 =	vsel vm1, $0x426E, v1  }
0x5e: {  	v2 =	vsel vm3, $0x16DF, v2;
	v3 =	vsel vm1, $0x426F, v3;
	v1 =	vsel vm0, $0x42F6, v1  }
0x5f: {  	v2 =	vsel vm2, $0x1767, v2;
	[tilespmem:$0x1FD90] =	vst v1;
	v1 =	vsel vm0, $0x42F7, v3  }
0x60: {  	v2 =	vsel vm1, $0x17EF, v2;
	[tilespmem:$0x1FDA0] =	vst v1;
	v1 =	vimm.s32 $0x1D38  }
0x61: {  	v21 =	vsel vm0, $0x1877, v2;
	v2 =	vimm.s32 $0x47B8;
	v1 =	vsel vm14, $0x440, v1  }
0x62: {  	v2 =	vsel vm14, $0x2EC0, v2;
	v3 =	vimm.s32 $0x1D39;
	v1 =	vsel vm13, $0x4C8, v1  }
0x63: {  	v2 =	vsel vm13, $0x2F48, v2;
	v3 =	vsel vm14, $0x441, v3;
	v1 =	vsel vm12, $0x550, v1  }
0x64: {  	v2 =	vsel vm12, $0x2FD0, v2;
	v3 =	vsel vm13, $0x4C9, v3;
	v1 =	vsel vm11, $0x5D8, v1  }
0x65: {  	v2 =	vsel vm11, $0x3058, v2;
	v3 =	vsel vm12, $0x551, v3;
	v1 =	vsel vm10, $0x660, v1  }
0x66: {  	v2 =	vsel vm10, $0x30E0, v2;
	v3 =	vsel vm11, $0x5D9, v3;
	v1 =	vsel vm9, $0x6E8, v1  }
0x67: {  	v2 =	vsel vm9, $0x3168, v2;
	v3 =	vsel vm10, $0x661, v3;
	v1 =	vsel vm8, $0x770, v1  }
0x68: {  	v2 =	vsel vm8, $0x31F0, v2;
	v3 =	vsel vm9, $0x6E9, v3;
	v1 =	vsel vm7, $0x7F8, v1  }
0x69: {  	v2 =	vsel vm7, $0x3278, v2;
	v3 =	vsel vm8, $0x771, v3;
	v1 =	vsel vm6, $0x1980, v1  }
0x6a: {  	v2 =	vsel vm6, $0x4400, v2;
	v3 =	vsel vm7, $0x7F9, v3;
	v1 =	vsel vm5, $0x1A08, v1  }
0x6b: {  	v2 =	vsel vm5, $0x4488, v2;
	v3 =	vsel vm6, $0x1981, v3;
	v1 =	vsel vm4, $0x1A90, v1  }
0x6c: {  	v2 =	vsel vm4, $0x4510, v2;
	v3 =	vsel vm5, $0x1A09, v3;
	v1 =	vsel vm3, $0x1B18, v1  }
0x6d: {  	v2 =	vsel vm3, $0x4598, v2;
	v3 =	vsel vm4, $0x1A91, v3;
	v1 =	vsel vm2, $0x1BA0, v1  }
0x6e: {  	v2 =	vsel vm2, $0x4620, v2;
	v3 =	vsel vm3, $0x1B19, v3;
	v1 =	vsel vm1, $0x1C28, v1  }
0x6f: {  	v2 =	vsel vm1, $0x46A8, v2;
	v3 =	vsel vm2, $0x1BA1, v3;
	v1 =	vsel vm0, $0x1CB0, v1  }
0x70: {  	v3 =	vsel vm1, $0x1C29, v3;
	[tilespmem:$0x1FDB0] =	vst v1;
	v1 =	vsel vm0, $0x4730, v2  }
0x71: {  	[tilespmem:$0x1FDC0] =	vst v1;
	v1 =	vsel vm0, $0x1CB1, v3  }
0x72: {  	v2 =	vimm.s32 $0x1D3A;
	[tilespmem:$0x1FDD0] =	vst v1;
	v1 =	vimm.s32 $0x47B9  }
0x73: {  	v3 =	vimm.s32 $0x47BA;
	v2 =	vsel vm14, $0x442, v2;
	v1 =	vsel vm14, $0x2EC1, v1  }
0x74: {  	v3 =	vsel vm14, $0x2EC2, v3;
	v2 =	vsel vm13, $0x4CA, v2;
	v1 =	vsel vm13, $0x2F49, v1  }
0x75: {  	v3 =	vsel vm13, $0x2F4A, v3;
	v2 =	vsel vm12, $0x552, v2;
	v1 =	vsel vm12, $0x2FD1, v1  }
0x76: {  	v3 =	vsel vm12, $0x2FD2, v3;
	v2 =	vsel vm11, $0x5DA, v2;
	v1 =	vsel vm11, $0x3059, v1  }
0x77: {  	v3 =	vsel vm11, $0x305A, v3;
	v2 =	vsel vm10, $0x662, v2;
	v1 =	vsel vm10, $0x30E1, v1  }
0x78: {  	v3 =	vsel vm10, $0x30E2, v3;
	v2 =	vsel vm9, $0x6EA, v2;
	v1 =	vsel vm9, $0x3169, v1  }
0x79: {  	v3 =	vsel vm9, $0x316A, v3;
	v2 =	vsel vm8, $0x772, v2;
	v1 =	vsel vm8, $0x31F1, v1  }
0x7a: {  	v3 =	vsel vm8, $0x31F2, v3;
	v2 =	vsel vm7, $0x7FA, v2;
	v1 =	vsel vm7, $0x3279, v1  }
0x7b: {  	v3 =	vsel vm7, $0x327A, v3;
	v2 =	vsel vm6, $0x1982, v2;
	v1 =	vsel vm6, $0x4401, v1  }
0x7c: {  	v3 =	vsel vm6, $0x4402, v3;
	v2 =	vsel vm5, $0x1A0A, v2;
	v1 =	vsel vm5, $0x4489, v1  }
0x7d: {  	v3 =	vsel vm5, $0x448A, v3;
	v2 =	vsel vm4, $0x1A92, v2;
	v1 =	vsel vm4, $0x4511, v1  }
0x7e: {  	v3 =	vsel vm4, $0x4512, v3;
	v2 =	vsel vm3, $0x1B1A, v2;
	v1 =	vsel vm3, $0x4599, v1  }
0x7f: {  	v3 =	vsel vm3, $0x459A, v3;
	v2 =	vsel vm2, $0x1BA2, v2;
	v1 =	vsel vm2, $0x4621, v1  }
0x80: {  	v3 =	vsel vm2, $0x4622, v3;
	v2 =	vsel vm1, $0x1C2A, v2;
	v1 =	vsel vm1, $0x46A9, v1  }
0x81: {  	v3 =	vsel vm1, $0x46AA, v3;
	v36 =	vsel vm0, $0x4731, v1;
	v1 =	vsel vm0, $0x1CB2, v2  }
0x82: {  	[tilespmem:$0x1FDE0] =	vst v1;
	v1 =	vsel vm0, $0x4732, v3  }
0x83: {  	[tilespmem:$0x1FDF0] =	vst v1;
	v1 =	vimm.s32 $0x1D3B  }
0x84: {  	v2 =	vimm.s32 $0x47BB;
	v1 =	vsel vm14, $0x443, v1  }
0x85: {  	v3 =	vimm.s32 $0x1D3C;
	v2 =	vsel vm14, $0x2EC3, v2;
	v1 =	vsel vm13, $0x4CB, v1  }
0x86: {  	v3 =	vsel vm14, $0x444, v3;
	v2 =	vsel vm13, $0x2F4B, v2;
	v1 =	vsel vm12, $0x553, v1  }
0x87: {  	v3 =	vsel vm13, $0x4CC, v3;
	v2 =	vsel vm12, $0x2FD3, v2;
	v1 =	vsel vm11, $0x5DB, v1  }
0x88: {  	v3 =	vsel vm12, $0x554, v3;
	v2 =	vsel vm11, $0x305B, v2;
	v1 =	vsel vm10, $0x663, v1  }
0x89: {  	v3 =	vsel vm11, $0x5DC, v3;
	v2 =	vsel vm10, $0x30E3, v2;
	v1 =	vsel vm9, $0x6EB, v1  }
0x8a: {  	v3 =	vsel vm10, $0x664, v3;
	v2 =	vsel vm9, $0x316B, v2;
	v1 =	vsel vm8, $0x773, v1  }
0x8b: {  	v3 =	vsel vm9, $0x6EC, v3;
	v2 =	vsel vm8, $0x31F3, v2;
	v1 =	vsel vm7, $0x7FB, v1  }
0x8c: {  	v3 =	vsel vm8, $0x774, v3;
	v2 =	vsel vm7, $0x327B, v2;
	v1 =	vsel vm6, $0x1983, v1  }
0x8d: {  	v3 =	vsel vm7, $0x7FC, v3;
	v2 =	vsel vm6, $0x4403, v2;
	v1 =	vsel vm5, $0x1A0B, v1  }
0x8e: {  	v3 =	vsel vm6, $0x1984, v3;
	v2 =	vsel vm5, $0x448B, v2;
	v1 =	vsel vm4, $0x1A93, v1  }
0x8f: {  	v3 =	vsel vm5, $0x1A0C, v3;
	v2 =	vsel vm4, $0x4513, v2;
	v1 =	vsel vm3, $0x1B1B, v1  }
0x90: {  	v3 =	vsel vm4, $0x1A94, v3;
	v2 =	vsel vm3, $0x459B, v2;
	v1 =	vsel vm2, $0x1BA3, v1  }
0x91: {  	v3 =	vsel vm3, $0x1B1C, v3;
	v2 =	vsel vm2, $0x4623, v2;
	v1 =	vsel vm1, $0x1C2B, v1  }
0x92: {  	v3 =	vsel vm2, $0x1BA4, v3;
	v2 =	vsel vm1, $0x46AB, v2;
	v1 =	vsel vm0, $0x1CB3, v1  }
0x93: {  	v3 =	vsel vm1, $0x1C2C, v3;
	[tilespmem:$0x1FE00] =	vst v1;
	v1 =	vsel vm0, $0x4733, v2  }
0x94: {  	[tilespmem:$0x1FE10] =	vst v1;
	v1 =	vsel vm0, $0x1CB4, v3  }
0x95: {  	v2 =	vimm.s32 $0x1D3D;
	v3 =	vimm.s32 $0x47BD;
	[tilespmem:$0x1FE20] =	vst v1;
	v1 =	vimm.s32 $0x47BC  }
0x96: {  	v2 =	vsel vm14, $0x445, v2;
	v3 =	vsel vm14, $0x2EC5, v3;
	v1 =	vsel vm14, $0x2EC4, v1  }
0x97: {  	v2 =	vsel vm13, $0x4CD, v2;
	v3 =	vsel vm13, $0x2F4D, v3;
	v1 =	vsel vm13, $0x2F4C, v1  }
0x98: {  	v2 =	vsel vm12, $0x555, v2;
	v3 =	vsel vm12, $0x2FD5, v3;
	v1 =	vsel vm12, $0x2FD4, v1  }
0x99: {  	v2 =	vsel vm11, $0x5DD, v2;
	v3 =	vsel vm11, $0x305D, v3;
	v1 =	vsel vm11, $0x305C, v1  }
0x9a: {  	v2 =	vsel vm10, $0x665, v2;
	v3 =	vsel vm10, $0x30E5, v3;
	v1 =	vsel vm10, $0x30E4, v1  }
0x9b: {  	v2 =	vsel vm9, $0x6ED, v2;
	v3 =	vsel vm9, $0x316D, v3;
	v1 =	vsel vm9, $0x316C, v1  }
0x9c: {  	v2 =	vsel vm8, $0x775, v2;
	v3 =	vsel vm8, $0x31F5, v3;
	v1 =	vsel vm8, $0x31F4, v1  }
0x9d: {  	v2 =	vsel vm7, $0x7FD, v2;
	v3 =	vsel vm7, $0x327D, v3;
	v1 =	vsel vm7, $0x327C, v1  }
0x9e: {  	v2 =	vsel vm6, $0x1985, v2;
	v3 =	vsel vm6, $0x4405, v3;
	v1 =	vsel vm6, $0x4404, v1  }
0x9f: {  	v2 =	vsel vm5, $0x1A0D, v2;
	v3 =	vsel vm5, $0x448D, v3;
	v1 =	vsel vm5, $0x448C, v1  }
0xa0: {  	v2 =	vsel vm4, $0x1A95, v2;
	v3 =	vsel vm4, $0x4515, v3;
	v1 =	vsel vm4, $0x4514, v1  }
0xa1: {  	v2 =	vsel vm3, $0x1B1D, v2;
	v3 =	vsel vm3, $0x459D, v3;
	v1 =	vsel vm3, $0x459C, v1  }
0xa2: {  	v2 =	vsel vm2, $0x1BA5, v2;
	v3 =	vsel vm2, $0x4625, v3;
	v1 =	vsel vm2, $0x4624, v1  }
0xa3: {  	v2 =	vsel vm1, $0x1C2D, v2;
	v3 =	vsel vm1, $0x46AD, v3;
	v1 =	vsel vm1, $0x46AC, v1  }
0xa4: {  	v35 =	vsel vm0, $0x1CB5, v2;
	v2 =	vimm.s32 $0x47BE;
	v1 =	vsel vm0, $0x4734, v1  }
0xa5: {  	v2 =	vsel vm14, $0x2EC6, v2;
	[tilespmem:$0x1FE30] =	vst v1;
	v1 =	vsel vm0, $0x4735, v3  }
0xa6: {  	v2 =	vsel vm13, $0x2F4E, v2;
	v3 =	vimm.s32 $0x1D3F;
	[tilespmem:$0x1FE40] =	vst v1;
	v1 =	vimm.s32 $0x1D3E  }
0xa7: {  	v2 =	vsel vm12, $0x2FD6, v2;
	v3 =	vsel vm14, $0x447, v3;
	v1 =	vsel vm14, $0x446, v1  }
0xa8: {  	v2 =	vsel vm11, $0x305E, v2;
	v3 =	vsel vm13, $0x4CF, v3;
	v1 =	vsel vm13, $0x4CE, v1  }
0xa9: {  	v2 =	vsel vm10, $0x30E6, v2;
	v3 =	vsel vm12, $0x557, v3;
	v1 =	vsel vm12, $0x556, v1  }
0xaa: {  	v2 =	vsel vm9, $0x316E, v2;
	v3 =	vsel vm11, $0x5DF, v3;
	v1 =	vsel vm11, $0x5DE, v1  }
0xab: {  	v2 =	vsel vm8, $0x31F6, v2;
	v3 =	vsel vm10, $0x667, v3;
	v1 =	vsel vm10, $0x666, v1  }
0xac: {  	v2 =	vsel vm7, $0x327E, v2;
	v3 =	vsel vm9, $0x6EF, v3;
	v1 =	vsel vm9, $0x6EE, v1  }
0xad: {  	v2 =	vsel vm6, $0x4406, v2;
	v3 =	vsel vm8, $0x777, v3;
	v1 =	vsel vm8, $0x776, v1  }
0xae: {  	v2 =	vsel vm5, $0x448E, v2;
	v3 =	vsel vm7, $0x7FF, v3;
	v1 =	vsel vm7, $0x7FE, v1  }
0xaf: {  	v2 =	vsel vm4, $0x4516, v2;
	v3 =	vsel vm6, $0x1987, v3;
	v1 =	vsel vm6, $0x1986, v1  }
0xb0: {  	v2 =	vsel vm3, $0x459E, v2;
	v3 =	vsel vm5, $0x1A0F, v3;
	v1 =	vsel vm5, $0x1A0E, v1  }
0xb1: {  	v2 =	vsel vm2, $0x4626, v2;
	v3 =	vsel vm4, $0x1A97, v3;
	v1 =	vsel vm4, $0x1A96, v1  }
0xb2: {  	v2 =	vsel vm1, $0x46AE, v2;
	v3 =	vsel vm3, $0x1B1F, v3;
	v1 =	vsel vm3, $0x1B1E, v1  }
0xb3: {  	v39 =	vsel vm0, $0x4736, v2;
	v2 =	vimm.s32 $0x2178;
	v1 =	vsel vm2, $0x1BA6, v1  }
0xb4: {  	v3 =	vsel vm2, $0x1BA7, v3;
	v2 =	vsel vm14, $0x880, v2;
	v1 =	vsel vm1, $0x1C2E, v1  }
0xb5: {  	v3 =	vsel vm1, $0x1C2F, v3;
	v37 =	vsel vm0, $0x1CB6, v1;
	v1 =	vimm.s32 $0x47BF  }
0xb6: {  	v38 =	vsel vm0, $0x1CB7, v3;
	v3 =	vimm.s32 $0x4BF8;
	v1 =	vsel vm14, $0x2EC7, v1  }
0xb7: {  	v2 =	vsel vm13, $0x908, v2;
	v3 =	vsel vm14, $0x3300, v3;
	v1 =	vsel vm13, $0x2F4F, v1  }
0xb8: {  	v2 =	vsel vm12, $0x990, v2;
	v3 =	vsel vm13, $0x3388, v3;
	v1 =	vsel vm12, $0x2FD7, v1  }
0xb9: {  	v2 =	vsel vm11, $0xA18, v2;
	v3 =	vsel vm12, $0x3410, v3;
	v1 =	vsel vm11, $0x305F, v1  }
0xba: {  	v2 =	vsel vm10, $0xAA0, v2;
	v3 =	vsel vm11, $0x3498, v3;
	v1 =	vsel vm10, $0x30E7, v1  }
0xbb: {  	v2 =	vsel vm9, $0xB28, v2;
	v3 =	vsel vm10, $0x3520, v3;
	v1 =	vsel vm9, $0x316F, v1  }
0xbc: {  	v2 =	vsel vm8, $0xBB0, v2;
	v3 =	vsel vm9, $0x35A8, v3;
	v1 =	vsel vm8, $0x31F7, v1  }
0xbd: {  	v2 =	vsel vm7, $0xC38, v2;
	v3 =	vsel vm8, $0x3630, v3;
	v1 =	vsel vm7, $0x327F, v1  }
0xbe: {  	v2 =	vsel vm6, $0x1DC0, v2;
	v3 =	vsel vm7, $0x36B8, v3;
	v1 =	vsel vm6, $0x4407, v1  }
0xbf: {  	v2 =	vsel vm5, $0x1E48, v2;
	v3 =	vsel vm6, $0x4840, v3;
	v1 =	vsel vm5, $0x448F, v1  }
0xc0: {  	v2 =	vsel vm4, $0x1ED0, v2;
	v3 =	vsel vm5, $0x48C8, v3;
	v1 =	vsel vm4, $0x4517, v1  }
0xc1: {  	v2 =	vsel vm3, $0x1F58, v2;
	v3 =	vsel vm4, $0x4950, v3;
	v1 =	vsel vm3, $0x459F, v1  }
0xc2: {  	v2 =	vsel vm2, $0x1FE0, v2;
	v3 =	vsel vm3, $0x49D8, v3;
	v1 =	vsel vm2, $0x4627, v1  }
0xc3: {  	v2 =	vsel vm1, $0x2068, v2;
	v3 =	vsel vm2, $0x4A60, v3;
	v1 =	vsel vm1, $0x46AF, v1  }
0xc4: {  	v3 =	vsel vm1, $0x4AE8, v3;
	v40 =	vsel vm0, $0x4737, v1;
	v1 =	vsel vm0, $0x20F0, v2  }
0xc5: {  	[tilespmem:$0x1FE50] =	vst v1;
	v1 =	vsel vm0, $0x4B70, v3  }
0xc6: {  	[tilespmem:$0x1FE60] =	vst v1;
	v1 =	vimm.s32 $0x2179  }
0xc7: {  	v2 =	vimm.s32 $0x4BF9;
	v1 =	vsel vm14, $0x881, v1  }
0xc8: {  	v3 =	vimm.s32 $0x217A;
	v2 =	vsel vm14, $0x3301, v2;
	v1 =	vsel vm13, $0x909, v1  }
0xc9: {  	v3 =	vsel vm14, $0x882, v3;
	v2 =	vsel vm13, $0x3389, v2;
	v1 =	vsel vm12, $0x991, v1  }
0xca: {  	v3 =	vsel vm13, $0x90A, v3;
	v2 =	vsel vm12, $0x3411, v2;
	v1 =	vsel vm11, $0xA19, v1  }
0xcb: {  	v3 =	vsel vm12, $0x992, v3;
	v2 =	vsel vm11, $0x3499, v2;
	v1 =	vsel vm10, $0xAA1, v1  }
0xcc: {  	v3 =	vsel vm11, $0xA1A, v3;
	v2 =	vsel vm10, $0x3521, v2;
	v1 =	vsel vm9, $0xB29, v1  }
0xcd: {  	v3 =	vsel vm10, $0xAA2, v3;
	v2 =	vsel vm9, $0x35A9, v2;
	v1 =	vsel vm8, $0xBB1, v1  }
0xce: {  	v3 =	vsel vm9, $0xB2A, v3;
	v2 =	vsel vm8, $0x3631, v2;
	v1 =	vsel vm7, $0xC39, v1  }
0xcf: {  	v3 =	vsel vm8, $0xBB2, v3;
	v2 =	vsel vm7, $0x36B9, v2;
	v1 =	vsel vm6, $0x1DC1, v1  }
0xd0: {  	v3 =	vsel vm7, $0xC3A, v3;
	v2 =	vsel vm6, $0x4841, v2;
	v1 =	vsel vm5, $0x1E49, v1  }
0xd1: {  	v3 =	vsel vm6, $0x1DC2, v3;
	v2 =	vsel vm5, $0x48C9, v2;
	v1 =	vsel vm4, $0x1ED1, v1  }
0xd2: {  	v3 =	vsel vm5, $0x1E4A, v3;
	v2 =	vsel vm4, $0x4951, v2;
	v1 =	vsel vm3, $0x1F59, v1  }
0xd3: {  	v3 =	vsel vm4, $0x1ED2, v3;
	v2 =	vsel vm3, $0x49D9, v2;
	v1 =	vsel vm2, $0x1FE1, v1  }
0xd4: {  	v3 =	vsel vm3, $0x1F5A, v3;
	v2 =	vsel vm2, $0x4A61, v2;
	v1 =	vsel vm1, $0x2069, v1  }
0xd5: {  	v3 =	vsel vm2, $0x1FE2, v3;
	v2 =	vsel vm1, $0x4AE9, v2;
	v1 =	vsel vm0, $0x20F1, v1  }
0xd6: {  	v3 =	vsel vm1, $0x206A, v3;
	[tilespmem:$0x1FE70] =	vst v1;
	v1 =	vsel vm0, $0x4B71, v2  }
0xd7: {  	[tilespmem:$0x1FE80] =	vst v1;
	v1 =	vsel vm0, $0x20F2, v3  }
0xd8: {  	[tilespmem:$0x1FE90] =	vst v1;
	v1 =	vimm.s32 $0x4BFA  }
0xd9: {  	v2 =	vimm.s32 $0x217B;
	v3 =	vimm.s32 $0x4BFB;
	v1 =	vsel vm14, $0x3302, v1  }
0xda: {  	v2 =	vsel vm14, $0x883, v2;
	v3 =	vsel vm14, $0x3303, v3;
	v1 =	vsel vm13, $0x338A, v1  }
0xdb: {  	v2 =	vsel vm13, $0x90B, v2;
	v3 =	vsel vm13, $0x338B, v3;
	v1 =	vsel vm12, $0x3412, v1  }
0xdc: {  	v2 =	vsel vm12, $0x993, v2;
	v3 =	vsel vm12, $0x3413, v3;
	v1 =	vsel vm11, $0x349A, v1  }
0xdd: {  	v2 =	vsel vm11, $0xA1B, v2;
	v3 =	vsel vm11, $0x349B, v3;
	v1 =	vsel vm10, $0x3522, v1  }
0xde: {  	v2 =	vsel vm10, $0xAA3, v2;
	v3 =	vsel vm10, $0x3523, v3;
	v1 =	vsel vm9, $0x35AA, v1  }
0xdf: {  	v2 =	vsel vm9, $0xB2B, v2;
	v3 =	vsel vm9, $0x35AB, v3;
	v1 =	vsel vm8, $0x3632, v1  }
0xe0: {  	v2 =	vsel vm8, $0xBB3, v2;
	v3 =	vsel vm8, $0x3633, v3;
	v1 =	vsel vm7, $0x36BA, v1  }
0xe1: {  	v2 =	vsel vm7, $0xC3B, v2;
	v3 =	vsel vm7, $0x36BB, v3;
	v1 =	vsel vm6, $0x4842, v1  }
0xe2: {  	v2 =	vsel vm6, $0x1DC3, v2;
	v3 =	vsel vm6, $0x4843, v3;
	v1 =	vsel vm5, $0x48CA, v1  }
0xe3: {  	v2 =	vsel vm5, $0x1E4B, v2;
	v3 =	vsel vm5, $0x48CB, v3;
	v1 =	vsel vm4, $0x4952, v1  }
0xe4: {  	v2 =	vsel vm4, $0x1ED3, v2;
	v3 =	vsel vm4, $0x4953, v3;
	v1 =	vsel vm3, $0x49DA, v1  }
0xe5: {  	v2 =	vsel vm3, $0x1F5B, v2;
	v3 =	vsel vm3, $0x49DB, v3;
	v1 =	vsel vm2, $0x4A62, v1  }
0xe6: {  	v2 =	vsel vm2, $0x1FE3, v2;
	v3 =	vsel vm2, $0x4A63, v3;
	v1 =	vsel vm1, $0x4AEA, v1  }
0xe7: {  	v2 =	vsel vm1, $0x206B, v2;
	v3 =	vsel vm1, $0x4AEB, v3;
	v1 =	vsel vm0, $0x4B72, v1  }
0xe8: {  	v41 =	vsel vm0, $0x4B73, v3;
	[tilespmem:$0x1FEA0] =	vst v1;
	v1 =	vsel vm0, $0x20F3, v2  }
0xe9: {  	v3 =	vimm.s32 $0x217D;
	v2 =	vimm.s32 $0x4BFC;
	[tilespmem:$0x1FEB0] =	vst v1;
	v1 =	vimm.s32 $0x217C  }
0xea: {  	v3 =	vsel vm14, $0x885, v3;
	v2 =	vsel vm14, $0x3304, v2;
	v1 =	vsel vm14, $0x884, v1  }
0xeb: {  	v3 =	vsel vm13, $0x90D, v3;
	v2 =	vsel vm13, $0x338C, v2;
	v1 =	vsel vm13, $0x90C, v1  }
0xec: {  	v3 =	vsel vm12, $0x995, v3;
	v2 =	vsel vm12, $0x3414, v2;
	v1 =	vsel vm12, $0x994, v1  }
0xed: {  	v3 =	vsel vm11, $0xA1D, v3;
	v2 =	vsel vm11, $0x349C, v2;
	v1 =	vsel vm11, $0xA1C, v1  }
0xee: {  	v3 =	vsel vm10, $0xAA5, v3;
	v2 =	vsel vm10, $0x3524, v2;
	v1 =	vsel vm10, $0xAA4, v1  }
0xef: {  	v3 =	vsel vm9, $0xB2D, v3;
	v2 =	vsel vm9, $0x35AC, v2;
	v1 =	vsel vm9, $0xB2C, v1  }
0xf0: {  	v3 =	vsel vm8, $0xBB5, v3;
	v2 =	vsel vm8, $0x3634, v2;
	v1 =	vsel vm8, $0xBB4, v1  }
0xf1: {  	v3 =	vsel vm7, $0xC3D, v3;
	v2 =	vsel vm7, $0x36BC, v2;
	v1 =	vsel vm7, $0xC3C, v1  }
0xf2: {  	v3 =	vsel vm6, $0x1DC5, v3;
	v2 =	vsel vm6, $0x4844, v2;
	v1 =	vsel vm6, $0x1DC4, v1  }
0xf3: {  	v3 =	vsel vm5, $0x1E4D, v3;
	v2 =	vsel vm5, $0x48CC, v2;
	v1 =	vsel vm5, $0x1E4C, v1  }
0xf4: {  	v3 =	vsel vm4, $0x1ED5, v3;
	v2 =	vsel vm4, $0x4954, v2;
	v1 =	vsel vm4, $0x1ED4, v1  }
0xf5: {  	v3 =	vsel vm3, $0x1F5D, v3;
	v2 =	vsel vm3, $0x49DC, v2;
	v1 =	vsel vm3, $0x1F5C, v1  }
0xf6: {  	v3 =	vsel vm2, $0x1FE5, v3;
	v2 =	vsel vm2, $0x4A64, v2;
	v1 =	vsel vm2, $0x1FE4, v1  }
0xf7: {  	v3 =	vsel vm1, $0x206D, v3;
	v2 =	vsel vm1, $0x4AEC, v2;
	v1 =	vsel vm1, $0x206C, v1  }
0xf8: {  	v43 =	vsel vm0, $0x4B74, v2;
	v2 =	vimm.s32 $0x217E;
	v42 =	vsel vm0, $0x20F4, v1  }
0xf9: {  	v1 =	vsel vm0, $0x20F5, v3;
	v3 =	vimm.s32 $0x4BFE;
	v2 =	vsel vm14, $0x886, v2  }
0xfa: {  	[tilespmem:$0x1FEC0] =	vst v1;
	v1 =	vimm.s32 $0x4BFD;
	v3 =	vsel vm14, $0x3306, v3;
	v2 =	vsel vm13, $0x90E, v2  }
0xfb: {  	v1 =	vsel vm14, $0x3305, v1;
	v3 =	vsel vm13, $0x338E, v3;
	v2 =	vsel vm12, $0x996, v2  }
0xfc: {  	v1 =	vsel vm13, $0x338D, v1;
	v3 =	vsel vm12, $0x3416, v3;
	v2 =	vsel vm11, $0xA1E, v2  }
0xfd: {  	v1 =	vsel vm12, $0x3415, v1;
	v3 =	vsel vm11, $0x349E, v3;
	v2 =	vsel vm10, $0xAA6, v2  }
0xfe: {  	v1 =	vsel vm11, $0x349D, v1;
	v3 =	vsel vm10, $0x3526, v3;
	v2 =	vsel vm9, $0xB2E, v2  }
0xff: {  	v1 =	vsel vm10, $0x3525, v1;
	v3 =	vsel vm9, $0x35AE, v3;
	v2 =	vsel vm8, $0xBB6, v2  }
0x100: {  	v1 =	vsel vm9, $0x35AD, v1;
	v3 =	vsel vm8, $0x3636, v3;
	v2 =	vsel vm7, $0xC3E, v2  }
0x101: {  	v1 =	vsel vm8, $0x3635, v1;
	v3 =	vsel vm7, $0x36BE, v3;
	v2 =	vsel vm6, $0x1DC6, v2  }
0x102: {  	v1 =	vsel vm7, $0x36BD, v1;
	v3 =	vsel vm6, $0x4846, v3;
	v2 =	vsel vm5, $0x1E4E, v2  }
0x103: {  	v1 =	vsel vm6, $0x4845, v1;
	v3 =	vsel vm5, $0x48CE, v3;
	v2 =	vsel vm4, $0x1ED6, v2  }
0x104: {  	v1 =	vsel vm5, $0x48CD, v1;
	v3 =	vsel vm4, $0x4956, v3;
	v2 =	vsel vm3, $0x1F5E, v2  }
0x105: {  	v1 =	vsel vm4, $0x4955, v1;
	v3 =	vsel vm3, $0x49DE, v3;
	v2 =	vsel vm2, $0x1FE6, v2  }
0x106: {  	v1 =	vsel vm3, $0x49DD, v1;
	v3 =	vsel vm2, $0x4A66, v3;
	v2 =	vsel vm1, $0x206E, v2  }
0x107: {  	v1 =	vsel vm2, $0x4A65, v1;
	v3 =	vsel vm1, $0x4AEE, v3;
	v45 =	vsel vm0, $0x20F6, v2  }
0x108: {  	v2 =	vimm.s32 $0x4BFF;
	v1 =	vsel vm1, $0x4AED, v1;
	v46 =	vsel vm0, $0x4B76, v3  }
0x109: {  	v3 =	vimm.s32 $0x25B8;
	v2 =	vsel vm14, $0x3307, v2;
	v44 =	vsel vm0, $0x4B75, v1  }
0x10a: {  	v1 =	vimm.s32 $0x217F;
	v3 =	vsel vm14, $0xCC0, v3;
	v2 =	vsel vm13, $0x338F, v2  }
0x10b: {  	v1 =	vsel vm14, $0x887, v1;
	v3 =	vsel vm13, $0xD48, v3;
	v2 =	vsel vm12, $0x3417, v2  }
0x10c: {  	v1 =	vsel vm13, $0x90F, v1;
	v3 =	vsel vm12, $0xDD0, v3;
	v2 =	vsel vm11, $0x349F, v2  }
0x10d: {  	v1 =	vsel vm12, $0x997, v1;
	v3 =	vsel vm11, $0xE58, v3;
	v2 =	vsel vm10, $0x3527, v2  }
0x10e: {  	v1 =	vsel vm11, $0xA1F, v1;
	v3 =	vsel vm10, $0xEE0, v3;
	v2 =	vsel vm9, $0x35AF, v2  }
0x10f: {  	v1 =	vsel vm10, $0xAA7, v1;
	v3 =	vsel vm9, $0xF68, v3;
	v2 =	vsel vm8, $0x3637, v2  }
0x110: {  	v1 =	vsel vm9, $0xB2F, v1;
	v3 =	vsel vm8, $0xFF0, v3;
	v2 =	vsel vm7, $0x36BF, v2  }
0x111: {  	v1 =	vsel vm8, $0xBB7, v1;
	v3 =	vsel vm7, $0x1078, v3;
	v2 =	vsel vm6, $0x4847, v2  }
0x112: {  	v1 =	vsel vm7, $0xC3F, v1;
	v3 =	vsel vm6, $0x2200, v3;
	v2 =	vsel vm5, $0x48CF, v2  }
0x113: {  	v1 =	vsel vm6, $0x1DC7, v1;
	v3 =	vsel vm5, $0x2288, v3;
	v2 =	vsel vm4, $0x4957, v2  }
0x114: {  	v1 =	vsel vm5, $0x1E4F, v1;
	v3 =	vsel vm4, $0x2310, v3;
	v2 =	vsel vm3, $0x49DF, v2  }
0x115: {  	v1 =	vsel vm4, $0x1ED7, v1;
	v3 =	vsel vm3, $0x2398, v3;
	v2 =	vsel vm2, $0x4A67, v2  }
0x116: {  	v1 =	vsel vm3, $0x1F5F, v1;
	v3 =	vsel vm2, $0x2420, v3;
	v2 =	vsel vm1, $0x4AEF, v2  }
0x117: {  	v1 =	vsel vm2, $0x1FE7, v1;
	v3 =	vsel vm1, $0x24A8, v3;
	v48 =	vsel vm0, $0x4B77, v2  }
0x118: {  	v2 =	vimm.s32 $0x25B9;
	v1 =	vsel vm1, $0x206F, v1;
	v49 =	vsel vm0, $0x2530, v3  }
0x119: {  	v3 =	vimm.s32 $0x5039;
	v2 =	vsel vm14, $0xCC1, v2;
	v47 =	vsel vm0, $0x20F7, v1  }
0x11a: {  	v1 =	vimm.s32 $0x5038;
	v3 =	vsel vm14, $0x3741, v3;
	v2 =	vsel vm13, $0xD49, v2  }
0x11b: {  	v1 =	vsel vm14, $0x3740, v1;
	v3 =	vsel vm13, $0x37C9, v3;
	v2 =	vsel vm12, $0xDD1, v2  }
0x11c: {  	v1 =	vsel vm13, $0x37C8, v1;
	v3 =	vsel vm12, $0x3851, v3;
	v2 =	vsel vm11, $0xE59, v2  }
0x11d: {  	v1 =	vsel vm12, $0x3850, v1;
	v3 =	vsel vm11, $0x38D9, v3;
	v2 =	vsel vm10, $0xEE1, v2  }
0x11e: {  	v1 =	vsel vm11, $0x38D8, v1;
	v3 =	vsel vm10, $0x3961, v3;
	v2 =	vsel vm9, $0xF69, v2  }
0x11f: {  	v1 =	vsel vm10, $0x3960, v1;
	v3 =	vsel vm9, $0x39E9, v3;
	v2 =	vsel vm8, $0xFF1, v2  }
0x120: {  	v1 =	vsel vm9, $0x39E8, v1;
	v3 =	vsel vm8, $0x3A71, v3;
	v2 =	vsel vm7, $0x1079, v2  }
0x121: {  	v1 =	vsel vm8, $0x3A70, v1;
	v3 =	vsel vm7, $0x3AF9, v3;
	v2 =	vsel vm6, $0x2201, v2  }
0x122: {  	v1 =	vsel vm7, $0x3AF8, v1;
	v3 =	vsel vm6, $0x4C81, v3;
	v2 =	vsel vm5, $0x2289, v2  }
0x123: {  	v1 =	vsel vm6, $0x4C80, v1;
	v3 =	vsel vm5, $0x4D09, v3;
	v2 =	vsel vm4, $0x2311, v2  }
0x124: {  	v1 =	vsel vm5, $0x4D08, v1;
	v3 =	vsel vm4, $0x4D91, v3;
	v2 =	vsel vm3, $0x2399, v2  }
0x125: {  	v1 =	vsel vm4, $0x4D90, v1;
	v3 =	vsel vm3, $0x4E19, v3;
	v2 =	vsel vm2, $0x2421, v2  }
0x126: {  	v1 =	vsel vm3, $0x4E18, v1;
	v3 =	vsel vm2, $0x4EA1, v3;
	v2 =	vsel vm1, $0x24A9, v2  }
0x127: {  	v1 =	vsel vm2, $0x4EA0, v1;
	v3 =	vsel vm1, $0x4F29, v3;
	v51 =	vsel vm0, $0x2531, v2  }
0x128: {  	v2 =	vimm.s32 $0x503A;
	v1 =	vsel vm1, $0x4F28, v1;
	v52 =	vsel vm0, $0x4FB1, v3  }
0x129: {  	v3 =	vimm.s32 $0x25BB;
	v2 =	vsel vm14, $0x3742, v2;
	v50 =	vsel vm0, $0x4FB0, v1  }
0x12a: {  	v1 =	vimm.s32 $0x25BA;
	v3 =	vsel vm14, $0xCC3, v3;
	v2 =	vsel vm13, $0x37CA, v2  }
0x12b: {  	v1 =	vsel vm14, $0xCC2, v1;
	v3 =	vsel vm13, $0xD4B, v3;
	v2 =	vsel vm12, $0x3852, v2  }
0x12c: {  	v1 =	vsel vm13, $0xD4A, v1;
	v3 =	vsel vm12, $0xDD3, v3;
	v2 =	vsel vm11, $0x38DA, v2  }
0x12d: {  	v1 =	vsel vm12, $0xDD2, v1;
	v3 =	vsel vm11, $0xE5B, v3;
	v2 =	vsel vm10, $0x3962, v2  }
0x12e: {  	v1 =	vsel vm11, $0xE5A, v1;
	v3 =	vsel vm10, $0xEE3, v3;
	v2 =	vsel vm9, $0x39EA, v2  }
0x12f: {  	v1 =	vsel vm10, $0xEE2, v1;
	v3 =	vsel vm9, $0xF6B, v3;
	v2 =	vsel vm8, $0x3A72, v2  }
0x130: {  	v1 =	vsel vm9, $0xF6A, v1;
	v3 =	vsel vm8, $0xFF3, v3;
	v2 =	vsel vm7, $0x3AFA, v2  }
0x131: {  	v1 =	vsel vm8, $0xFF2, v1;
	v3 =	vsel vm7, $0x107B, v3;
	v2 =	vsel vm6, $0x4C82, v2  }
0x132: {  	v1 =	vsel vm7, $0x107A, v1;
	v3 =	vsel vm6, $0x2203, v3;
	v2 =	vsel vm5, $0x4D0A, v2  }
0x133: {  	v1 =	vsel vm6, $0x2202, v1;
	v3 =	vsel vm5, $0x228B, v3;
	v2 =	vsel vm4, $0x4D92, v2  }
0x134: {  	v1 =	vsel vm5, $0x228A, v1;
	v3 =	vsel vm4, $0x2313, v3;
	v2 =	vsel vm3, $0x4E1A, v2  }
0x135: {  	v1 =	vsel vm4, $0x2312, v1;
	v3 =	vsel vm3, $0x239B, v3;
	v2 =	vsel vm2, $0x4EA2, v2  }
0x136: {  	v1 =	vsel vm3, $0x239A, v1;
	v3 =	vsel vm2, $0x2423, v3;
	v2 =	vsel vm1, $0x4F2A, v2  }
0x137: {  	v1 =	vsel vm2, $0x2422, v1;
	v3 =	vsel vm1, $0x24AB, v3;
	v54 =	vsel vm0, $0x4FB2, v2  }
0x138: {  	v2 =	vimm.s32 $0x25BC;
	v1 =	vsel vm1, $0x24AA, v1;
	v55 =	vsel vm0, $0x2533, v3  }
0x139: {  	v3 =	vimm.s32 $0x503C;
	v2 =	vsel vm14, $0xCC4, v2;
	v53 =	vsel vm0, $0x2532, v1  }
0x13a: {  	v1 =	vimm.s32 $0x503B;
	v3 =	vsel vm14, $0x3744, v3;
	v2 =	vsel vm13, $0xD4C, v2  }
0x13b: {  	v1 =	vsel vm14, $0x3743, v1;
	v3 =	vsel vm13, $0x37CC, v3;
	v2 =	vsel vm12, $0xDD4, v2  }
0x13c: {  	v1 =	vsel vm13, $0x37CB, v1;
	v3 =	vsel vm12, $0x3854, v3;
	v2 =	vsel vm11, $0xE5C, v2  }
0x13d: {  	v1 =	vsel vm12, $0x3853, v1;
	v3 =	vsel vm11, $0x38DC, v3;
	v2 =	vsel vm10, $0xEE4, v2  }
0x13e: {  	v1 =	vsel vm11, $0x38DB, v1;
	v3 =	vsel vm10, $0x3964, v3;
	v2 =	vsel vm9, $0xF6C, v2  }
0x13f: {  	v1 =	vsel vm10, $0x3963, v1;
	v3 =	vsel vm9, $0x39EC, v3;
	v2 =	vsel vm8, $0xFF4, v2  }
0x140: {  	v1 =	vsel vm9, $0x39EB, v1;
	v3 =	vsel vm8, $0x3A74, v3;
	v2 =	vsel vm7, $0x107C, v2  }
0x141: {  	v1 =	vsel vm8, $0x3A73, v1;
	v3 =	vsel vm7, $0x3AFC, v3;
	v2 =	vsel vm6, $0x2204, v2  }
0x142: {  	v1 =	vsel vm7, $0x3AFB, v1;
	v3 =	vsel vm6, $0x4C84, v3;
	v2 =	vsel vm5, $0x228C, v2  }
0x143: {  	v1 =	vsel vm6, $0x4C83, v1;
	v3 =	vsel vm5, $0x4D0C, v3;
	v2 =	vsel vm4, $0x2314, v2  }
0x144: {  	v1 =	vsel vm5, $0x4D0B, v1;
	v3 =	vsel vm4, $0x4D94, v3;
	v2 =	vsel vm3, $0x239C, v2  }
0x145: {  	v1 =	vsel vm4, $0x4D93, v1;
	v3 =	vsel vm3, $0x4E1C, v3;
	v2 =	vsel vm2, $0x2424, v2  }
0x146: {  	v1 =	vsel vm3, $0x4E1B, v1;
	v3 =	vsel vm2, $0x4EA4, v3;
	v2 =	vsel vm1, $0x24AC, v2  }
0x147: {  	v1 =	vsel vm2, $0x4EA3, v1;
	v3 =	vsel vm1, $0x4F2C, v3;
	v57 =	vsel vm0, $0x2534, v2  }
0x148: {  	v2 =	vimm.s32 $0x503D;
	v1 =	vsel vm1, $0x4F2B, v1;
	v58 =	vsel vm0, $0x4FB4, v3  }
0x149: {  	v3 =	vimm.s32 $0x25BE;
	v2 =	vsel vm14, $0x3745, v2;
	v56 =	vsel vm0, $0x4FB3, v1  }
0x14a: {  	v1 =	vimm.s32 $0x25BD;
	v3 =	vsel vm14, $0xCC6, v3;
	v2 =	vsel vm13, $0x37CD, v2  }
0x14b: {  	v1 =	vsel vm14, $0xCC5, v1;
	v3 =	vsel vm13, $0xD4E, v3;
	v2 =	vsel vm12, $0x3855, v2  }
0x14c: {  	v1 =	vsel vm13, $0xD4D, v1;
	v3 =	vsel vm12, $0xDD6, v3;
	v2 =	vsel vm11, $0x38DD, v2  }
0x14d: {  	v1 =	vsel vm12, $0xDD5, v1;
	v3 =	vsel vm11, $0xE5E, v3;
	v2 =	vsel vm10, $0x3965, v2  }
0x14e: {  	v1 =	vsel vm11, $0xE5D, v1;
	v3 =	vsel vm10, $0xEE6, v3;
	v2 =	vsel vm9, $0x39ED, v2  }
0x14f: {  	v1 =	vsel vm10, $0xEE5, v1;
	v3 =	vsel vm9, $0xF6E, v3;
	v2 =	vsel vm8, $0x3A75, v2  }
0x150: {  	v1 =	vsel vm9, $0xF6D, v1;
	v3 =	vsel vm8, $0xFF6, v3;
	v2 =	vsel vm7, $0x3AFD, v2  }
0x151: {  	v1 =	vsel vm8, $0xFF5, v1;
	v3 =	vsel vm7, $0x107E, v3;
	v2 =	vsel vm6, $0x4C85, v2  }
0x152: {  	v1 =	vsel vm7, $0x107D, v1;
	v3 =	vsel vm6, $0x2206, v3;
	v2 =	vsel vm5, $0x4D0D, v2  }
0x153: {  	s1 =	rddreg [dreg:$0x0];
	v1 =	vsel vm6, $0x2205, v1;
	v3 =	vsel vm5, $0x228E, v3;
	v2 =	vsel vm4, $0x4D95, v2  }
0x154: {  	s6 =	rddreg [dreg:$0x1];
	s4 =	simm.s32 $0x0;
	v1 =	vsel vm5, $0x228D, v1;
	v3 =	vsel vm4, $0x2316, v3;
	v2 =	vsel vm3, $0x4E1D, v2  }
0x155: {  	[smem:$0x7FF] =	sst s4;
	v1 =	vsel vm4, $0x2315, v1;
	v3 =	vsel vm3, $0x239E, v3;
	v2 =	vsel vm2, $0x4EA5, v2  }
0x156: {  	s3 =	rddreg [dreg:$0x2];
	_ =	strace $0x80000047;
	[tilespmem:$0x1FED0] =	vst v22;
	v1 =	vsel vm3, $0x239D, v1;
	v3 =	vsel vm2, $0x2426, v3;
	v2 =	vsel vm1, $0x4F2D, v2  }
0x157: {  	[tilespmem:$0x1FEE0] =	vst v23;
	v1 =	vsel vm2, $0x2425, v1;
	v3 =	vsel vm1, $0x24AE, v3;
	v60 =	vsel vm0, $0x4FB5, v2  }
0x158: {  	[tilespmem:$0x1FEF0] =	vst v24;
	v2 =	vimm.s32 $0x25BF;
	v1 =	vsel vm1, $0x24AD, v1;
	v61 =	vsel vm0, $0x2536, v3  }
0x159: {  	[tilespmem:$0x1FF00] =	vst v25;
	v3 =	vimm.s32 $0x503F;
	v59 =	vsel vm0, $0x2535, v1;
	v1 =	vimm.s32 $0x503E  }
0x15a: {  	[tilespmem:$0x1FF10] =	vst v26;
	v2 =	vsel vm14, $0xCC7, v2;
	v3 =	vsel vm14, $0x3747, v3;
	v1 =	vsel vm14, $0x3746, v1  }
0x15b: {  	s0 =	srdreg.scid;
	[tilespmem:$0x1FF20] =	vst v18;
	v2 =	vsel vm13, $0xD4F, v2;
	v3 =	vsel vm13, $0x37CF, v3;
	v1 =	vsel vm13, $0x37CE, v1  }
0x15c: {  	s2 =	stileid.u32;
	s20 =	simm.s32 $0x200;
	s23 =	simm.s32 $0x280;
	[tilespmem:$0x1FF30] =	vst v19;
	v2 =	vsel vm12, $0xDD7, v2;
	v3 =	vsel vm12, $0x3857, v3;
	v1 =	vsel vm12, $0x3856, v1  }
0x15d: {  	s24 =	simm.s32 $0x5400;
	s0 =	sand.u32 $0x1, s0;
	s2 =	sshll.u32 s2, $0x1;
	[tilespmem:$0x1FF40] =	vst v21;
	v2 =	vsel vm11, $0xE5F, v2;
	v3 =	vsel vm11, $0x38DF, v3;
	v1 =	vsel vm11, $0x38DE, v1  }
0x15e: {  	s25 =	simm.s32 $0x300;
	s28 =	simm.s32 $0x380;
	s2 =	sor.u32 s0, s2;
	[tilespmem:$0x1FF50] =	vst v36;
	v2 =	vsel vm10, $0xEE7, v2;
	v3 =	vsel vm10, $0x3967, v3;
	v1 =	vsel vm10, $0x3966, v1  }
0x15f: {  	s13 =	simm.s32 $0x80;
	s29 =	simm.s32 $0x7400;
	s5 =	smul.u32 $0x6400, s2;
	[tilespmem:$0x1FF60] =	vst v35;
	v2 =	vsel vm9, $0xF6F, v2;
	v3 =	vsel vm9, $0x39EF, v3;
	v1 =	vsel vm9, $0x39EE, v1  }
0x160: {  	s21 =	simm.s32 $0x4;
	s31 =	simm.s32 $0x8400;
	s7 =	sshll.u32 s2, $0xA;
	[tilespmem:$0x1FF70] =	vst v37;
	v2 =	vsel vm8, $0xFF7, v2;
	v3 =	vsel vm8, $0x3A77, v3;
	v1 =	vsel vm8, $0x3A76, v1  }
0x161: {  	s30 =	simm.s32 $0x1;
	s7 =	sand.u32 $0xC00, s7;
	s5 =	sand.u32 $0xFF000, s5;
	[tilespmem:$0x1FF80] =	vst v39;
	v2 =	vsel vm7, $0x107F, v2;
	v3 =	vsel vm7, $0x3AFF, v3;
	v1 =	vsel vm7, $0x3AFE, v1  }
0x162: {  	s14 =	simm.s32 $0x5;
	s0 =	ssub.s32 $0x2, s0;
	s5 =	sor.u32 s7, s5;
	[tilespmem:$0x1FF90] =	vst v38;
	v2 =	vsel vm6, $0x2207, v2;
	v3 =	vsel vm6, $0x4C87, v3;
	v1 =	vsel vm6, $0x4C86, v1  }
0x163: {  	s15 =	simm.s32 $0x6;
	s8 =	sshrl.u32 s0, $0x1;
	s7 =	sshrl.u32 s5, $0x3;
	[tilespmem:$0x1FFA0] =	vst v40;
	v2 =	vsel vm5, $0x228F, v2;
	v3 =	vsel vm5, $0x4D0F, v3;
	v1 =	vsel vm5, $0x4D0E, v1  }
0x164: {  	s0 =	ssub.s32 s0, s8;
	s8 =	simm.s32 $0x0;
	s26 =	sadd.s32 s1, s7;
	[tilespmem:$0x1FFB0] =	vst v41;
	v2 =	vsel vm4, $0x2317, v2;
	v3 =	vsel vm4, $0x4D97, v3;
	v1 =	vsel vm4, $0x4D96, v1  }
0x165: {  	s5 =	smul.u32 $0x32, s2;
	s2 =	sadd.s32 $0x40, s26;
	[dreg:$0x4] =	wrdreg s26;
	[tilespmem:$0x1FFC0] =	vst v42;
	v2 =	vsel vm3, $0x239F, v2;
	v3 =	vsel vm3, $0x4E1F, v3;
	v1 =	vsel vm3, $0x4E1E, v1  }
0x166: {  	s0 =	smax.u32 s0, $0x1;
	s7 =	sadd.s32 $0x61AC00, s6;
	[dreg:$0x5] =	wrdreg s2;
	[tilespmem:$0x1FFD0] =	vst v43;
	v2 =	vsel vm2, $0x2427, v2;
	v3 =	vsel vm2, $0x4EA7, v3;
	v1 =	vsel vm2, $0x4EA6, v1  }
0x167: {  	s9 =	sadd.s32 $0x2, s5;
	s10 =	sadd.s32 $0x3, s5;
	[dreg:$0x6] =	wrdreg s0;
	[tilespmem:$0x1FFE0] =	vst v28;
	v2 =	vsel vm1, $0x24AF, v2;
	v3 =	vsel vm1, $0x4F2F, v3;
	v1 =	vsel vm1, $0x4F2E, v1  }
0x168: {  	s26 =	simm.s32 $0x6400;
	s2 =	simm.s32 $0x2;
	s0 =	simm.s32 $0xD900;
	[tilespmem:$0x1FFF0] =	vst v30;
	v63 =	vsel vm0, $0x2537, v2;
	v62 =	vsel vm0, $0x4FB6, v1;
	v1 =	vsel vm0, $0x4FB7, v3  }
.LBB2_1:
0x169: {  	[dreg:$0x7] =	wrdreg s8  }
0x16a: {  	s6 =	rddreg [dreg:$0x4];
	s8 =	simm.s32 $0x3  }
0x16b: {  	[tilespmem:s4], [sflag:$0x3] =	stream.linear.gather [hbm4b:s6+s4], $0x200, $0x38;
	[tilespmem:$0x12E00] =	vst v63  }
0x16c: {  	_ =	swait.ge [sflag:s8], $0x200  }
0x16d: {  	[sflag:s8] =	ssyncset.done $0x0  }
0x16e: {  	s11 =	simm.s32 $0x400;
	[sflag:s8] =	ssyncadd.s32 $0xFFFFFE00  }
0x16f: {  	[tilespmem:s11], [sflag:$0x1] =	stream.indirect.gather [hbm4b:s7+s13], $0x20, s4, s13, $0xb8;
	[tilespmem:$0x12E00] =	vst v63  }
0x170: {  	s12 =	simm.s32 $0x1400  }
0x171: {  	[tilespmem:s12], [sflag:$0x1] =	stream.indirect.gather [hbm4b:s7+s13], $0x20, s13, s13, $0xb8;
	[tilespmem:$0x12E00] =	vst v63  }
0x172: {  	s16 =	simm.s32 $0x100;
	s17 =	simm.s32 $0x2400  }
0x173: {  	[tilespmem:s17], [sflag:$0x1] =	stream.indirect.gather [hbm4b:s7+s13], $0x20, s16, s13, $0xb8;
	[tilespmem:$0x12E00] =	vst v63  }
0x174: {  	s18 =	simm.s32 $0x180;
	s19 =	simm.s32 $0x3400  }
0x175: {  	[tilespmem:s19], [sflag:$0x1] =	stream.indirect.gather [hbm4b:s7+s13], $0x20, s18, s13, $0xb8;
	[tilespmem:$0x12E00] =	vst v63  }
0x176: {  	s22 =	rddreg [dreg:$0x5];
	s17 =	simm.s32 $0x0  }
0x177: {  	[tilespmem:s20], [sflag:$0x4] =	stream.linear.gather [hbm4b:s22+s4], $0x200, $0x38;
	[tilespmem:$0x12E00] =	vst v63  }
.LBB2_2:
0x178: {  	_ =	swait.ge [sflag:s21], $0x200  }
0x179: {  	[sflag:s21] =	ssyncset.done $0x0  }
0x17a: {  	s6 =	simm.s32 $0x4400;
	[sflag:s21] =	ssyncadd.s32 $0xFFFFFE00  }
0x17b: {  	[tilespmem:s6], [sflag:$0x2] =	stream.indirect.gather [hbm4b:s7+s13], $0x20, s20, s13, $0xb8;
	[tilespmem:$0x12E00] =	vst v63  }
0x17c: {  	_ = 	snop  }
0x17d: {  	[tilespmem:s24], [sflag:$0x2] =	stream.indirect.gather [hbm4b:s7+s13], $0x20, s23, s13, $0xb8;
	[tilespmem:$0x12E00] =	vst v63  }
0x17e: {  	_ = 	snop  }
0x17f: {  	[tilespmem:s26], [sflag:$0x2] =	stream.indirect.gather [hbm4b:s7+s13], $0x20, s25, s13, $0xb8;
	[tilespmem:$0x12E00] =	vst v63  }
0x180: {  	_ = 	snop  }
0x181: {  	[tilespmem:s29], [sflag:$0x2] =	stream.indirect.gather [hbm4b:s7+s13], $0x20, s28, s13, $0xb8;
	[tilespmem:$0x12E00] =	vst v63  }
0x182: {  	_ =	swait.ge [sflag:s30], $0x1000  }
0x183: {  	[sflag:s30] =	ssyncset.done $0x0  }
0x184: {  	[sflag:s30] =	ssyncadd.s32 $0xFFFFF000  }
0x185: {  	_ =	swait.ge [sflag:s30], $0x1000  }
0x186: {  	[sflag:s30] =	ssyncset.done $0x0  }
0x187: {  	p0 =	seq.s32 s17, $0x18;
	[sflag:s30] =	ssyncadd.s32 $0xFFFFF000  }
0x188: {  	p1 =	seq.s32 @!p0 s17, $0x0;
	_ =	swait.ge [sflag:s30], $0x1000  }
0x189: {  	s19 =	sshll.u32 s17, $0x1;
	p1 =	por p0, !p1;
	[sflag:s30] =	ssyncset.done $0x0  }
.Ltmp0:
0x18a: {  	s6 =	sadd.s32 @!p0 s19, s9;
	[sflag:s30] =	ssyncadd.s32 $0xFFFFF000;
	(pc) =	sbr.rel @!p1 .LBB2_3-.Ltmp0, $4  }
0x18b: {  	s6 =	sshll.u32 @!p0 s6, $0x6;
	_ =	swait.ge [sflag:s30], $0x1000  }
0x18c: {  	s6 =	sand.u32 @!p0 $0xFFFFF80, s6;
	[sflag:s30] =	ssyncset.done $0x0  }
0x18d: {  	s8 =	simm.s32 @!p0 $0x0;
	s6 =	sadd.s32 @!p0 s1, s6;
	[sflag:s30] =	ssyncadd.s32 $0xFFFFF000  }
0x18e: {  	[tilespmem:s8], [sflag:$0x3] =	stream.linear.gather @!p0 [hbm4b:s6+s8], $0x200, $0x38;
	[tilespmem:$0x12E00] =	vst v63  }
.Ltmp1:
0x18f: {  	(pc) =	sbr.rel .LBB2_5-.Ltmp1, $4  }
0x190: {  	_ = 	snop  }
0x191: {  	_ =	swait.ge [sflag:s14], $0x4000  }
0x192: {  	[sflag:s14] =	ssyncset.done $0x0  }
0x193: {  	p1 =	por $0x0, $0x0;
	[sflag:s14] =	ssyncadd.s32 $0xFFFFC000  }
.LBB2_3:
0x194: {  	p1 =	por @!p0 $0x1, $0x1  }
.LBB2_5:
0x195: {  	s6 =	simm.s32 $0x7  }
0x196: {  	s18 =	simm.s32 $0x1;
	v2 =	vmov s6  }
0x197: {  	s11 =	simm.s32 $0x2;
	v3 =	vmov s18;
	v2 =	vshrl.u32 v2, $0x3  }
0x198: {  	v4 =	vmov s11;
	v3 =	vshrl.u32 v3, $0x3;
	v2 =	vshll.u32 v2, v0  }
0x199: {  	v41 =	vld [tilespmem:$0x1FDA0];
	v4 =	vshrl.u32 v4, $0x3;
	v3 =	vshll.u32 v3, v0;
	v2 =	vbroadcast v2, $0x0  }
0x19a: {  	s8 =	simm.s32 $0x480;
	v4 =	vshll.u32 v4, v0;
	v3 =	vbroadcast v3, $0x0  }
0x19b: {  	v6 =	vld [tilespmem:s8+$0x60];
	v4 =	vbroadcast v4, $0x0;
	v7 =	vadd.s32 v21, v2  }
0x19c: {  	s11 =	simm.s32 $0x3;
	v11 =	vld [tilespmem:s8+$0xFFFFFFA0];
	v12 =	vadd.s32 v23, v3  }
0x19d: {  	v16 =	vld [tilespmem:s8+$0xFFFFFFC0];
	v10 =	vmov s11;
	v17 =	vadd.s32 v25, v4  }
0x19e: {  	v8 =	vld [tilespmem:s8+$0x70];
	v10 =	vshrl.u32 v10, $0x3;
	v9 =	vadd.s32 v41, v2  }
0x19f: {  	s12 =	simm.s32 $0x4;
	v13 =	vld [tilespmem:s8+$0xFFFFFFB0];
	v14 =	vadd.s32 v24, v3;
	v3 =	vshll.u32 v10, v0  }
0x1a0: {  	s22 =	simm.s32 $0x0;
	v27 =	vld [tilespmem:s8+$0xFFFFFFD0];
	v10 =	vmov s12;
	v29 =	vadd.s32 v26, v4;
	v15 =	vbroadcast v3, $0x0;
	[tilespmem:v7+s31+$0x0] =	vst.idx.msk $0xffff, v6  }
0x1a1: {  	v5 =	vmov s22;
	v2 =	vld [tilespmem:s8+$0xFFFFFF90];
	v3 =	vshrl.u32 v10, $0x3;
	[tilespmem:v12+s31+$0x0] =	vst.idx.msk $0xffff, v11  }
0x1a2: {  	s16 =	simm.s32 $0x5;
	v4 =	vadd.s32 v18, v15;
	v10 =	vadd.s32 v28, v15;
	v15 =	vshrl.u32 v5, $0x3;
	v5 =	vld [tilespmem:s8+$0x10];
	[tilespmem:v17+s31+$0x0] =	vst.idx.msk $0xffff, v16  }
0x1a3: {  	v6 =	vshll.u32 v3, v0;
	v7 =	vmov s16;
	v3 =	vld [tilespmem:s8+$0xFFFFFFE0];
	[tilespmem:v9+s31+$0x0] =	vst.idx.msk $0xffff, v8  }
0x1a4: {  	v8 =	vbroadcast v6, $0x0;
	v7 =	vshrl.u32 v7, $0x3;
	v6 =	vld [tilespmem:s8+$0xFFFFFFF0];
	[tilespmem:v14+s31+$0x0] =	vst.idx.msk $0xffff, v13  }
0x1a5: {  	[tilespmem:v29+s31+$0x0] =	vst.idx.msk $0xffff, v27;
	v9 =	vshll.u32 v7, v0;
	v7 =	vld [tilespmem:s8+$0x0]  }
0x1a6: {  	s18 =	simm.s32 $0x6;
	v32 =	vld [tilespmem:$0x1FD70]  }
0x1a7: {  	v12 =	vmov s18;
	v33 =	vld [tilespmem:$0x1FD80]  }
0x1a8: {  	v34 =	vld [tilespmem:$0x1FD90];
	v11 =	vadd.s32 v19, v8;
	v13 =	vbroadcast v9, $0x0;
	v9 =	vshrl.u32 v12, $0x3  }
0x1a9: {  	s22 =	simm.s32 $0xF;
	v42 =	vld [tilespmem:$0x1FD60];
	v8 =	vadd.s32 v30, v8;
	v14 =	vshll.u32 v9, v0  }
0x1aa: {  	s6 =	simm.s32 $0x10;
	s11 =	simm.s32 $0x8;
	s18 =	sshllo.u32 s17, $0x1;
	v16 =	vmov s22;
	v27 =	vmovc v18;
	v29 =	vmovc v19;
	v9 =	vld [tilespmem:s8+$0x20];
	v12 =	vadd.s32 v20, v13;
	v14 =	vbroadcast v14, $0x0  }
.LBB2_6:
0x1ab: {  	p2 =	slt.u32 s6, $0x78;
	v16 =	vshrl.u32 v16, $0x3;
	v15 =	vshll.u32 v15, v0;
	[tilespmem:v4+s31+$0x0] =	vst.idx.msk $0xffff, v3;
	v3 =	vld [tilespmem:s8+$0x30];
	v4 =	vadd.s32 v32, v13  }
0x1ac: {  	s12 =	sadd.s32 $0x1, s11;
	v13 =	vshll.u32 v16, v0;
	v15 =	vbroadcast v15, $0x0;
	[tilespmem:v10+s31+$0x0] =	vst.idx.msk $0xffff, v6;
	v6 =	vld [tilespmem:s8+$0x40];
	v10 =	vadd.s32 v33, v14  }
0x1ad: {  	v16 =	vmov s12;
	v13 =	vbroadcast v13, $0x0;
	[tilespmem:v11+s31+$0x0] =	vst.idx.msk $0xffff, v7;
	v7 =	vld [tilespmem:s8+$0x50];
	v11 =	vadd.s32 v34, v14  }
0x1ae: {  	s12 =	sadd.s32 $0x2, s11;
	v14 =	vmov s11;
	v16 =	vshrl.u32 v16, $0x3;
	v17 =	vld [tilespmem:s8+$0xFFFFFF80];
	v18 =	vadd.s32 v42, v15;
	[tilespmem:v8+s31+$0x0] =	vst.idx.msk $0xffff, v5;
	s8 =	sadd.s32 $0x100, s8  }
0x1af: {  	v5 =	vshll.u32 v16, v0;
	v8 =	vmov s12;
	v16 =	vld [tilespmem:s8+$0x60];
	v19 =	vadd.s32 v21, v13;
	[tilespmem:v12+s31+$0x0] =	vst.idx.msk $0xffff, v9  }
0x1b0: {  	s12 =	sadd.s32 $0x3, s11;
	v5 =	vbroadcast v5, $0x0;
	v8 =	vshrl.u32 v8, $0x3;
	v12 =	vadd.s32 v41, v13;
	v9 =	vld [tilespmem:s8+$0x70];
	[tilespmem:v4+s31+$0x0] =	vst.idx.msk $0xffff, v3  }
0x1b1: {  	v3 =	vshll.u32 v8, v0;
	v4 =	vmov s12;
	v8 =	vadd.s32 v22, v15;
	v13 =	vld [tilespmem:s8+$0xFFFFFF90];
	[tilespmem:v10+s31+$0x0] =	vst.idx.msk $0xffff, v6  }
0x1b2: {  	s12 =	sadd.s32 $0x4, s11;
	v10 =	vadd.s32 v23, v5;
	v3 =	vbroadcast v3, $0x0;
	v4 =	vshrl.u32 v4, $0x3;
	v6 =	vld [tilespmem:s8+$0xFFFFFFA0];
	[tilespmem:v11+s31+$0x0] =	vst.idx.msk $0xffff, v7  }
0x1b3: {  	v5 =	vadd.s32 v24, v5;
	v4 =	vshll.u32 v4, v0;
	v11 =	vmov s12;
	v7 =	vld [tilespmem:s8+$0xFFFFFFB0];
	[tilespmem:v18+s31+$0x0] =	vst.idx.msk $0xffff, v17  }
0x1b4: {  	s12 =	sadd.s32 $0x5, s11;
	v18 =	vadd.s32 v25, v3;
	v15 =	vbroadcast v4, $0x0;
	v4 =	vshrl.u32 v11, $0x3;
	v17 =	vld [tilespmem:s8+$0xFFFFFFC0];
	[tilespmem:v19+s31+$0x0] =	vst.idx.msk $0xffff, v16  }
0x1b5: {  	v31 =	vmovc v20;
	v20 =	vadd.s32 v26, v3;
	v11 =	vshll.u32 v4, v0;
	v16 =	vmov s12;
	v19 =	vld [tilespmem:s8+$0xFFFFFFD0];
	[tilespmem:v12+s31+$0x0] =	vst.idx.msk $0xffff, v9  }
.Ltmp2:
0x1b6: {  	s12 =	sadd.s32 $0x6, s11;
	s11 =	smov.u32 s6;
	v4 =	vadd.s32 v27, v15;
	v9 =	vbroadcast v11, $0x0;
	v11 =	vshrl.u32 v16, $0x3;
	v3 =	vld [tilespmem:s8+$0xFFFFFFE0];
	[tilespmem:v8+s31+$0x0] =	vst.idx.msk $0xffff, v2;
	v2 =	vmovc v13;
	(pc) =	sbr.rel @p2 .LBB2_6-.Ltmp2, $4  }
0x1b7: {  	v12 =	vmov s12;
	v8 =	vshll.u32 v11, v0;
	[tilespmem:v10+s31+$0x0] =	vst.idx.msk $0xffff, v6;
	v6 =	vld [tilespmem:s8+$0xFFFFFFF0];
	v10 =	vadd.s32 v28, v15  }
0x1b8: {  	v12 =	vshrl.u32 v12, $0x3;
	v11 =	vadd.s32 v29, v9;
	v13 =	vbroadcast v8, $0x0;
	[tilespmem:v5+s31+$0x0] =	vst.idx.msk $0xffff, v7;
	v7 =	vld [tilespmem:s8+$0x0]  }
0x1b9: {  	s12 =	sadd.s32 $0x7, s6;
	v15 =	vshrl.u32 v14, $0x3;
	v8 =	vadd.s32 v30, v9;
	v14 =	vshll.u32 v12, v0;
	[tilespmem:v18+s31+$0x0] =	vst.idx.msk $0xffff, v17;
	v5 =	vld [tilespmem:s8+$0x10]  }
0x1ba: {  	s6 =	sadd.s32 $0x8, s6;
	v16 =	vmov s12;
	v14 =	vbroadcast v14, $0x0;
	v12 =	vadd.s32 v31, v13;
	[tilespmem:v20+s31+$0x0] =	vst.idx.msk $0xffff, v19;
	v20 =	vmovc v31;
	v9 =	vld [tilespmem:s8+$0x20]  }
0x1bb: {  	_ =	sdelay $0x3  }
0x1bc: {  	v16 =	vshrl.u32 v16, $0x3;
	v15 =	vshll.u32 v15, v0;
	[tilespmem:v4+s31+$0x0] =	vst.idx.msk $0xffff, v3;
	v3 =	vld [tilespmem:s8+$0x30];
	v4 =	vadd.s32 v32, v13  }
0x1bd: {  	s6 =	sadd.s32 $0x1, s11;
	v13 =	vshll.u32 v16, v0;
	v15 =	vbroadcast v15, $0x0;
	[tilespmem:v10+s31+$0x0] =	vst.idx.msk $0xffff, v6;
	v6 =	vld [tilespmem:s8+$0x40];
	v10 =	vadd.s32 v33, v14  }
0x1be: {  	v16 =	vmov s6;
	v13 =	vbroadcast v13, $0x0;
	[tilespmem:v11+s31+$0x0] =	vst.idx.msk $0xffff, v7;
	v7 =	vld [tilespmem:s8+$0x50];
	v11 =	vadd.s32 v34, v14  }
0x1bf: {  	s12 =	sadd.s32 $0x2, s11;
	s6 =	sadd.s32 $0x100, s8;
	v14 =	vshrl.u32 v16, $0x3;
	v16 =	vld [tilespmem:s8+$0xFFFFFF80];
	v17 =	vadd.s32 v42, v15;
	[tilespmem:v8+s31+$0x0] =	vst.idx.msk $0xffff, v5  }
0x1c0: {  	v5 =	vshll.u32 v14, v0;
	v8 =	vmov s12;
	v14 =	vld [tilespmem:s6+$0x60];
	v18 =	vadd.s32 v21, v13;
	[tilespmem:v12+s31+$0x0] =	vst.idx.msk $0xffff, v9  }
0x1c1: {  	s22 =	sadd.s32 $0x3, s11;
	v5 =	vbroadcast v5, $0x0;
	v8 =	vshrl.u32 v8, $0x3;
	v9 =	vld [tilespmem:s6+$0x70];
	v12 =	vadd.s32 v41, v13;
	[tilespmem:v4+s31+$0x0] =	vst.idx.msk $0xffff, v3  }
0x1c2: {  	v3 =	vshll.u32 v8, v0;
	v4 =	vmov s22;
	v8 =	vadd.s32 v22, v15;
	[tilespmem:v10+s31+$0x0] =	vst.idx.msk $0xffff, v6  }
0x1c3: {  	s12 =	sadd.s32 $0x4, s11;
	v6 =	vld [tilespmem:s6+$0xFFFFFFA0];
	v10 =	vadd.s32 v23, v5;
	v3 =	vbroadcast v3, $0x0;
	v4 =	vshrl.u32 v4, $0x3;
	[tilespmem:v11+s31+$0x0] =	vst.idx.msk $0xffff, v7  }
0x1c4: {  	v5 =	vadd.s32 v24, v5;
	v7 =	vld [tilespmem:s6+$0xFFFFFFB0];
	v4 =	vshll.u32 v4, v0;
	v11 =	vmov s12;
	[tilespmem:v17+s31+$0x0] =	vst.idx.msk $0xffff, v16  }
0x1c5: {  	s16 =	sadd.s32 $0x5, s11;
	v13 =	vld [tilespmem:s6+$0xFFFFFFC0];
	v15 =	vadd.s32 v25, v3;
	v4 =	vbroadcast v4, $0x0;
	v11 =	vshrl.u32 v11, $0x3;
	[tilespmem:v18+s31+$0x0] =	vst.idx.msk $0xffff, v14  }
0x1c6: {  	v3 =	vadd.s32 v26, v3;
	v16 =	vmov s16;
	v14 =	vld [tilespmem:s6+$0xFFFFFFD0];
	v11 =	vshll.u32 v11, v0;
	[tilespmem:v12+s31+$0x0] =	vst.idx.msk $0xffff, v9  }
0x1c7: {  	s22 =	sadd.s32 $0x6, s11;
	v16 =	vshrl.u32 v16, $0x3;
	v9 =	vld [tilespmem:s6+$0xFFFFFFE0];
	v12 =	vadd.s32 v27, v4;
	v11 =	vbroadcast v11, $0x0;
	[tilespmem:v8+s31+$0x0] =	vst.idx.msk $0xffff, v2  }
0x1c8: {  	v2 =	vld [tilespmem:s6+$0xFFFFFFF0];
	v4 =	vadd.s32 v28, v4;
	v8 =	vmov s22;
	[tilespmem:v10+s31+$0x0] =	vst.idx.msk $0xffff, v6;
	v6 =	vshll.u32 v16, v0  }
0x1c9: {  	v8 =	vshrl.u32 v8, $0x3;
	[tilespmem:v5+s31+$0x0] =	vst.idx.msk $0xffff, v7;
	v5 =	vld [tilespmem:s6+$0x0];
	v7 =	vadd.s32 v29, v11;
	v6 =	vbroadcast v6, $0x0  }
0x1ca: {  	v10 =	vmov s11;
	v11 =	vadd.s32 v30, v11;
	v8 =	vshll.u32 v8, v0;
	[tilespmem:v15+s31+$0x0] =	vst.idx.msk $0xffff, v13;
	v13 =	vld [tilespmem:s6+$0x10]  }
0x1cb: {  	v10 =	vshrl.u32 v10, $0x3;
	v8 =	vbroadcast v8, $0x0;
	[tilespmem:v3+s31+$0x0] =	vst.idx.msk $0xffff, v14;
	v3 =	vld [tilespmem:s6+$0x20];
	v14 =	vadd.s32 v20, v6  }
0x1cc: {  	v10 =	vshll.u32 v10, v0;
	v6 =	vadd.s32 v32, v6;
	[tilespmem:v12+s31+$0x0] =	vst.idx.msk $0xffff, v9;
	v9 =	vld [tilespmem:s6+$0x30]  }
0x1cd: {  	v10 =	vbroadcast v10, $0x0;
	[tilespmem:v4+s31+$0x0] =	vst.idx.msk $0xffff, v2;
	v2 =	vld [tilespmem:s6+$0x40];
	v4 =	vadd.s32 v33, v8  }
0x1ce: {  	[tilespmem:v7+s31+$0x0] =	vst.idx.msk $0xffff, v5;
	v5 =	vld [tilespmem:s6+$0x50];
	v7 =	vadd.s32 v34, v8  }
0x1cf: {  	v12 =	vadd.s32 v42, v10;
	v8 =	vld [tilespmem:s6+$0xFFFFFF80];
	[tilespmem:v11+s31+$0x0] =	vst.idx.msk $0xffff, v13  }
0x1d0: {  	v11 =	vld [tilespmem:s6+$0xFFFFFF90];
	[tilespmem:v14+s31+$0x0] =	vst.idx.msk $0xffff, v3;
	v3 =	vadd.s32 v22, v10  }
0x1d1: {  	[tilespmem:v6+s31+$0x0] =	vst.idx.msk $0xffff, v9  }
0x1d2: {  	[tilespmem:v4+s31+$0x0] =	vst.idx.msk $0xffff, v2  }
0x1d3: {  	[tilespmem:v7+s31+$0x0] =	vst.idx.msk $0xffff, v5  }
0x1d4: {  	[tilespmem:v12+s31+$0x0] =	vst.idx.msk $0xffff, v8  }
0x1d5: {  	s11 =	simm.s32 $0x0;
	[tilespmem:v3+s31+$0x0] =	vst.idx.msk $0xffff, v11  }
0x1d6: {  	v2 =	vmov s11;
	v29 =	vld [tilespmem:$0x1FDB0]  }
0x1d7: {  	v3 =	vshrl.u32 v2, $0x3;
	v33 =	vld [tilespmem:$0x1FDD0]  }
0x1d8: {  	v3 =	vshll.u32 v3, $0x3;
	v32 =	vld [tilespmem:$0x1FDC0]  }
0x1d9: {  	v27 =	vld [tilespmem:$0x1FE00];
	v3 =	vbroadcast v3, $0x0  }
0x1da: {  	s8 =	simm.s32 $0x14F0  }
0x1db: {  	v5 =	vld [tilespmem:s8+$0xFFFFFF10];
	v6 =	vadd.s32 v29, v3  }
0x1dc: {  	v4 =	vld [tilespmem:s8+$0xFFFFFF30];
	v8 =	vadd.s32 v33, v3  }
0x1dd: {  	v9 =	vld [tilespmem:s8+$0xFFFFFF20];
	v11 =	vadd.s32 v32, v3  }
0x1de: {  	v16 =	vld [tilespmem:s8+$0xFFFFFF70];
	v15 =	vadd.s32 v27, v3  }
0x1df: {  	v2 =	vld [tilespmem:s8+$0xFFFFFFB0]  }
0x1e0: {  	[tilespmem:v6+s31+$0x0] =	vst.idx.msk $0xffff, v5;
	v6 =	vld [tilespmem:s8+$0xFFFFFF40]  }
0x1e1: {  	v30 =	vld [tilespmem:$0x1FDE0];
	[tilespmem:v8+s31+$0x0] =	vst.idx.msk $0xffff, v4  }
0x1e2: {  	v7 =	vld [tilespmem:s8+$0xFFFFFF80];
	[tilespmem:v11+s31+$0x0] =	vst.idx.msk $0xffff, v9  }
0x1e3: {  	v18 =	vld [tilespmem:s8+$0xFFFFFFF0];
	[tilespmem:v15+s31+$0x0] =	vst.idx.msk $0xffff, v16  }
0x1e4: {  	v42 =	vmovc v38;
	v19 =	vadd.s32 v38, v3;
	v38 =	vmov v35;
	v8 =	vadd.s32 v35, v3;
	v35 =	vld [tilespmem:$0x1FE10]  }
0x1e5: {  	v10 =	vld [tilespmem:s8+$0x0]  }
0x1e6: {  	v13 =	vld [tilespmem:s8+$0xFFFFFFD0]  }
0x1e7: {  	v12 =	vld [tilespmem:s8+$0xFFFFFFE0]  }
0x1e8: {  	p2 =	por $0x1, $0x1;
	v9 =	vld [tilespmem:s8+$0xFFFFFFC0]  }
.Ltmp3:
0x1e9: {  	v15 =	vld [tilespmem:s8+$0xFFFFFF50];
	[tilespmem:v19+s31+$0x0] =	vst.idx.msk $0xffff, v18;
	v17 =	vadd.s32 v35, v3;
	(pc) =	sbr.rel @!p2 .LBB2_9-.Ltmp3, $4  }
0x1ea: {  	v14 =	vadd.s32 v40, v3;
	v28 =	vld [tilespmem:$0x1FE20]  }
0x1eb: {  	v11 =	vadd.s32 v37, v3;
	v34 =	vld [tilespmem:$0x1FDF0]  }
0x1ec: {  	v43 =	vmov v40;
	v40 =	vmov v37;
	v16 =	vadd.s32 v39, v3;
	v37 =	vld [tilespmem:$0x1FE30]  }
0x1ed: {  	v41 =	vmov v39;
	s6 =	simm.s32 $0x15F0;
	v4 =	vadd.s32 v36, v3;
	v39 =	vld [tilespmem:$0x1FE40];
	v5 =	vadd.s32 v30, v3  }
.LBB2_8:
0x1ee: {  	s11 =	sadd.s32 $0x8, s11;
	v18 =	vld [tilespmem:s6+$0xFFFFFFB0];
	[tilespmem:v17+s31+$0x0] =	vst.idx.msk $0xffff, v7  }
0x1ef: {  	v19 =	vadd.s32 v28, v3;
	v7 =	vmov s11;
	p2 =	slt.u32 s11, $0x78;
	v17 =	vld [tilespmem:s8+$0xFFFFFF90];
	[tilespmem:v14+s31+$0x0] =	vst.idx.msk $0xffff, v10  }
0x1f0: {  	v7 =	vshrl.u32 v7, $0x3;
	v20 =	vld [tilespmem:s8+$0xFFFFFFA0];
	[tilespmem:v11+s31+$0x0] =	vst.idx.msk $0xffff, v13  }
0x1f1: {  	v13 =	vadd.s32 v34, v3;
	v10 =	vshll.u32 v7, $0x3;
	v11 =	vld [tilespmem:s8+$0xFFFFFF60];
	[tilespmem:v16+s31+$0x0] =	vst.idx.msk $0xffff, v12;
	s8 =	smov.u32 s6  }
0x1f2: {  	v14 =	vadd.s32 v39, v3;
	v12 =	vadd.s32 v37, v3;
	v7 =	vld [tilespmem:s6+$0xFFFFFF80];
	[tilespmem:v5+s31+$0x0] =	vst.idx.msk $0xffff, v15;
	v3 =	vbroadcast v10, $0x0  }
0x1f3: {  	v15 =	vld [tilespmem:s6+$0xFFFFFF30];
	[tilespmem:v8+s31+$0x0] =	vst.idx.msk $0xffff, v2;
	v2 =	vmov v18  }
0x1f4: {  	v16 =	vld [tilespmem:s6+$0xFFFFFF10];
	v18 =	vadd.s32 v29, v3;
	v5 =	vadd.s32 v30, v3;
	[tilespmem:v19+s31+$0x0] =	vst.idx.msk $0xffff, v17  }
0x1f5: {  	v19 =	vadd.s32 v33, v3;
	v21 =	vadd.s32 v27, v3;
	v22 =	vld [tilespmem:s6+$0xFFFFFFF0];
	[tilespmem:v4+s31+$0x0] =	vst.idx.msk $0xffff, v6  }
0x1f6: {  	v24 =	vadd.s32 v32, v3;
	v4 =	vadd.s32 v36, v3;
	v23 =	vld [tilespmem:s6+$0xFFFFFF20];
	[tilespmem:v13+s31+$0x0] =	vst.idx.msk $0xffff, v11  }
0x1f7: {  	v8 =	vadd.s32 v38, v3;
	v11 =	vadd.s32 v40, v3;
	v25 =	vld [tilespmem:s6+$0xFFFFFF70];
	[tilespmem:v14+s31+$0x0] =	vst.idx.msk $0xffff, v9  }
0x1f8: {  	v26 =	vadd.s32 v42, v3;
	v14 =	vadd.s32 v43, v3;
	v10 =	vld [tilespmem:s6+$0x0];
	[tilespmem:v12+s31+$0x0] =	vst.idx.msk $0xffff, v20  }
.Ltmp4:
0x1f9: {  	v17 =	vadd.s32 v35, v3;
	[tilespmem:v18+s31+$0x0] =	vst.idx.msk $0xffff, v16;
	v6 =	vld [tilespmem:s6+$0xFFFFFF40];
	(pc) =	sbr.rel @p2 .LBB2_8-.Ltmp4, $4  }
0x1fa: {  	[tilespmem:v19+s31+$0x0] =	vst.idx.msk $0xffff, v15;
	v13 =	vld [tilespmem:s6+$0xFFFFFFD0]  }
0x1fb: {  	[tilespmem:v24+s31+$0x0] =	vst.idx.msk $0xffff, v23;
	v12 =	vld [tilespmem:s6+$0xFFFFFFE0]  }
0x1fc: {  	v16 =	vadd.s32 v41, v3;
	[tilespmem:v21+s31+$0x0] =	vst.idx.msk $0xffff, v25;
	v9 =	vld [tilespmem:s6+$0xFFFFFFC0]  }
0x1fd: {  	s6 =	sadd.s32 $0x100, s6;
	v15 =	vld [tilespmem:s8+$0xFFFFFF50];
	[tilespmem:v26+s31+$0x0] =	vst.idx.msk $0xffff, v22  }
.LBB2_9:
0x1fe: {  	_ =	sdelay $0x3  }
0x1ff: {  	[tilespmem:v17+s31+$0x0] =	vst.idx.msk $0xffff, v7  }
0x200: {  	[tilespmem:v14+s31+$0x0] =	vst.idx.msk $0xffff, v10  }
0x201: {  	v7 =	vld [tilespmem:s8+$0xFFFFFF90];
	[tilespmem:v8+s31+$0x0] =	vst.idx.msk $0xffff, v2;
	v17 =	vadd.s32 v28, v3  }
0x202: {  	v10 =	vld [tilespmem:s8+$0xFFFFFF60];
	[tilespmem:v11+s31+$0x0] =	vst.idx.msk $0xffff, v13;
	v11 =	vadd.s32 v34, v3  }
0x203: {  	[tilespmem:v5+s31+$0x0] =	vst.idx.msk $0xffff, v15;
	v5 =	vadd.s32 v39, v3  }
0x204: {  	[tilespmem:v16+s31+$0x0] =	vst.idx.msk $0xffff, v12;
	v12 =	vld [tilespmem:s8+$0xFFFFFFA0];
	v3 =	vadd.s32 v37, v3  }
0x205: {  	[tilespmem:v4+s31+$0x0] =	vst.idx.msk $0xffff, v6  }
0x206: {  	[tilespmem:v17+s31+$0x0] =	vst.idx.msk $0xffff, v7  }
0x207: {  	[tilespmem:v11+s31+$0x0] =	vst.idx.msk $0xffff, v10  }
0x208: {  	[tilespmem:v5+s31+$0x0] =	vst.idx.msk $0xffff, v9  }
0x209: {  	s11 =	simm.s32 $0x0;
	[tilespmem:v3+s31+$0x0] =	vst.idx.msk $0xffff, v12  }
0x20a: {  	v2 =	vmov s11;
	v27 =	vld [tilespmem:$0x1FE50]  }
0x20b: {  	v3 =	vshrl.u32 v2, $0x3;
	v29 =	vld [tilespmem:$0x1FE70]  }
0x20c: {  	v3 =	vshll.u32 v3, $0x3  }
0x20d: {  	v28 =	vld [tilespmem:$0x1FE60];
	v3 =	vbroadcast v3, $0x0  }
0x20e: {  	s8 =	simm.s32 $0x24F0;
	v34 =	vld [tilespmem:$0x1FEB0]  }
0x20f: {  	v5 =	vld [tilespmem:s8+$0xFFFFFF10];
	v6 =	vadd.s32 v27, v3  }
0x210: {  	v4 =	vld [tilespmem:s8+$0xFFFFFF30];
	v8 =	vadd.s32 v29, v3  }
0x211: {  	v7 =	vld [tilespmem:s8+$0xFFFFFF80]  }
0x212: {  	v9 =	vld [tilespmem:s8+$0xFFFFFF20];
	v11 =	vadd.s32 v28, v3  }
0x213: {  	v16 =	vld [tilespmem:s8+$0xFFFFFF70];
	v15 =	vadd.s32 v34, v3  }
0x214: {  	[tilespmem:v6+s31+$0x0] =	vst.idx.msk $0xffff, v5;
	v6 =	vld [tilespmem:s8+$0xFFFFFF40]  }
0x215: {  	v32 =	vld [tilespmem:$0x1FE90];
	[tilespmem:v8+s31+$0x0] =	vst.idx.msk $0xffff, v4  }
0x216: {  	v30 =	vld [tilespmem:$0x1FE80]  }
0x217: {  	v39 =	vld [tilespmem:$0x1FEC0];
	[tilespmem:v11+s31+$0x0] =	vst.idx.msk $0xffff, v9  }
0x218: {  	v18 =	vld [tilespmem:s8+$0xFFFFFFF0];
	[tilespmem:v15+s31+$0x0] =	vst.idx.msk $0xffff, v16  }
0x219: {  	v19 =	vadd.s32 v47, v3;
	v35 =	vld [tilespmem:$0x1FFB0]  }
0x21a: {  	v2 =	vld [tilespmem:s8+$0xFFFFFFB0]  }
0x21b: {  	v10 =	vld [tilespmem:s8+$0x0]  }
0x21c: {  	v13 =	vld [tilespmem:s8+$0xFFFFFFD0]  }
0x21d: {  	p2 =	por $0x1, $0x1;
	v12 =	vld [tilespmem:s8+$0xFFFFFFE0]  }
.Ltmp5:
0x21e: {  	v9 =	vld [tilespmem:s8+$0xFFFFFFC0];
	[tilespmem:v19+s31+$0x0] =	vst.idx.msk $0xffff, v18;
	v17 =	vadd.s32 v35, v3;
	(pc) =	sbr.rel @!p2 .LBB2_11-.Ltmp5, $4  }
0x21f: {  	v14 =	vadd.s32 v48, v3;
	v37 =	vld [tilespmem:$0x1FFC0]  }
0x220: {  	v11 =	vadd.s32 v45, v3;
	v15 =	vld [tilespmem:s8+$0xFFFFFF50]  }
0x221: {  	v16 =	vadd.s32 v46, v3;
	v33 =	vld [tilespmem:$0x1FEA0]  }
0x222: {  	s6 =	simm.s32 $0x25F0;
	v38 =	vld [tilespmem:$0x1FFD0];
	v5 =	vadd.s32 v32, v3;
	v4 =	vadd.s32 v30, v3;
	v8 =	vadd.s32 v39, v3  }
.LBB2_10:
0x223: {  	s11 =	sadd.s32 $0x8, s11;
	v18 =	vld [tilespmem:s6+$0xFFFFFFB0];
	[tilespmem:v17+s31+$0x0] =	vst.idx.msk $0xffff, v7  }
0x224: {  	v19 =	vadd.s32 v37, v3;
	v7 =	vmov s11;
	p2 =	slt.u32 s11, $0x78;
	v17 =	vld [tilespmem:s8+$0xFFFFFF90];
	[tilespmem:v14+s31+$0x0] =	vst.idx.msk $0xffff, v10  }
0x225: {  	v7 =	vshrl.u32 v7, $0x3;
	v20 =	vld [tilespmem:s8+$0xFFFFFFA0];
	[tilespmem:v11+s31+$0x0] =	vst.idx.msk $0xffff, v13  }
0x226: {  	v13 =	vadd.s32 v33, v3;
	v10 =	vshll.u32 v7, $0x3;
	v11 =	vld [tilespmem:s8+$0xFFFFFF60];
	[tilespmem:v16+s31+$0x0] =	vst.idx.msk $0xffff, v12;
	s8 =	smov.u32 s6  }
0x227: {  	v14 =	vadd.s32 v44, v3;
	v12 =	vadd.s32 v38, v3;
	v7 =	vld [tilespmem:s6+$0xFFFFFF80];
	[tilespmem:v5+s31+$0x0] =	vst.idx.msk $0xffff, v15;
	v3 =	vbroadcast v10, $0x0  }
0x228: {  	v15 =	vld [tilespmem:s6+$0xFFFFFF30];
	[tilespmem:v8+s31+$0x0] =	vst.idx.msk $0xffff, v2;
	v2 =	vmov v18  }
0x229: {  	v16 =	vld [tilespmem:s6+$0xFFFFFF10];
	v18 =	vadd.s32 v27, v3;
	v5 =	vadd.s32 v32, v3;
	[tilespmem:v19+s31+$0x0] =	vst.idx.msk $0xffff, v17  }
0x22a: {  	v19 =	vadd.s32 v29, v3;
	v21 =	vadd.s32 v34, v3;
	v22 =	vld [tilespmem:s6+$0xFFFFFFF0];
	[tilespmem:v4+s31+$0x0] =	vst.idx.msk $0xffff, v6  }
0x22b: {  	v24 =	vadd.s32 v28, v3;
	v4 =	vadd.s32 v30, v3;
	v23 =	vld [tilespmem:s6+$0xFFFFFF20];
	[tilespmem:v13+s31+$0x0] =	vst.idx.msk $0xffff, v11  }
0x22c: {  	v8 =	vadd.s32 v39, v3;
	v11 =	vadd.s32 v45, v3;
	v25 =	vld [tilespmem:s6+$0xFFFFFF70];
	[tilespmem:v14+s31+$0x0] =	vst.idx.msk $0xffff, v9  }
0x22d: {  	v26 =	vadd.s32 v47, v3;
	v14 =	vadd.s32 v48, v3;
	v10 =	vld [tilespmem:s6+$0x0];
	[tilespmem:v12+s31+$0x0] =	vst.idx.msk $0xffff, v20  }
.Ltmp6:
0x22e: {  	v17 =	vadd.s32 v35, v3;
	[tilespmem:v18+s31+$0x0] =	vst.idx.msk $0xffff, v16;
	v6 =	vld [tilespmem:s6+$0xFFFFFF40];
	(pc) =	sbr.rel @p2 .LBB2_10-.Ltmp6, $4  }
0x22f: {  	[tilespmem:v19+s31+$0x0] =	vst.idx.msk $0xffff, v15;
	v13 =	vld [tilespmem:s6+$0xFFFFFFD0]  }
0x230: {  	[tilespmem:v24+s31+$0x0] =	vst.idx.msk $0xffff, v23;
	v12 =	vld [tilespmem:s6+$0xFFFFFFE0]  }
0x231: {  	v16 =	vadd.s32 v46, v3;
	[tilespmem:v21+s31+$0x0] =	vst.idx.msk $0xffff, v25;
	v9 =	vld [tilespmem:s6+$0xFFFFFFC0]  }
0x232: {  	s6 =	sadd.s32 $0x100, s6;
	v15 =	vld [tilespmem:s8+$0xFFFFFF50];
	[tilespmem:v26+s31+$0x0] =	vst.idx.msk $0xffff, v22  }
.LBB2_11:
0x233: {  	_ =	sdelay $0x3  }
0x234: {  	[tilespmem:v17+s31+$0x0] =	vst.idx.msk $0xffff, v7  }
0x235: {  	[tilespmem:v14+s31+$0x0] =	vst.idx.msk $0xffff, v10  }
0x236: {  	v7 =	vld [tilespmem:s8+$0xFFFFFF90];
	[tilespmem:v8+s31+$0x0] =	vst.idx.msk $0xffff, v2;
	v17 =	vadd.s32 v37, v3  }
0x237: {  	v10 =	vld [tilespmem:s8+$0xFFFFFF60];
	[tilespmem:v11+s31+$0x0] =	vst.idx.msk $0xffff, v13;
	v11 =	vadd.s32 v33, v3  }
0x238: {  	[tilespmem:v5+s31+$0x0] =	vst.idx.msk $0xffff, v15;
	v5 =	vadd.s32 v44, v3  }
0x239: {  	[tilespmem:v16+s31+$0x0] =	vst.idx.msk $0xffff, v12;
	v12 =	vld [tilespmem:s8+$0xFFFFFFA0];
	v3 =	vadd.s32 v38, v3  }
0x23a: {  	[tilespmem:v4+s31+$0x0] =	vst.idx.msk $0xffff, v6  }
0x23b: {  	[tilespmem:v17+s31+$0x0] =	vst.idx.msk $0xffff, v7  }
0x23c: {  	s6 =	simm.s32 $0x0;
	[tilespmem:v11+s31+$0x0] =	vst.idx.msk $0xffff, v10  }
0x23d: {  	v2 =	vmov s6;
	[tilespmem:v5+s31+$0x0] =	vst.idx.msk $0xffff, v9  }
0x23e: {  	s8 =	simm.s32 $0x34F0;
	[tilespmem:v3+s31+$0x0] =	vst.idx.msk $0xffff, v12;
	v3 =	vshrl.u32 v2, $0x3  }
0x23f: {  	v2 =	vld [tilespmem:s8+$0xFFFFFFB0];
	v3 =	vshll.u32 v3, $0x3  }
0x240: {  	v7 =	vld [tilespmem:s8+$0xFFFFFF80];
	v3 =	vbroadcast v3, $0x0  }
0x241: {  	v4 =	vld [tilespmem:s8+$0xFFFFFF30]  }
0x242: {  	v5 =	vld [tilespmem:s8+$0xFFFFFF10];
	v6 =	vadd.s32 v49, v3  }
0x243: {  	v18 =	vld [tilespmem:s8+$0xFFFFFFF0];
	v8 =	vadd.s32 v51, v3  }
0x244: {  	v16 =	vld [tilespmem:s8+$0xFFFFFF70];
	v15 =	vadd.s32 v55, v3  }
0x245: {  	v11 =	vld [tilespmem:s8+$0xFFFFFF20];
	v19 =	vadd.s32 v63, v3  }
0x246: {  	v10 =	vld [tilespmem:s8+$0x0];
	v12 =	vadd.s32 v50, v3  }
0x247: {  	v13 =	vld [tilespmem:s8+$0xFFFFFFD0];
	[tilespmem:v6+s31+$0x0] =	vst.idx.msk $0xffff, v5  }
0x248: {  	v5 =	vld [tilespmem:s8+$0xFFFFFF40];
	[tilespmem:v8+s31+$0x0] =	vst.idx.msk $0xffff, v4  }
0x249: {  	[tilespmem:v15+s31+$0x0] =	vst.idx.msk $0xffff, v16;
	v8 =	vld [tilespmem:s8+$0xFFFFFFC0]  }
0x24a: {  	v15 =	vld [tilespmem:s8+$0xFFFFFF50];
	[tilespmem:v19+s31+$0x0] =	vst.idx.msk $0xffff, v18  }
0x24b: {  	[tilespmem:v12+s31+$0x0] =	vst.idx.msk $0xffff, v11;
	v12 =	vld [tilespmem:s8+$0xFFFFFFE0]  }
0x24c: {  	v17 =	vadd.s32 v56, v3;
	v37 =	vld [tilespmem:$0x1FF70]  }
0x24d: {  	v14 =	vadd.s32 v1, v3;
	v39 =	vld [tilespmem:$0x1FF80]  }
0x24e: {  	v11 =	vadd.s32 v61, v3;
	v42 =	vld [tilespmem:$0x1FF90]  }
0x24f: {  	v16 =	vadd.s32 v62, v3;
	v40 =	vld [tilespmem:$0x1FFA0]  }
0x250: {  	s11 =	simm.s32 $0x35F0;
	v9 =	vadd.s32 v59, v3;
	v6 =	vadd.s32 v53, v3;
	v4 =	vadd.s32 v52, v3;
	v36 =	vld [tilespmem:$0x1FDA0]  }
.LBB2_12:
0x251: {  	s6 =	sadd.s32 $0x8, s6;
	v18 =	vld [tilespmem:s11+$0xFFFFFFB0];
	[tilespmem:v17+s31+$0x0] =	vst.idx.msk $0xffff, v7  }
0x252: {  	v19 =	vadd.s32 v57, v3;
	v7 =	vmov s6;
	p2 =	slt.u32 s6, $0x78;
	v17 =	vld [tilespmem:s8+$0xFFFFFF90];
	[tilespmem:v14+s31+$0x0] =	vst.idx.msk $0xffff, v10  }
0x253: {  	v7 =	vshrl.u32 v7, $0x3;
	v20 =	vld [tilespmem:s8+$0xFFFFFFA0];
	[tilespmem:v11+s31+$0x0] =	vst.idx.msk $0xffff, v13  }
0x254: {  	v13 =	vadd.s32 v54, v3;
	v10 =	vshll.u32 v7, $0x3;
	v11 =	vld [tilespmem:s8+$0xFFFFFF60];
	[tilespmem:v16+s31+$0x0] =	vst.idx.msk $0xffff, v12;
	s8 =	smov.u32 s11  }
0x255: {  	v14 =	vadd.s32 v60, v3;
	v12 =	vadd.s32 v58, v3;
	v7 =	vld [tilespmem:s11+$0xFFFFFF80];
	[tilespmem:v6+s31+$0x0] =	vst.idx.msk $0xffff, v15;
	v3 =	vbroadcast v10, $0x0  }
0x256: {  	v15 =	vld [tilespmem:s11+$0xFFFFFF30];
	[tilespmem:v9+s31+$0x0] =	vst.idx.msk $0xffff, v2;
	v2 =	vmov v18  }
0x257: {  	v16 =	vld [tilespmem:s11+$0xFFFFFF10];
	v18 =	vadd.s32 v49, v3;
	v6 =	vadd.s32 v53, v3;
	[tilespmem:v19+s31+$0x0] =	vst.idx.msk $0xffff, v17  }
0x258: {  	v19 =	vadd.s32 v51, v3;
	v21 =	vadd.s32 v55, v3;
	v22 =	vld [tilespmem:s11+$0xFFFFFFF0];
	[tilespmem:v4+s31+$0x0] =	vst.idx.msk $0xffff, v5  }
0x259: {  	v24 =	vadd.s32 v50, v3;
	v4 =	vadd.s32 v52, v3;
	v23 =	vld [tilespmem:s11+$0xFFFFFF20];
	[tilespmem:v13+s31+$0x0] =	vst.idx.msk $0xffff, v11  }
0x25a: {  	v9 =	vadd.s32 v59, v3;
	v11 =	vadd.s32 v61, v3;
	v25 =	vld [tilespmem:s11+$0xFFFFFF70];
	[tilespmem:v14+s31+$0x0] =	vst.idx.msk $0xffff, v8  }
0x25b: {  	v26 =	vadd.s32 v63, v3;
	v14 =	vadd.s32 v1, v3;
	v10 =	vld [tilespmem:s11+$0x0];
	[tilespmem:v12+s31+$0x0] =	vst.idx.msk $0xffff, v20  }
.Ltmp7:
0x25c: {  	v17 =	vadd.s32 v56, v3;
	[tilespmem:v18+s31+$0x0] =	vst.idx.msk $0xffff, v16;
	v5 =	vld [tilespmem:s11+$0xFFFFFF40];
	(pc) =	sbr.rel @p2 .LBB2_12-.Ltmp7, $4  }
0x25d: {  	[tilespmem:v19+s31+$0x0] =	vst.idx.msk $0xffff, v15;
	v13 =	vld [tilespmem:s11+$0xFFFFFFD0]  }
0x25e: {  	[tilespmem:v24+s31+$0x0] =	vst.idx.msk $0xffff, v23;
	v12 =	vld [tilespmem:s11+$0xFFFFFFE0]  }
0x25f: {  	v16 =	vadd.s32 v62, v3;
	[tilespmem:v21+s31+$0x0] =	vst.idx.msk $0xffff, v25;
	v8 =	vld [tilespmem:s11+$0xFFFFFFC0]  }
0x260: {  	s11 =	sadd.s32 $0x100, s11;
	v15 =	vld [tilespmem:s8+$0xFFFFFF50];
	[tilespmem:v26+s31+$0x0] =	vst.idx.msk $0xffff, v22  }
0x261: {  	_ =	sdelay $0x3  }
0x262: {  	[tilespmem:v17+s31+$0x0] =	vst.idx.msk $0xffff, v7  }
0x263: {  	[tilespmem:v14+s31+$0x0] =	vst.idx.msk $0xffff, v10  }
0x264: {  	v33 =	vld [tilespmem:s8+$0xFFFFFF90];
	v34 =	vadd.s32 v57, v3;
	[tilespmem:v9+s31+$0x0] =	vst.idx.msk $0xffff, v2  }
0x265: {  	v35 =	vld [tilespmem:s8+$0xFFFFFF60];
	v38 =	vadd.s32 v54, v3;
	[tilespmem:v4+s31+$0x0] =	vst.idx.msk $0xffff, v5  }
0x266: {  	v41 =	vadd.s32 v60, v3;
	[tilespmem:v11+s31+$0x0] =	vst.idx.msk $0xffff, v13  }
0x267: {  	v43 =	vld [tilespmem:s8+$0xFFFFFFA0];
	v3 =	vadd.s32 v58, v3;
	s6 =	sadd.s32 s5, s19;
	[tilespmem:v16+s31+$0x0] =	vst.idx.msk $0xffff, v12  }
0x268: {  	s22 =	sshll.u32 s6, $0x9;
	[tilespmem:v6+s31+$0x0] =	vst.idx.msk $0xffff, v15  }
0x269: {  	s6 =	sshll.u32 s6, $0xB;
	s8 =	sand.u32 $0xC00, s22;
	[tilespmem:v34+s31+$0x0] =	vst.idx.msk $0xffff, v33  }
0x26a: {  	s6 =	sand.u32 $0xFFFC000, s6;
	s8 =	sadd.s32 s3, s8;
	[tilespmem:v38+s31+$0x0] =	vst.idx.msk $0xffff, v35  }
0x26b: {  	s11 =	simm.s32 $0x10;
	s6 =	sadd.s32 s6, s8;
	[tilespmem:v41+s31+$0x0] =	vst.idx.msk $0xffff, v8  }
0x26c: {  	s12 =	simm.s32 $0x8488;
	s8 =	simm.s32 $0x8400;
	s16 =	sadd.s32 $0x0, s6;
	[tilespmem:v3+s31+$0x0] =	vst.idx.msk $0xffff, v43  }
.LBB2_14:
0x26d: {  	[hbm4b:s16+s4] =	stream.linear.scatter [tilespmem:s8], [sflag:$0x5], $0x80, $0x38;
	[tilespmem:$0x12E00] =	vst v63  }
0x26e: {  	s16 =	smov.u32 s11;
	s8 =	smov.u32 s12;
	p2 =	sne.s32 s11, $0x1F0  }
.Ltmp8:
0x26f: {  	s11 =	sadd.s32 $0x10, s11;
	(pc) =	sbr.rel @p2 .LBB2_14-.Ltmp8, $2  }
0x270: {  	_ =	sdelay $0x2  }
0x271: {  	s12 =	sadd.s32 $0x88, s12;
	s16 =	sadd.s32 s16, s6  }
0x272: {  	v21 =	vld [tilespmem:$0x1FD60]  }
0x273: {  	v22 =	vld [tilespmem:$0x1FED0]  }
0x274: {  	v23 =	vld [tilespmem:$0x1FEE0]  }
0x275: {  	v24 =	vld [tilespmem:$0x1FEF0]  }
0x276: {  	[hbm4b:s16+s4] =	stream.linear.scatter [tilespmem:s8], [sflag:$0x5], $0x80, $0x38;
	v25 =	vld [tilespmem:$0x1FF00]  }
0x277: {  	s8 =	sadd.s32 $0x1000, s6;
	s11 =	simm.s32 $0x9940;
	v26 =	vld [tilespmem:$0x1FF10]  }
0x278: {  	s12 =	simm.s32 $0x10;
	s16 =	simm.s32 $0x99C8;
	v20 =	vmov v31;
	v35 =	vld [tilespmem:$0x1FF40];
	s22 =	sadd.s32 $0x0, s8  }
.LBB2_16:
0x279: {  	[hbm4b:s22+s4] =	stream.linear.scatter [tilespmem:s11], [sflag:$0x5], $0x80, $0x38;
	[tilespmem:$0x12E00] =	vst v63  }
0x27a: {  	s22 =	smov.u32 s12;
	s11 =	smov.u32 s16;
	p2 =	sne.s32 s12, $0x1F0  }
.Ltmp9:
0x27b: {  	s12 =	sadd.s32 $0x10, s12;
	(pc) =	sbr.rel @p2 .LBB2_16-.Ltmp9, $2  }
0x27c: {  	_ =	sdelay $0x2  }
0x27d: {  	s16 =	sadd.s32 $0x88, s16;
	s22 =	sadd.s32 s22, s8  }
0x27e: {  	[hbm4b:s22+s4] =	stream.linear.scatter [tilespmem:s11], [sflag:$0x5], $0x80, $0x38;
	[tilespmem:$0x12E00] =	vst v63  }
0x27f: {  	s8 =	sadd.s32 $0x2000, s6;
	s11 =	simm.s32 $0xAE80  }
0x280: {  	s12 =	simm.s32 $0x10;
	s16 =	simm.s32 $0xAF08;
	s22 =	sadd.s32 $0x0, s8  }
.LBB2_18:
0x281: {  	[hbm4b:s22+s4] =	stream.linear.scatter [tilespmem:s11], [sflag:$0x5], $0x80, $0x38;
	[tilespmem:$0x12E00] =	vst v63  }
0x282: {  	s22 =	smov.u32 s12;
	s11 =	smov.u32 s16;
	p2 =	sne.s32 s12, $0x1F0  }
.Ltmp10:
0x283: {  	s12 =	sadd.s32 $0x10, s12;
	(pc) =	sbr.rel @p2 .LBB2_18-.Ltmp10, $2  }
0x284: {  	_ =	sdelay $0x2  }
0x285: {  	s16 =	sadd.s32 $0x88, s16;
	s22 =	sadd.s32 s22, s8  }
0x286: {  	[hbm4b:s22+s4] =	stream.linear.scatter [tilespmem:s11], [sflag:$0x5], $0x80, $0x38;
	[tilespmem:$0x12E00] =	vst v63  }
0x287: {  	s6 =	sadd.s32 $0x3000, s6;
	s8 =	simm.s32 $0xC3C0  }
0x288: {  	s11 =	simm.s32 $0x10;
	s12 =	simm.s32 $0xC448;
	s16 =	sadd.s32 $0x0, s6  }
.LBB2_20:
0x289: {  	[hbm4b:s16+s4] =	stream.linear.scatter [tilespmem:s8], [sflag:$0x5], $0x80, $0x38;
	[tilespmem:$0x12E00] =	vst v63  }
0x28a: {  	s16 =	smov.u32 s11;
	s8 =	smov.u32 s12;
	p2 =	sne.s32 s11, $0x1F0  }
.Ltmp11:
0x28b: {  	s11 =	sadd.s32 $0x10, s11;
	(pc) =	sbr.rel @p2 .LBB2_20-.Ltmp11, $2  }
0x28c: {  	_ =	sdelay $0x2  }
0x28d: {  	s12 =	sadd.s32 $0x88, s12;
	s16 =	sadd.s32 s16, s6  }
0x28e: {  	[hbm4b:s16+s4] =	stream.linear.scatter [tilespmem:s8], [sflag:$0x5], $0x80, $0x38;
	[tilespmem:$0x12E00] =	vst v63  }
0x28f: {  	v30 =	vld [tilespmem:$0x1FFF0];
	s6 =	simm.s32 @!p0 $0x3  }
0x290: {  	v28 =	vld [tilespmem:$0x1FFE0];
	_ =	swait.ge @!p0 [sflag:s6], $0x200  }
0x291: {  	s8 =	simm.s32 @!p0 $0x0;
	[sflag:s6] =	ssyncset.done @!p0 $0x0  }
0x292: {  	s11 =	simm.s32 @!p0 $0x400;
	[sflag:s6] =	ssyncadd.s32 @!p0 $0xFFFFFE00;
	s6 =	simm.s32 @!p0 $0x80  }
0x293: {  	[tilespmem:s11], [sflag:$0x1] =	stream.indirect.gather @!p0 [hbm4b:s7+s6], $0x20, s8, s6, $0xb8;
	[tilespmem:$0x12E00] =	vst v63  }
0x294: {  	s11 =	simm.s32 @!p0 $0x1400  }
0x295: {  	[tilespmem:s11], [sflag:$0x1] =	stream.indirect.gather @!p0 [hbm4b:s7+s6], $0x20, s6, s6, $0xb8;
	[tilespmem:$0x12E00] =	vst v63  }
0x296: {  	s12 =	simm.s32 @!p0 $0x2400;
	s11 =	simm.s32 @!p0 $0x100  }
0x297: {  	[tilespmem:s12], [sflag:$0x1] =	stream.indirect.gather @!p0 [hbm4b:s7+s6], $0x20, s11, s6, $0xb8;
	[tilespmem:$0x12E00] =	vst v63  }
0x298: {  	s11 =	simm.s32 @!p0 $0x180;
	s12 =	simm.s32 @!p0 $0x3400  }
0x299: {  	[tilespmem:s12], [sflag:$0x1] =	stream.indirect.gather @!p0 [hbm4b:s7+s6], $0x20, s11, s6, $0xb8;
	[tilespmem:$0x12E00] =	vst v63  }
0x29a: {  	_ =	swait.ge [sflag:s2], $0x1000  }
0x29b: {  	[sflag:s2] =	ssyncset.done $0x0  }
0x29c: {  	[sflag:s2] =	ssyncadd.s32 $0xFFFFF000  }
0x29d: {  	_ =	swait.ge [sflag:s2], $0x1000  }
0x29e: {  	[sflag:s2] =	ssyncset.done $0x0  }
0x29f: {  	[sflag:s2] =	ssyncadd.s32 $0xFFFFF000  }
0x2a0: {  	_ =	swait.ge [sflag:s2], $0x1000  }
0x2a1: {  	[sflag:s2] =	ssyncset.done $0x0  }
0x2a2: {  	s6 =	sadd.s32 @!p0 s19, s10;
	[sflag:s2] =	ssyncadd.s32 $0xFFFFF000  }
0x2a3: {  	s6 =	sshll.u32 @!p0 s6, $0x6;
	_ =	swait.ge [sflag:s2], $0x1000  }
0x2a4: {  	s11 =	simm.s32 @!p0 $0x200;
	s6 =	sand.u32 @!p0 $0xFFFFFC0, s6;
	[sflag:s2] =	ssyncset.done $0x0  }
0x2a5: {  	s12 =	simm.s32 $0x7;
	s6 =	sadd.s32 @!p0 s1, s6;
	[sflag:s2] =	ssyncadd.s32 $0xFFFFF000  }
0x2a6: {  	v2 =	vmov s12;
	[tilespmem:s11], [sflag:$0x4] =	stream.linear.gather @!p0 [hbm4b:s6+s8], $0x200, $0x38;
	[tilespmem:$0x12E00] =	vst v63  }
0x2a7: {  	s16 =	simm.s32 $0x1;
	v2 =	vshrl.u32 v2, $0x3;
	p0 =	por p0, !p1  }
0x2a8: {  	v3 =	vmov s16;
	v2 =	vshll.u32 v2, v0;
	_ =	swait.ge @p0 [sflag:s15], $0x4000  }
0x2a9: {  	v3 =	vshrl.u32 v3, $0x3;
	v2 =	vbroadcast v2, $0x0;
	[sflag:s15] =	ssyncset.done @p0 $0x0  }
0x2aa: {  	s22 =	simm.s32 $0x2;
	v3 =	vshll.u32 v3, v0;
	s8 =	simm.s32 $0x44F0;
	[sflag:s15] =	ssyncadd.s32 @p0 $0xFFFFC000  }
0x2ab: {  	v4 =	vmov s22;
	v3 =	vbroadcast v3, $0x0;
	v7 =	vadd.s32 v35, v2;
	v6 =	vld [tilespmem:s8+$0xFFFFFFF0]  }
0x2ac: {  	v4 =	vshrl.u32 v4, $0x3;
	v9 =	vadd.s32 v36, v2;
	v8 =	vld [tilespmem:s8+$0x0]  }
0x2ad: {  	v4 =	vshll.u32 v4, v0;
	v12 =	vadd.s32 v23, v3;
	v11 =	vld [tilespmem:s8+$0xFFFFFF30]  }
0x2ae: {  	v4 =	vbroadcast v4, $0x0;
	v14 =	vadd.s32 v24, v3;
	s11 =	simm.s32 $0x3;
	v13 =	vld [tilespmem:s8+$0xFFFFFF40]  }
0x2af: {  	v10 =	vmov s11;
	v2 =	vld [tilespmem:s8+$0xFFFFFF20]  }
0x2b0: {  	v17 =	vadd.s32 v25, v4;
	s12 =	simm.s32 $0x4;
	v10 =	vshrl.u32 v10, $0x3;
	v16 =	vld [tilespmem:s8+$0xFFFFFF50];
	[tilespmem:v7+s0+$0x0] =	vst.idx.msk $0xffff, v6  }
0x2b1: {  	v19 =	vadd.s32 v26, v4;
	v3 =	vshll.u32 v10, v0;
	v10 =	vmov s12;
	v18 =	vld [tilespmem:s8+$0xFFFFFF60];
	[tilespmem:v9+s0+$0x0] =	vst.idx.msk $0xffff, v8  }
0x2b2: {  	v15 =	vbroadcast v3, $0x0;
	v3 =	vshrl.u32 v10, $0x3;
	v27 =	vld [tilespmem:$0x1FF20];
	[tilespmem:v12+s0+$0x0] =	vst.idx.msk $0xffff, v11  }
0x2b3: {  	s16 =	simm.s32 $0x5;
	v6 =	vshll.u32 v3, v0;
	v3 =	vld [tilespmem:s8+$0xFFFFFF70];
	[tilespmem:v14+s0+$0x0] =	vst.idx.msk $0xffff, v13  }
0x2b4: {  	v7 =	vmov s16;
	v29 =	vld [tilespmem:$0x1FF30]  }
0x2b5: {  	v8 =	vbroadcast v6, $0x0;
	v7 =	vshrl.u32 v7, $0x3;
	v6 =	vld [tilespmem:s8+$0xFFFFFF80];
	[tilespmem:v17+s0+$0x0] =	vst.idx.msk $0xffff, v16  }
0x2b6: {  	s19 =	simm.s32 $0x0;
	v9 =	vshll.u32 v7, v0;
	v7 =	vld [tilespmem:s8+$0xFFFFFF90];
	[tilespmem:v19+s0+$0x0] =	vst.idx.msk $0xffff, v18  }
0x2b7: {  	v5 =	vmov s19;
	s19 =	simm.s32 $0x6;
	v32 =	vld [tilespmem:$0x1FD70];
	v4 =	vadd.s32 v27, v15  }
0x2b8: {  	v10 =	vadd.s32 v28, v15;
	v12 =	vmov s19;
	v33 =	vld [tilespmem:$0x1FD80]  }
0x2b9: {  	v13 =	vbroadcast v9, $0x0;
	v12 =	vshrl.u32 v12, $0x3;
	v34 =	vld [tilespmem:$0x1FD90];
	v11 =	vadd.s32 v29, v8  }
0x2ba: {  	s22 =	simm.s32 $0xF;
	v9 =	vadd.s32 v30, v8;
	v14 =	vshll.u32 v12, v0;
	v15 =	vshrl.u32 v5, $0x3;
	v5 =	vld [tilespmem:s8+$0xFFFFFFA0]  }
0x2bb: {  	s6 =	simm.s32 $0x10;
	s11 =	simm.s32 $0x8;
	v16 =	vmov s22;
	v12 =	vadd.s32 v20, v13;
	v14 =	vbroadcast v14, $0x0;
	v8 =	vld [tilespmem:s8+$0xFFFFFFB0]  }
.LBB2_22:
0x2bc: {  	p0 =	slt.u32 s6, $0x78;
	v16 =	vshrl.u32 v16, $0x3;
	v15 =	vshll.u32 v15, v0;
	[tilespmem:v4+s0+$0x0] =	vst.idx.msk $0xffff, v3;
	v3 =	vld [tilespmem:s8+$0xFFFFFFC0];
	v4 =	vadd.s32 v32, v13  }
0x2bd: {  	s12 =	sadd.s32 $0x1, s11;
	v13 =	vshll.u32 v16, v0;
	v15 =	vbroadcast v15, $0x0;
	[tilespmem:v10+s0+$0x0] =	vst.idx.msk $0xffff, v6;
	v6 =	vld [tilespmem:s8+$0xFFFFFFD0];
	v10 =	vadd.s32 v33, v14  }
0x2be: {  	v16 =	vmov s12;
	v13 =	vbroadcast v13, $0x0;
	[tilespmem:v11+s0+$0x0] =	vst.idx.msk $0xffff, v7;
	v7 =	vld [tilespmem:s8+$0xFFFFFFE0];
	v11 =	vadd.s32 v34, v14  }
0x2bf: {  	s12 =	sadd.s32 $0x2, s11;
	v14 =	vmov s11;
	v16 =	vshrl.u32 v16, $0x3;
	v17 =	vld [tilespmem:s8+$0xFFFFFF10];
	v18 =	vadd.s32 v21, v15;
	[tilespmem:v9+s0+$0x0] =	vst.idx.msk $0xffff, v5;
	s8 =	sadd.s32 $0x100, s8  }
0x2c0: {  	v5 =	vshll.u32 v16, v0;
	v9 =	vmov s12;
	v16 =	vld [tilespmem:s8+$0xFFFFFFF0];
	v19 =	vadd.s32 v35, v13;
	[tilespmem:v12+s0+$0x0] =	vst.idx.msk $0xffff, v8  }
0x2c1: {  	s12 =	sadd.s32 $0x3, s11;
	v5 =	vbroadcast v5, $0x0;
	v8 =	vshrl.u32 v9, $0x3;
	v12 =	vadd.s32 v36, v13;
	v9 =	vld [tilespmem:s8+$0x0];
	[tilespmem:v4+s0+$0x0] =	vst.idx.msk $0xffff, v3  }
0x2c2: {  	v3 =	vshll.u32 v8, v0;
	v4 =	vmov s12;
	v8 =	vadd.s32 v22, v15;
	v13 =	vld [tilespmem:s8+$0xFFFFFF20];
	[tilespmem:v10+s0+$0x0] =	vst.idx.msk $0xffff, v6  }
0x2c3: {  	s12 =	sadd.s32 $0x4, s11;
	v10 =	vadd.s32 v23, v5;
	v3 =	vbroadcast v3, $0x0;
	v4 =	vshrl.u32 v4, $0x3;
	v6 =	vld [tilespmem:s8+$0xFFFFFF30];
	[tilespmem:v11+s0+$0x0] =	vst.idx.msk $0xffff, v7  }
0x2c4: {  	v5 =	vadd.s32 v24, v5;
	v4 =	vshll.u32 v4, v0;
	v11 =	vmov s12;
	v7 =	vld [tilespmem:s8+$0xFFFFFF40];
	[tilespmem:v18+s0+$0x0] =	vst.idx.msk $0xffff, v17  }
0x2c5: {  	s12 =	sadd.s32 $0x5, s11;
	v18 =	vadd.s32 v25, v3;
	v15 =	vbroadcast v4, $0x0;
	v4 =	vshrl.u32 v11, $0x3;
	v17 =	vld [tilespmem:s8+$0xFFFFFF50];
	[tilespmem:v19+s0+$0x0] =	vst.idx.msk $0xffff, v16  }
0x2c6: {  	v20 =	vadd.s32 v26, v3;
	v11 =	vshll.u32 v4, v0;
	v16 =	vmov s12;
	v19 =	vld [tilespmem:s8+$0xFFFFFF60];
	[tilespmem:v12+s0+$0x0] =	vst.idx.msk $0xffff, v9  }
.Ltmp12:
0x2c7: {  	s12 =	sadd.s32 $0x6, s11;
	s11 =	smov.u32 s6;
	v4 =	vadd.s32 v27, v15;
	v9 =	vbroadcast v11, $0x0;
	v11 =	vshrl.u32 v16, $0x3;
	v3 =	vld [tilespmem:s8+$0xFFFFFF70];
	[tilespmem:v8+s0+$0x0] =	vst.idx.msk $0xffff, v2;
	v2 =	vmovc v13;
	(pc) =	sbr.rel @p0 .LBB2_22-.Ltmp12, $4  }
0x2c8: {  	v12 =	vmov s12;
	v8 =	vshll.u32 v11, v0;
	[tilespmem:v10+s0+$0x0] =	vst.idx.msk $0xffff, v6;
	v6 =	vld [tilespmem:s8+$0xFFFFFF80];
	v10 =	vadd.s32 v28, v15  }
0x2c9: {  	v11 =	vadd.s32 v29, v9;
	v13 =	vbroadcast v8, $0x0;
	v8 =	vshrl.u32 v12, $0x3;
	[tilespmem:v5+s0+$0x0] =	vst.idx.msk $0xffff, v7;
	v7 =	vld [tilespmem:s8+$0xFFFFFF90]  }
0x2ca: {  	s12 =	sadd.s32 $0x7, s6;
	v15 =	vshrl.u32 v14, $0x3;
	v9 =	vadd.s32 v30, v9;
	v14 =	vshll.u32 v8, v0;
	[tilespmem:v18+s0+$0x0] =	vst.idx.msk $0xffff, v17;
	v5 =	vld [tilespmem:s8+$0xFFFFFFA0]  }
0x2cb: {  	s6 =	sadd.s32 $0x8, s6;
	v16 =	vmov s12;
	v12 =	vadd.s32 v31, v13;
	v14 =	vbroadcast v14, $0x0;
	[tilespmem:v20+s0+$0x0] =	vst.idx.msk $0xffff, v19;
	v8 =	vld [tilespmem:s8+$0xFFFFFFB0]  }
0x2cc: {  	_ =	sdelay $0x3  }
0x2cd: {  	v16 =	vshrl.u32 v16, $0x3;
	v15 =	vshll.u32 v15, v0;
	[tilespmem:v4+s0+$0x0] =	vst.idx.msk $0xffff, v3;
	v3 =	vld [tilespmem:s8+$0xFFFFFFC0];
	v4 =	vadd.s32 v32, v13  }
0x2ce: {  	s6 =	sadd.s32 $0x1, s11;
	v13 =	vshll.u32 v16, v0;
	v15 =	vbroadcast v15, $0x0;
	[tilespmem:v10+s0+$0x0] =	vst.idx.msk $0xffff, v6;
	v6 =	vld [tilespmem:s8+$0xFFFFFFD0];
	v10 =	vadd.s32 v33, v14  }
0x2cf: {  	v16 =	vmov s6;
	v13 =	vbroadcast v13, $0x0;
	[tilespmem:v11+s0+$0x0] =	vst.idx.msk $0xffff, v7;
	v7 =	vld [tilespmem:s8+$0xFFFFFFE0];
	v11 =	vadd.s32 v34, v14  }
0x2d0: {  	s12 =	sadd.s32 $0x2, s11;
	s6 =	sadd.s32 $0x100, s8;
	v14 =	vshrl.u32 v16, $0x3;
	v16 =	vld [tilespmem:s8+$0xFFFFFF10];
	v17 =	vadd.s32 v21, v15;
	[tilespmem:v9+s0+$0x0] =	vst.idx.msk $0xffff, v5  }
0x2d1: {  	v5 =	vshll.u32 v14, v0;
	v9 =	vmov s12;
	v14 =	vld [tilespmem:s6+$0xFFFFFFF0];
	v18 =	vadd.s32 v35, v13;
	[tilespmem:v12+s0+$0x0] =	vst.idx.msk $0xffff, v8  }
0x2d2: {  	s12 =	sadd.s32 $0x3, s11;
	v5 =	vbroadcast v5, $0x0;
	v8 =	vshrl.u32 v9, $0x3;
	v9 =	vld [tilespmem:s6+$0x0];
	v12 =	vadd.s32 v36, v13;
	[tilespmem:v4+s0+$0x0] =	vst.idx.msk $0xffff, v3  }
0x2d3: {  	v3 =	vshll.u32 v8, v0;
	v4 =	vmov s12;
	v8 =	vadd.s32 v22, v15;
	[tilespmem:v10+s0+$0x0] =	vst.idx.msk $0xffff, v6  }
0x2d4: {  	s16 =	sadd.s32 $0x4, s11;
	v6 =	vld [tilespmem:s6+$0xFFFFFF30];
	v10 =	vadd.s32 v23, v5;
	v3 =	vbroadcast v3, $0x0;
	v4 =	vshrl.u32 v4, $0x3;
	[tilespmem:v11+s0+$0x0] =	vst.idx.msk $0xffff, v7  }
0x2d5: {  	v5 =	vadd.s32 v24, v5;
	v7 =	vld [tilespmem:s6+$0xFFFFFF40];
	v4 =	vshll.u32 v4, v0;
	v11 =	vmov s16;
	[tilespmem:v17+s0+$0x0] =	vst.idx.msk $0xffff, v16  }
0x2d6: {  	s19 =	sadd.s32 $0x5, s11;
	v13 =	vld [tilespmem:s6+$0xFFFFFF50];
	v15 =	vadd.s32 v25, v3;
	v4 =	vbroadcast v4, $0x0;
	v11 =	vshrl.u32 v11, $0x3;
	[tilespmem:v18+s0+$0x0] =	vst.idx.msk $0xffff, v14  }
0x2d7: {  	v3 =	vadd.s32 v26, v3;
	v16 =	vmov s19;
	v14 =	vld [tilespmem:s6+$0xFFFFFF60];
	v11 =	vshll.u32 v11, v0;
	[tilespmem:v12+s0+$0x0] =	vst.idx.msk $0xffff, v9  }
0x2d8: {  	s22 =	sadd.s32 $0x6, s11;
	v16 =	vshrl.u32 v16, $0x3;
	v9 =	vld [tilespmem:s6+$0xFFFFFF70];
	v12 =	vadd.s32 v27, v4;
	v11 =	vbroadcast v11, $0x0;
	[tilespmem:v8+s0+$0x0] =	vst.idx.msk $0xffff, v2  }
0x2d9: {  	v2 =	vld [tilespmem:s6+$0xFFFFFF80];
	v4 =	vadd.s32 v28, v4;
	v8 =	vmov s22;
	[tilespmem:v10+s0+$0x0] =	vst.idx.msk $0xffff, v6;
	v6 =	vshll.u32 v16, v0  }
0x2da: {  	v8 =	vshrl.u32 v8, $0x3;
	[tilespmem:v5+s0+$0x0] =	vst.idx.msk $0xffff, v7;
	v5 =	vld [tilespmem:s6+$0xFFFFFF90];
	v7 =	vadd.s32 v29, v11;
	v6 =	vbroadcast v6, $0x0  }
0x2db: {  	v10 =	vmov s11;
	v11 =	vadd.s32 v30, v11;
	v8 =	vshll.u32 v8, v0;
	[tilespmem:v15+s0+$0x0] =	vst.idx.msk $0xffff, v13;
	v13 =	vld [tilespmem:s6+$0xFFFFFFA0]  }
0x2dc: {  	v10 =	vshrl.u32 v10, $0x3;
	v8 =	vbroadcast v8, $0x0;
	[tilespmem:v3+s0+$0x0] =	vst.idx.msk $0xffff, v14;
	v3 =	vld [tilespmem:s6+$0xFFFFFFB0];
	v14 =	vadd.s32 v31, v6  }
0x2dd: {  	v10 =	vshll.u32 v10, v0;
	v6 =	vadd.s32 v32, v6;
	[tilespmem:v12+s0+$0x0] =	vst.idx.msk $0xffff, v9;
	v9 =	vld [tilespmem:s6+$0xFFFFFFC0]  }
0x2de: {  	v10 =	vbroadcast v10, $0x0;
	[tilespmem:v4+s0+$0x0] =	vst.idx.msk $0xffff, v2;
	v2 =	vld [tilespmem:s6+$0xFFFFFFD0];
	v4 =	vadd.s32 v33, v8  }
0x2df: {  	[tilespmem:v7+s0+$0x0] =	vst.idx.msk $0xffff, v5;
	v5 =	vld [tilespmem:s6+$0xFFFFFFE0];
	v7 =	vadd.s32 v34, v8  }
0x2e0: {  	v12 =	vadd.s32 v21, v10;
	v8 =	vld [tilespmem:s6+$0xFFFFFF10];
	[tilespmem:v11+s0+$0x0] =	vst.idx.msk $0xffff, v13  }
0x2e1: {  	v11 =	vld [tilespmem:s6+$0xFFFFFF20];
	[tilespmem:v14+s0+$0x0] =	vst.idx.msk $0xffff, v3;
	v3 =	vadd.s32 v22, v10  }
0x2e2: {  	[tilespmem:v6+s0+$0x0] =	vst.idx.msk $0xffff, v9  }
0x2e3: {  	[tilespmem:v4+s0+$0x0] =	vst.idx.msk $0xffff, v2  }
0x2e4: {  	[tilespmem:v7+s0+$0x0] =	vst.idx.msk $0xffff, v5  }
0x2e5: {  	[tilespmem:v12+s0+$0x0] =	vst.idx.msk $0xffff, v8  }
0x2e6: {  	s11 =	simm.s32 $0x0;
	[tilespmem:v3+s0+$0x0] =	vst.idx.msk $0xffff, v11  }
0x2e7: {  	v2 =	vmov s11;
	v32 =	vld [tilespmem:$0x1FDB0]  }
0x2e8: {  	s8 =	simm.s32 $0x54F0;
	v3 =	vshrl.u32 v2, $0x3;
	v34 =	vld [tilespmem:$0x1FDD0]  }
0x2e9: {  	v2 =	vld [tilespmem:s8+$0xFFFFFFB0];
	v3 =	vshll.u32 v3, $0x3  }
0x2ea: {  	v33 =	vld [tilespmem:$0x1FDC0];
	v3 =	vbroadcast v3, $0x0  }
0x2eb: {  	v27 =	vld [tilespmem:$0x1FE00]  }
0x2ec: {  	v5 =	vld [tilespmem:s8+$0xFFFFFF10];
	v6 =	vadd.s32 v32, v3  }
0x2ed: {  	v4 =	vld [tilespmem:s8+$0xFFFFFF30];
	v8 =	vadd.s32 v34, v3  }
0x2ee: {  	v7 =	vld [tilespmem:s8+$0xFFFFFF80]  }
0x2ef: {  	v9 =	vld [tilespmem:s8+$0xFFFFFF20];
	v11 =	vadd.s32 v33, v3  }
0x2f0: {  	v16 =	vld [tilespmem:s8+$0xFFFFFF70];
	v15 =	vadd.s32 v27, v3  }
0x2f1: {  	[tilespmem:v6+s0+$0x0] =	vst.idx.msk $0xffff, v5;
	v6 =	vld [tilespmem:s8+$0xFFFFFF40]  }
0x2f2: {  	v28 =	vld [tilespmem:$0x1FDE0];
	[tilespmem:v8+s0+$0x0] =	vst.idx.msk $0xffff, v4  }
0x2f3: {  	v36 =	vld [tilespmem:$0x1FF50]  }
0x2f4: {  	v38 =	vld [tilespmem:$0x1FF60];
	[tilespmem:v11+s0+$0x0] =	vst.idx.msk $0xffff, v9  }
0x2f5: {  	v18 =	vld [tilespmem:s8+$0xFFFFFFF0];
	[tilespmem:v15+s0+$0x0] =	vst.idx.msk $0xffff, v16  }
0x2f6: {  	v19 =	vadd.s32 v42, v3;
	v35 =	vld [tilespmem:$0x1FE10]  }
0x2f7: {  	v10 =	vld [tilespmem:s8+$0x0]  }
0x2f8: {  	v13 =	vld [tilespmem:s8+$0xFFFFFFD0]  }
0x2f9: {  	v12 =	vld [tilespmem:s8+$0xFFFFFFE0]  }
0x2fa: {  	p0 =	por $0x1, $0x1;
	v9 =	vld [tilespmem:s8+$0xFFFFFFC0]  }
.Ltmp13:
0x2fb: {  	v15 =	vld [tilespmem:s8+$0xFFFFFF50];
	[tilespmem:v19+s0+$0x0] =	vst.idx.msk $0xffff, v18;
	v17 =	vadd.s32 v35, v3;
	(pc) =	sbr.rel @!p0 .LBB2_25-.Ltmp13, $4  }
0x2fc: {  	v14 =	vadd.s32 v40, v3;
	v29 =	vld [tilespmem:$0x1FE20]  }
0x2fd: {  	v11 =	vadd.s32 v37, v3;
	v30 =	vld [tilespmem:$0x1FDF0]  }
0x2fe: {  	v43 =	vmov v40;
	v16 =	vadd.s32 v39, v3;
	v40 =	vld [tilespmem:$0x1FE30]  }
0x2ff: {  	s6 =	simm.s32 $0x55F0;
	v41 =	vld [tilespmem:$0x1FE40];
	v5 =	vadd.s32 v28, v3;
	v4 =	vadd.s32 v36, v3;
	v8 =	vadd.s32 v38, v3  }
.LBB2_24:
0x300: {  	s11 =	sadd.s32 $0x8, s11;
	v18 =	vld [tilespmem:s6+$0xFFFFFFB0];
	[tilespmem:v17+s0+$0x0] =	vst.idx.msk $0xffff, v7  }
0x301: {  	v19 =	vadd.s32 v29, v3;
	v7 =	vmov s11;
	p0 =	slt.u32 s11, $0x78;
	v17 =	vld [tilespmem:s8+$0xFFFFFF90];
	[tilespmem:v14+s0+$0x0] =	vst.idx.msk $0xffff, v10  }
0x302: {  	v7 =	vshrl.u32 v7, $0x3;
	v20 =	vld [tilespmem:s8+$0xFFFFFFA0];
	[tilespmem:v11+s0+$0x0] =	vst.idx.msk $0xffff, v13  }
0x303: {  	v13 =	vadd.s32 v30, v3;
	v10 =	vshll.u32 v7, $0x3;
	v11 =	vld [tilespmem:s8+$0xFFFFFF60];
	[tilespmem:v16+s0+$0x0] =	vst.idx.msk $0xffff, v12;
	s8 =	smov.u32 s6  }
0x304: {  	v14 =	vadd.s32 v41, v3;
	v12 =	vadd.s32 v40, v3;
	v7 =	vld [tilespmem:s6+$0xFFFFFF80];
	[tilespmem:v5+s0+$0x0] =	vst.idx.msk $0xffff, v15;
	v3 =	vbroadcast v10, $0x0  }
0x305: {  	v15 =	vld [tilespmem:s6+$0xFFFFFF30];
	[tilespmem:v8+s0+$0x0] =	vst.idx.msk $0xffff, v2;
	v2 =	vmov v18  }
0x306: {  	v16 =	vld [tilespmem:s6+$0xFFFFFF10];
	v18 =	vadd.s32 v32, v3;
	v5 =	vadd.s32 v28, v3;
	[tilespmem:v19+s0+$0x0] =	vst.idx.msk $0xffff, v17  }
0x307: {  	v19 =	vadd.s32 v34, v3;
	v21 =	vadd.s32 v27, v3;
	v22 =	vld [tilespmem:s6+$0xFFFFFFF0];
	[tilespmem:v4+s0+$0x0] =	vst.idx.msk $0xffff, v6  }
0x308: {  	v24 =	vadd.s32 v33, v3;
	v4 =	vadd.s32 v36, v3;
	v23 =	vld [tilespmem:s6+$0xFFFFFF20];
	[tilespmem:v13+s0+$0x0] =	vst.idx.msk $0xffff, v11  }
0x309: {  	v8 =	vadd.s32 v38, v3;
	v11 =	vadd.s32 v37, v3;
	v25 =	vld [tilespmem:s6+$0xFFFFFF70];
	[tilespmem:v14+s0+$0x0] =	vst.idx.msk $0xffff, v9  }
0x30a: {  	v26 =	vadd.s32 v42, v3;
	v14 =	vadd.s32 v43, v3;
	v10 =	vld [tilespmem:s6+$0x0];
	[tilespmem:v12+s0+$0x0] =	vst.idx.msk $0xffff, v20  }
.Ltmp14:
0x30b: {  	v17 =	vadd.s32 v35, v3;
	[tilespmem:v18+s0+$0x0] =	vst.idx.msk $0xffff, v16;
	v6 =	vld [tilespmem:s6+$0xFFFFFF40];
	(pc) =	sbr.rel @p0 .LBB2_24-.Ltmp14, $4  }
0x30c: {  	[tilespmem:v19+s0+$0x0] =	vst.idx.msk $0xffff, v15;
	v13 =	vld [tilespmem:s6+$0xFFFFFFD0]  }
0x30d: {  	[tilespmem:v24+s0+$0x0] =	vst.idx.msk $0xffff, v23;
	v12 =	vld [tilespmem:s6+$0xFFFFFFE0]  }
0x30e: {  	v16 =	vadd.s32 v39, v3;
	[tilespmem:v21+s0+$0x0] =	vst.idx.msk $0xffff, v25;
	v9 =	vld [tilespmem:s6+$0xFFFFFFC0]  }
0x30f: {  	s6 =	sadd.s32 $0x100, s6;
	v15 =	vld [tilespmem:s8+$0xFFFFFF50];
	[tilespmem:v26+s0+$0x0] =	vst.idx.msk $0xffff, v22  }
.LBB2_25:
0x310: {  	_ =	sdelay $0x3  }
0x311: {  	[tilespmem:v17+s0+$0x0] =	vst.idx.msk $0xffff, v7  }
0x312: {  	[tilespmem:v14+s0+$0x0] =	vst.idx.msk $0xffff, v10  }
0x313: {  	v7 =	vld [tilespmem:s8+$0xFFFFFF90];
	[tilespmem:v8+s0+$0x0] =	vst.idx.msk $0xffff, v2;
	v17 =	vadd.s32 v29, v3  }
0x314: {  	v10 =	vld [tilespmem:s8+$0xFFFFFF60];
	[tilespmem:v11+s0+$0x0] =	vst.idx.msk $0xffff, v13;
	v11 =	vadd.s32 v30, v3  }
0x315: {  	[tilespmem:v5+s0+$0x0] =	vst.idx.msk $0xffff, v15;
	v5 =	vadd.s32 v41, v3  }
0x316: {  	[tilespmem:v16+s0+$0x0] =	vst.idx.msk $0xffff, v12;
	v12 =	vld [tilespmem:s8+$0xFFFFFFA0];
	v3 =	vadd.s32 v40, v3  }
0x317: {  	[tilespmem:v4+s0+$0x0] =	vst.idx.msk $0xffff, v6  }
0x318: {  	[tilespmem:v17+s0+$0x0] =	vst.idx.msk $0xffff, v7  }
0x319: {  	[tilespmem:v11+s0+$0x0] =	vst.idx.msk $0xffff, v10  }
0x31a: {  	[tilespmem:v5+s0+$0x0] =	vst.idx.msk $0xffff, v9  }
0x31b: {  	s11 =	simm.s32 $0x0;
	[tilespmem:v3+s0+$0x0] =	vst.idx.msk $0xffff, v12  }
0x31c: {  	v2 =	vmov s11;
	v27 =	vld [tilespmem:$0x1FE50]  }
0x31d: {  	v3 =	vshrl.u32 v2, $0x3;
	v29 =	vld [tilespmem:$0x1FE70]  }
0x31e: {  	v3 =	vshll.u32 v3, $0x3  }
0x31f: {  	v28 =	vld [tilespmem:$0x1FE60];
	v3 =	vbroadcast v3, $0x0  }
0x320: {  	s8 =	simm.s32 $0x64F0;
	v34 =	vld [tilespmem:$0x1FEB0]  }
0x321: {  	v5 =	vld [tilespmem:s8+$0xFFFFFF10];
	v6 =	vadd.s32 v27, v3  }
0x322: {  	v4 =	vld [tilespmem:s8+$0xFFFFFF30];
	v8 =	vadd.s32 v29, v3  }
0x323: {  	v7 =	vld [tilespmem:s8+$0xFFFFFF80]  }
0x324: {  	v9 =	vld [tilespmem:s8+$0xFFFFFF20];
	v11 =	vadd.s32 v28, v3  }
0x325: {  	v16 =	vld [tilespmem:s8+$0xFFFFFF70];
	v15 =	vadd.s32 v34, v3  }
0x326: {  	[tilespmem:v6+s0+$0x0] =	vst.idx.msk $0xffff, v5;
	v6 =	vld [tilespmem:s8+$0xFFFFFF40]  }
0x327: {  	v32 =	vld [tilespmem:$0x1FE90];
	[tilespmem:v8+s0+$0x0] =	vst.idx.msk $0xffff, v4  }
0x328: {  	v30 =	vld [tilespmem:$0x1FE80]  }
0x329: {  	v35 =	vld [tilespmem:$0x1FEC0];
	[tilespmem:v11+s0+$0x0] =	vst.idx.msk $0xffff, v9  }
0x32a: {  	v18 =	vld [tilespmem:s8+$0xFFFFFFF0];
	[tilespmem:v15+s0+$0x0] =	vst.idx.msk $0xffff, v16  }
0x32b: {  	v19 =	vadd.s32 v47, v3;
	v41 =	vld [tilespmem:$0x1FFB0]  }
0x32c: {  	v2 =	vld [tilespmem:s8+$0xFFFFFFB0]  }
0x32d: {  	v10 =	vld [tilespmem:s8+$0x0]  }
0x32e: {  	v13 =	vld [tilespmem:s8+$0xFFFFFFD0]  }
0x32f: {  	p0 =	por $0x1, $0x1;
	v12 =	vld [tilespmem:s8+$0xFFFFFFE0]  }
.Ltmp15:
0x330: {  	v9 =	vld [tilespmem:s8+$0xFFFFFFC0];
	[tilespmem:v19+s0+$0x0] =	vst.idx.msk $0xffff, v18;
	v17 =	vadd.s32 v41, v3;
	(pc) =	sbr.rel @!p0 .LBB2_27-.Ltmp15, $4  }
0x331: {  	v14 =	vadd.s32 v48, v3;
	v42 =	vld [tilespmem:$0x1FFC0]  }
0x332: {  	v11 =	vadd.s32 v45, v3;
	v15 =	vld [tilespmem:s8+$0xFFFFFF50]  }
0x333: {  	v16 =	vadd.s32 v46, v3;
	v33 =	vld [tilespmem:$0x1FEA0]  }
0x334: {  	s6 =	simm.s32 $0x65F0;
	v43 =	vld [tilespmem:$0x1FFD0];
	v5 =	vadd.s32 v32, v3;
	v4 =	vadd.s32 v30, v3;
	v8 =	vadd.s32 v35, v3  }
.LBB2_26:
0x335: {  	s11 =	sadd.s32 $0x8, s11;
	v18 =	vld [tilespmem:s6+$0xFFFFFFB0];
	[tilespmem:v17+s0+$0x0] =	vst.idx.msk $0xffff, v7  }
0x336: {  	v19 =	vadd.s32 v42, v3;
	v7 =	vmov s11;
	p0 =	slt.u32 s11, $0x78;
	v17 =	vld [tilespmem:s8+$0xFFFFFF90];
	[tilespmem:v14+s0+$0x0] =	vst.idx.msk $0xffff, v10  }
0x337: {  	v7 =	vshrl.u32 v7, $0x3;
	v20 =	vld [tilespmem:s8+$0xFFFFFFA0];
	[tilespmem:v11+s0+$0x0] =	vst.idx.msk $0xffff, v13  }
0x338: {  	v13 =	vadd.s32 v33, v3;
	v10 =	vshll.u32 v7, $0x3;
	v11 =	vld [tilespmem:s8+$0xFFFFFF60];
	[tilespmem:v16+s0+$0x0] =	vst.idx.msk $0xffff, v12;
	s8 =	smov.u32 s6  }
0x339: {  	v14 =	vadd.s32 v44, v3;
	v12 =	vadd.s32 v43, v3;
	v7 =	vld [tilespmem:s6+$0xFFFFFF80];
	[tilespmem:v5+s0+$0x0] =	vst.idx.msk $0xffff, v15;
	v3 =	vbroadcast v10, $0x0  }
0x33a: {  	v15 =	vld [tilespmem:s6+$0xFFFFFF30];
	[tilespmem:v8+s0+$0x0] =	vst.idx.msk $0xffff, v2;
	v2 =	vmov v18  }
0x33b: {  	v16 =	vld [tilespmem:s6+$0xFFFFFF10];
	v18 =	vadd.s32 v27, v3;
	v5 =	vadd.s32 v32, v3;
	[tilespmem:v19+s0+$0x0] =	vst.idx.msk $0xffff, v17  }
0x33c: {  	v19 =	vadd.s32 v29, v3;
	v21 =	vadd.s32 v34, v3;
	v22 =	vld [tilespmem:s6+$0xFFFFFFF0];
	[tilespmem:v4+s0+$0x0] =	vst.idx.msk $0xffff, v6  }
0x33d: {  	v24 =	vadd.s32 v28, v3;
	v4 =	vadd.s32 v30, v3;
	v23 =	vld [tilespmem:s6+$0xFFFFFF20];
	[tilespmem:v13+s0+$0x0] =	vst.idx.msk $0xffff, v11  }
0x33e: {  	v8 =	vadd.s32 v35, v3;
	v11 =	vadd.s32 v45, v3;
	v25 =	vld [tilespmem:s6+$0xFFFFFF70];
	[tilespmem:v14+s0+$0x0] =	vst.idx.msk $0xffff, v9  }
0x33f: {  	v26 =	vadd.s32 v47, v3;
	v14 =	vadd.s32 v48, v3;
	v10 =	vld [tilespmem:s6+$0x0];
	[tilespmem:v12+s0+$0x0] =	vst.idx.msk $0xffff, v20  }
.Ltmp16:
0x340: {  	v17 =	vadd.s32 v41, v3;
	[tilespmem:v18+s0+$0x0] =	vst.idx.msk $0xffff, v16;
	v6 =	vld [tilespmem:s6+$0xFFFFFF40];
	(pc) =	sbr.rel @p0 .LBB2_26-.Ltmp16, $4  }
0x341: {  	[tilespmem:v19+s0+$0x0] =	vst.idx.msk $0xffff, v15;
	v13 =	vld [tilespmem:s6+$0xFFFFFFD0]  }
0x342: {  	[tilespmem:v24+s0+$0x0] =	vst.idx.msk $0xffff, v23;
	v12 =	vld [tilespmem:s6+$0xFFFFFFE0]  }
0x343: {  	v16 =	vadd.s32 v46, v3;
	[tilespmem:v21+s0+$0x0] =	vst.idx.msk $0xffff, v25;
	v9 =	vld [tilespmem:s6+$0xFFFFFFC0]  }
0x344: {  	s6 =	sadd.s32 $0x100, s6;
	v15 =	vld [tilespmem:s8+$0xFFFFFF50];
	[tilespmem:v26+s0+$0x0] =	vst.idx.msk $0xffff, v22  }
.LBB2_27:
0x345: {  	_ =	sdelay $0x3  }
0x346: {  	[tilespmem:v17+s0+$0x0] =	vst.idx.msk $0xffff, v7  }
0x347: {  	[tilespmem:v14+s0+$0x0] =	vst.idx.msk $0xffff, v10  }
0x348: {  	v7 =	vld [tilespmem:s8+$0xFFFFFF90];
	[tilespmem:v8+s0+$0x0] =	vst.idx.msk $0xffff, v2;
	v17 =	vadd.s32 v42, v3  }
0x349: {  	v10 =	vld [tilespmem:s8+$0xFFFFFF60];
	[tilespmem:v11+s0+$0x0] =	vst.idx.msk $0xffff, v13;
	v11 =	vadd.s32 v33, v3  }
0x34a: {  	[tilespmem:v5+s0+$0x0] =	vst.idx.msk $0xffff, v15;
	v5 =	vadd.s32 v44, v3  }
0x34b: {  	[tilespmem:v16+s0+$0x0] =	vst.idx.msk $0xffff, v12;
	v12 =	vld [tilespmem:s8+$0xFFFFFFA0];
	v3 =	vadd.s32 v43, v3  }
0x34c: {  	[tilespmem:v4+s0+$0x0] =	vst.idx.msk $0xffff, v6  }
0x34d: {  	[tilespmem:v17+s0+$0x0] =	vst.idx.msk $0xffff, v7  }
0x34e: {  	s6 =	simm.s32 $0x0;
	[tilespmem:v11+s0+$0x0] =	vst.idx.msk $0xffff, v10  }
0x34f: {  	v2 =	vmov s6;
	[tilespmem:v5+s0+$0x0] =	vst.idx.msk $0xffff, v9  }
0x350: {  	s8 =	simm.s32 $0x74F0;
	[tilespmem:v3+s0+$0x0] =	vst.idx.msk $0xffff, v12;
	v3 =	vshrl.u32 v2, $0x3  }
0x351: {  	v2 =	vld [tilespmem:s8+$0xFFFFFFB0];
	v3 =	vshll.u32 v3, $0x3  }
0x352: {  	v7 =	vld [tilespmem:s8+$0xFFFFFF80];
	v3 =	vbroadcast v3, $0x0  }
0x353: {  	v4 =	vld [tilespmem:s8+$0xFFFFFF30]  }
0x354: {  	v5 =	vld [tilespmem:s8+$0xFFFFFF10];
	v6 =	vadd.s32 v49, v3  }
0x355: {  	v18 =	vld [tilespmem:s8+$0xFFFFFFF0];
	v8 =	vadd.s32 v51, v3  }
0x356: {  	v16 =	vld [tilespmem:s8+$0xFFFFFF70];
	v15 =	vadd.s32 v55, v3  }
0x357: {  	v11 =	vld [tilespmem:s8+$0xFFFFFF20];
	v19 =	vadd.s32 v63, v3  }
0x358: {  	v10 =	vld [tilespmem:s8+$0x0];
	v12 =	vadd.s32 v50, v3  }
0x359: {  	v13 =	vld [tilespmem:s8+$0xFFFFFFD0];
	[tilespmem:v6+s0+$0x0] =	vst.idx.msk $0xffff, v5  }
0x35a: {  	v5 =	vld [tilespmem:s8+$0xFFFFFF40];
	[tilespmem:v8+s0+$0x0] =	vst.idx.msk $0xffff, v4  }
0x35b: {  	[tilespmem:v15+s0+$0x0] =	vst.idx.msk $0xffff, v16;
	v8 =	vld [tilespmem:s8+$0xFFFFFFC0]  }
0x35c: {  	v15 =	vld [tilespmem:s8+$0xFFFFFF50];
	[tilespmem:v19+s0+$0x0] =	vst.idx.msk $0xffff, v18  }
0x35d: {  	[tilespmem:v12+s0+$0x0] =	vst.idx.msk $0xffff, v11;
	v12 =	vld [tilespmem:s8+$0xFFFFFFE0]  }
0x35e: {  	v17 =	vadd.s32 v56, v3;
	v35 =	vld [tilespmem:$0x1FF60]  }
0x35f: {  	v14 =	vadd.s32 v1, v3;
	v37 =	vld [tilespmem:$0x1FF70]  }
0x360: {  	v11 =	vadd.s32 v61, v3;
	v39 =	vld [tilespmem:$0x1FF80]  }
0x361: {  	v16 =	vadd.s32 v62, v3;
	v38 =	vld [tilespmem:$0x1FF90]  }
0x362: {  	s11 =	simm.s32 $0x75F0;
	v9 =	vadd.s32 v59, v3;
	v6 =	vadd.s32 v53, v3;
	v4 =	vadd.s32 v52, v3;
	v40 =	vld [tilespmem:$0x1FFA0]  }
.LBB2_28:
0x363: {  	s6 =	sadd.s32 $0x8, s6;
	v18 =	vld [tilespmem:s11+$0xFFFFFFB0];
	[tilespmem:v17+s0+$0x0] =	vst.idx.msk $0xffff, v7  }
0x364: {  	v19 =	vadd.s32 v57, v3;
	v7 =	vmov s6;
	p0 =	slt.u32 s6, $0x78;
	v17 =	vld [tilespmem:s8+$0xFFFFFF90];
	[tilespmem:v14+s0+$0x0] =	vst.idx.msk $0xffff, v10  }
0x365: {  	v7 =	vshrl.u32 v7, $0x3;
	v20 =	vld [tilespmem:s8+$0xFFFFFFA0];
	[tilespmem:v11+s0+$0x0] =	vst.idx.msk $0xffff, v13  }
0x366: {  	v13 =	vadd.s32 v54, v3;
	v10 =	vshll.u32 v7, $0x3;
	v11 =	vld [tilespmem:s8+$0xFFFFFF60];
	[tilespmem:v16+s0+$0x0] =	vst.idx.msk $0xffff, v12;
	s8 =	smov.u32 s11  }
0x367: {  	v14 =	vadd.s32 v60, v3;
	v12 =	vadd.s32 v58, v3;
	v7 =	vld [tilespmem:s11+$0xFFFFFF80];
	[tilespmem:v6+s0+$0x0] =	vst.idx.msk $0xffff, v15;
	v3 =	vbroadcast v10, $0x0  }
0x368: {  	v15 =	vld [tilespmem:s11+$0xFFFFFF30];
	[tilespmem:v9+s0+$0x0] =	vst.idx.msk $0xffff, v2;
	v2 =	vmov v18  }
0x369: {  	v16 =	vld [tilespmem:s11+$0xFFFFFF10];
	v18 =	vadd.s32 v49, v3;
	v6 =	vadd.s32 v53, v3;
	[tilespmem:v19+s0+$0x0] =	vst.idx.msk $0xffff, v17  }
0x36a: {  	v19 =	vadd.s32 v51, v3;
	v21 =	vadd.s32 v55, v3;
	v22 =	vld [tilespmem:s11+$0xFFFFFFF0];
	[tilespmem:v4+s0+$0x0] =	vst.idx.msk $0xffff, v5  }
0x36b: {  	v24 =	vadd.s32 v50, v3;
	v4 =	vadd.s32 v52, v3;
	v23 =	vld [tilespmem:s11+$0xFFFFFF20];
	[tilespmem:v13+s0+$0x0] =	vst.idx.msk $0xffff, v11  }
0x36c: {  	v9 =	vadd.s32 v59, v3;
	v11 =	vadd.s32 v61, v3;
	v25 =	vld [tilespmem:s11+$0xFFFFFF70];
	[tilespmem:v14+s0+$0x0] =	vst.idx.msk $0xffff, v8  }
0x36d: {  	v26 =	vadd.s32 v63, v3;
	v14 =	vadd.s32 v1, v3;
	v10 =	vld [tilespmem:s11+$0x0];
	[tilespmem:v12+s0+$0x0] =	vst.idx.msk $0xffff, v20  }
.Ltmp17:
0x36e: {  	v17 =	vadd.s32 v56, v3;
	[tilespmem:v18+s0+$0x0] =	vst.idx.msk $0xffff, v16;
	v5 =	vld [tilespmem:s11+$0xFFFFFF40];
	(pc) =	sbr.rel @p0 .LBB2_28-.Ltmp17, $4  }
0x36f: {  	[tilespmem:v19+s0+$0x0] =	vst.idx.msk $0xffff, v15;
	v13 =	vld [tilespmem:s11+$0xFFFFFFD0]  }
0x370: {  	[tilespmem:v24+s0+$0x0] =	vst.idx.msk $0xffff, v23;
	v12 =	vld [tilespmem:s11+$0xFFFFFFE0]  }
0x371: {  	v16 =	vadd.s32 v62, v3;
	[tilespmem:v21+s0+$0x0] =	vst.idx.msk $0xffff, v25;
	v8 =	vld [tilespmem:s11+$0xFFFFFFC0]  }
0x372: {  	s11 =	sadd.s32 $0x100, s11;
	v15 =	vld [tilespmem:s8+$0xFFFFFF50];
	[tilespmem:v26+s0+$0x0] =	vst.idx.msk $0xffff, v22  }
0x373: {  	_ =	sdelay $0x3  }
0x374: {  	[tilespmem:v17+s0+$0x0] =	vst.idx.msk $0xffff, v7  }
0x375: {  	[tilespmem:v14+s0+$0x0] =	vst.idx.msk $0xffff, v10  }
0x376: {  	v32 =	vld [tilespmem:s8+$0xFFFFFF90];
	v33 =	vadd.s32 v57, v3;
	[tilespmem:v9+s0+$0x0] =	vst.idx.msk $0xffff, v2  }
0x377: {  	v34 =	vld [tilespmem:s8+$0xFFFFFF60];
	v41 =	vadd.s32 v54, v3;
	[tilespmem:v4+s0+$0x0] =	vst.idx.msk $0xffff, v5  }
0x378: {  	v42 =	vadd.s32 v60, v3;
	[tilespmem:v11+s0+$0x0] =	vst.idx.msk $0xffff, v13  }
0x379: {  	v43 =	vld [tilespmem:s8+$0xFFFFFFA0];
	v3 =	vadd.s32 v58, v3;
	[tilespmem:v16+s0+$0x0] =	vst.idx.msk $0xffff, v12  }
0x37a: {  	[tilespmem:v6+s0+$0x0] =	vst.idx.msk $0xffff, v15  }
0x37b: {  	s6 =	sadd.s32 s5, s18;
	[tilespmem:v33+s0+$0x0] =	vst.idx.msk $0xffff, v32  }
0x37c: {  	s22 =	sshll.u32 s6, $0x9;
	[tilespmem:v41+s0+$0x0] =	vst.idx.msk $0xffff, v34  }
0x37d: {  	s6 =	sshll.u32 s6, $0xB;
	s8 =	sand.u32 $0xE00, s22;
	[tilespmem:v42+s0+$0x0] =	vst.idx.msk $0xffff, v8  }
0x37e: {  	s6 =	sand.u32 $0xFFFC000, s6;
	s8 =	sadd.s32 s3, s8;
	[tilespmem:v3+s0+$0x0] =	vst.idx.msk $0xffff, v43  }
0x37f: {  	s11 =	simm.s32 $0x10;
	s6 =	sadd.s32 s6, s8;
	v28 =	vld [tilespmem:$0x1FFE0]  }
0x380: {  	s12 =	simm.s32 $0xD988;
	s8 =	simm.s32 $0xD900;
	s16 =	sadd.s32 $0x0, s6;
	v30 =	vld [tilespmem:$0x1FFF0]  }
.LBB2_30:
0x381: {  	[hbm4b:s16+s4] =	stream.linear.scatter [tilespmem:s8], [sflag:$0x6], $0x80, $0x38;
	[tilespmem:$0x12E00] =	vst v63  }
0x382: {  	s16 =	smov.u32 s11;
	s8 =	smov.u32 s12;
	p0 =	sne.s32 s11, $0x1F0  }
.Ltmp18:
0x383: {  	s11 =	sadd.s32 $0x10, s11;
	(pc) =	sbr.rel @p0 .LBB2_30-.Ltmp18, $2  }
0x384: {  	_ =	sdelay $0x2  }
0x385: {  	s12 =	sadd.s32 $0x88, s12;
	s16 =	sadd.s32 s16, s6  }
0x386: {  	v22 =	vld [tilespmem:$0x1FED0]  }
0x387: {  	v23 =	vld [tilespmem:$0x1FEE0]  }
0x388: {  	v24 =	vld [tilespmem:$0x1FEF0]  }
0x389: {  	v25 =	vld [tilespmem:$0x1FF00]  }
0x38a: {  	v26 =	vld [tilespmem:$0x1FF10]  }
0x38b: {  	[hbm4b:s16+s4] =	stream.linear.scatter [tilespmem:s8], [sflag:$0x6], $0x80, $0x38;
	v18 =	vld [tilespmem:$0x1FF20]  }
0x38c: {  	s8 =	sadd.s32 $0x1000, s6;
	s11 =	simm.s32 $0xEE40;
	v19 =	vld [tilespmem:$0x1FF30]  }
0x38d: {  	s12 =	simm.s32 $0x10;
	s16 =	simm.s32 $0xEEC8;
	v20 =	vmov v31;
	v21 =	vld [tilespmem:$0x1FF40];
	s18 =	sadd.s32 $0x0, s8  }
.LBB2_32:
0x38e: {  	[hbm4b:s18+s4] =	stream.linear.scatter [tilespmem:s11], [sflag:$0x6], $0x80, $0x38;
	[tilespmem:$0x12E00] =	vst v63  }
0x38f: {  	s18 =	smov.u32 s12;
	s11 =	smov.u32 s16;
	p0 =	sne.s32 s12, $0x1F0  }
.Ltmp19:
0x390: {  	s12 =	sadd.s32 $0x10, s12;
	(pc) =	sbr.rel @p0 .LBB2_32-.Ltmp19, $2  }
0x391: {  	_ =	sdelay $0x2  }
0x392: {  	s16 =	sadd.s32 $0x88, s16;
	s18 =	sadd.s32 s18, s8  }
0x393: {  	[hbm4b:s18+s4] =	stream.linear.scatter [tilespmem:s11], [sflag:$0x6], $0x80, $0x38;
	[tilespmem:$0x12E00] =	vst v63  }
0x394: {  	s8 =	sadd.s32 $0x2000, s6;
	s11 =	simm.s32 $0x10380  }
0x395: {  	s12 =	simm.s32 $0x10;
	s16 =	simm.s32 $0x10408;
	s18 =	sadd.s32 $0x0, s8  }
.LBB2_34:
0x396: {  	[hbm4b:s18+s4] =	stream.linear.scatter [tilespmem:s11], [sflag:$0x6], $0x80, $0x38;
	[tilespmem:$0x12E00] =	vst v63  }
0x397: {  	s18 =	smov.u32 s12;
	s11 =	smov.u32 s16;
	p0 =	sne.s32 s12, $0x1F0  }
.Ltmp20:
0x398: {  	s12 =	sadd.s32 $0x10, s12;
	(pc) =	sbr.rel @p0 .LBB2_34-.Ltmp20, $2  }
0x399: {  	_ =	sdelay $0x2  }
0x39a: {  	s16 =	sadd.s32 $0x88, s16;
	s18 =	sadd.s32 s18, s8  }
0x39b: {  	[hbm4b:s18+s4] =	stream.linear.scatter [tilespmem:s11], [sflag:$0x6], $0x80, $0x38;
	[tilespmem:$0x12E00] =	vst v63  }
0x39c: {  	s6 =	sadd.s32 $0x3000, s6;
	s8 =	simm.s32 $0x118C0  }
0x39d: {  	s11 =	simm.s32 $0x10;
	s12 =	simm.s32 $0x11948;
	s16 =	sadd.s32 $0x0, s6  }
.LBB2_36:
0x39e: {  	[hbm4b:s16+s4] =	stream.linear.scatter [tilespmem:s8], [sflag:$0x6], $0x80, $0x38;
	[tilespmem:$0x12E00] =	vst v63  }
0x39f: {  	s16 =	smov.u32 s11;
	s8 =	smov.u32 s12;
	p0 =	sne.s32 s11, $0x1F0  }
.Ltmp21:
0x3a0: {  	s11 =	sadd.s32 $0x10, s11;
	(pc) =	sbr.rel @p0 .LBB2_36-.Ltmp21, $2  }
0x3a1: {  	_ =	sdelay $0x2  }
0x3a2: {  	s12 =	sadd.s32 $0x88, s12;
	s16 =	sadd.s32 s16, s6  }
0x3a3: {  	s17 =	sadd.s32 $0x1, s17  }
0x3a4: {  	p0 =	sne.s32 s17, $0x19  }
.Ltmp22:
0x3a5: {  	_ = 	snop;
	(pc) =	sbr.rel @p0 .LBB2_2-.Ltmp22, $2  }
0x3a6: {  	_ =	sdelay $0x2  }
0x3a7: {  	[hbm4b:s16+s4] =	stream.linear.scatter [tilespmem:s8], [sflag:$0x6], $0x80, $0x38;
	[tilespmem:$0x12E00] =	vst v63  }
0x3a8: {  	_ =	swait.ge [sflag:s14], $0x4000  }
0x3a9: {  	[sflag:s14] =	ssyncset.done $0x0  }
0x3aa: {  	[sflag:s14] =	ssyncadd.s32 $0xFFFFC000  }
0x3ab: {  	_ =	swait.ge [sflag:s15], $0x4000  }
0x3ac: {  	s8 =	rddreg [dreg:$0x7]  }
0x3ad: {  	s6 =	rddreg [dreg:$0x6];
	s8 =	sadd.s32 $0x1, s8  }
0x3ae: {  	p0 =	sne.s32 s8, s6  }
.Ltmp23:
0x3af: {  	_ = 	snop;
	(pc) =	sbr.rel @p0 .LBB2_1-.Ltmp23, $3  }
0x3b0: {  	_ =	sdelay $0x1  }
0x3b1: {  	[sflag:s15] =	ssyncset.done $0x0  }
0x3b2: {  	[sflag:s15] =	ssyncadd.s32 $0xFFFFC000  }
0x3b3: {  	_ =	sfence.sel $0x180000  }
0x3b4: {  	[bflag:$0x0] =	sbarrier.arrive $0xFFFF  }
0x3b5: {  	_ =	strace $0x90000047  }
0x3b6: {  	s0 =	stileid.u32;
	[bflag:$0x2] =	sbarrier.arrive $0xFFFF  }
0x3b7: {  	p0 =	sne.s32 s0, $0x0;
	s0 =	rddreg [dreg:$0x3]  }
0x3b8: {  	s0 =	sadd.s32 @!p0 $0x100000, s0  }
0x3b9: {  	[sflag:s0] =	ssyncadd.tile.s32 @!p0 $0x1;
	_ =	shalt  }
.Lfunc_end2:
_tile_overlayer_lowered:
.L_overlay_start_2:
0x3ba: {  	(tag) =	ssettag $0x2  }
0x3bb: {  	s0 =	rddreg [dreg:$0x0];
	s2 =	stileid.u32  }
0x3bc: {  	s1 =	rddreg [dreg:$0x1];
	p0 =	sne.s32 s2, $0x0  }
0x3bd: {  	s3 =	rddreg [dreg:$0x2];
	[bflag:$0x3] =	sbarrier.arrive $0xFFFF;
	s2 =	simm.s32 @!p0 $0x1C07  }
0x3be: {  	[timem:s3], [sflag:s2] =	dma.local @!p0 [hbm:s0], s1  }
0x3bf: {  	s0 =	simm.s32 @!p0 $0x7  }
0x3c0: {  	_ =	swait.ge @!p0 [sflag:s0], s1  }
0x3c1: {  	s1 =	ssub.s32 @!p0 $0x0, s1;
	[sflag:s0] =	ssyncset.done @!p0 $0x0  }
0x3c2: {  	[sflag:s0] =	ssyncadd.s32 @!p0 s1  }
0x3c3: {  	[bflag:$0x3] =	sbarrier.arrive $0xFFFF  }
0x3c4: {  	_ =	shalt  }

</sc_bundles>
